<compile_context>
chip_gen: v7x
topology: tpu7x:2x2x1
jax: 0.10.2.dev20260603
libtpu: 0.0.44.dev20260713+nightly
codegen_flags: <defaults>
</compile_context>

<pallas_src>
import functools
import jax
import jax.numpy as jnp
from jax import lax
from jax.experimental import pallas as pl
from jax.experimental.pallas import tpu as pltpu
from jax.experimental.pallas import tpu_sc as plsc

_ALPHA = 0.5
_T = 4.0
_C = 1000
_CP = 1024
_NEG = -1e30
_B = 4096
_NW = 32
_RPW = _B // _NW
_RB = 8

_R = 8


def _rsum(x):
    return jnp.sum(jnp.sum(x, axis=2, keepdims=True), axis=1, keepdims=True)


def _rmax(x):
    return jnp.max(jnp.max(x, axis=2, keepdims=True), axis=1, keepdims=True)


def _tc_kernel(label_ref, stu_ref, tch_ref, out_ref):
    step = pl.program_id(0)
    isub = lax.broadcasted_iota(jnp.int32, (_R, 8, 128), 1)
    ilane = lax.broadcasted_iota(jnp.int32, (_R, 8, 128), 2)
    iowr = lax.broadcasted_iota(jnp.int32, (_R, 1, 1), 0)
    lane4 = lax.broadcasted_iota(jnp.int32, (1, 1, 4), 2)

    labv = jnp.zeros((_R, 1, 1), jnp.int32)
    for r in range(_R):
        labv = jnp.where(iowr == r, label_ref[step * _R + r], labv)

    stu = stu_ref[...]
    tch = tch_ref[...]
    onehot = (isub == labv // 128) & (ilane == labv % 128)

    m1 = _rmax(stu)
    z1 = _rsum(jnp.exp(stu - m1))
    stu_lab = _rsum(jnp.where(onehot, stu, 0.0))
    ce = stu_lab - m1 - jnp.log(z1)

    zT = _rsum(jnp.exp((stu - m1) / _T))
    logzT = jnp.log(zT)
    L = (stu - m1) / _T - logzT

    m2 = _rmax(tch)
    E = jnp.exp((tch - m2) / _T)
    Z = _rsum(E)
    logp = (tch - m2) / _T - jnp.log(Z)
    plogp = _rsum(E * logp) / Z
    cross0 = _rsum(E * L) / Z
    E_lab = _rsum(jnp.where(onehot, E, 0.0))
    L_lab = _rsum(jnp.where(onehot, L, 0.0))

    partial = plogp - cross0 - (1.0 - E_lab) * L_lab / Z
    m1lz = m1 / _T + logzT

    out_ref[...] = jnp.where(lane4 == 0, ce,
                             jnp.where(lane4 == 1, partial,
                                       jnp.where(lane4 == 2, Z, m1lz)))


def _sc_kernel(tch_hbm, stu_hbm, lab_hbm, s12_hbm,
               tchb, stub, labb, Eb, ka, va, kb, vb, kshift, run, s1b, s2b):
    cid = lax.axis_index("c")
    sid = lax.axis_index("s")
    wid = sid * 2 + cid
    base = wid * _RPW
    pltpu.sync_copy(lab_hbm.at[pl.ds(base, _RPW)], labb)

    def row_body(bi, rr):
        i = _RB * bi + rr

        def mx(j, m):
            m0 = jnp.maximum(m[0], tchb[rr, pl.ds(64 * j, 16)])
            m1_ = jnp.maximum(m[1], tchb[rr, pl.ds(64 * j + 16, 16)])
            m2_ = jnp.maximum(m[2], tchb[rr, pl.ds(64 * j + 32, 16)])
            m3 = jnp.maximum(m[3], tchb[rr, pl.ds(64 * j + 48, 16)])
            return (m0, m1_, m2_, m3)
        mi = jnp.full((16,), _NEG, jnp.float32)
        mt = lax.fori_loop(0, 16, mx, (mi, mi, mi, mi))
        m2 = jnp.max(jnp.maximum(jnp.maximum(mt[0], mt[1]),
                                 jnp.maximum(mt[2], mt[3])))

        def build(j, _):
            for u in range(4):
                o = 64 * j + 16 * u
                t = tchb[rr, pl.ds(o, 16)]
                e = jnp.exp((t - m2) * (1.0 / _T))
                Eb[pl.ds(o, 16)] = e
                ka[pl.ds(o, 16)] = lax.shift_right_logical(
                    plsc.bitcast(e, jnp.int32), 16)
                va[pl.ds(o, 16)] = lax.iota(jnp.int32, 16) + o
            return 0
        lax.fori_loop(0, 16, build, 0)

        for ik, iv, ok, ov, sh, lastp in (
                (ka, va, kb, vb, 0, False),
                (kb, vb, ka, va, 8, True)):
            for q in range(16):
                run[pl.ds(16 * q, 16)] = jnp.zeros((16,), jnp.int32)

            def hist(j, _, ik=ik, sh=sh):
                for u in range(4):
                    o = 64 * j + 16 * u
                    d = lax.shift_right_logical(ik[pl.ds(o, 16)], sh) & 255
                    cnt, lastm = plsc.scan_count(d)
                    plsc.addupdate_scatter(run, [d], cnt, mask=lastm)
                return 0
            lax.fori_loop(0, 16, hist, 0)

            carry = jnp.int32(0)
            for q in range(16):
                h = run[pl.ds(16 * q, 16)]
                inc = plsc.cumsum(h)
                run[pl.ds(16 * q, 16)] = inc - h + carry
                carry = carry + jnp.sum(h)

            def place(j, _, ik=ik, iv=iv, ok=ok, ov=ov, sh=sh, lastp=lastp):
                for u in range(4):
                    o = 64 * j + 16 * u
                    k = ik[pl.ds(o, 16)]
                    v = iv[pl.ds(o, 16)]
                    d = lax.shift_right_logical(k, sh) & 255
                    cnt, lastm = plsc.scan_count(d)
                    dest = plsc.load_gather(run, [d]) + cnt - 1
                    plsc.store_scatter(ok, [dest], k)
                    plsc.store_scatter(ov, [dest], v)
                    if lastp:
                        plsc.store_scatter(kshift, [dest + 1], k)
                    plsc.addupdate_scatter(run, [d], cnt, mask=lastm)
                return 0
            lax.fori_loop(0, 16, place, 0)

        labv = plsc.load_gather(labb, [jnp.zeros((16,), jnp.int32) + i])
        labE = plsc.load_gather(Eb, [labv])
        labkey = lax.shift_right_logical(plsc.bitcast(labE, jnp.int32), 16)

        rridx = jnp.zeros((16,), jnp.int32) + rr

        def dsum(j, acc):
            a1, a2 = acc
            for u in range(4):
                o = 64 * j + 16 * u
                k = ka[pl.ds(o, 16)]
                kp = kshift[pl.ds(o, 16)]
                v = va[pl.ds(o, 16)]
                su = plsc.load_gather(stub, [rridx, v])
                e = plsc.bitcast(lax.shift_left(k, 16), jnp.float32)
                ep = plsc.bitcast(lax.shift_left(kp, 16), jnp.float32)
                de = jnp.where(k > labkey, ep - e, 0.0)
                a1 = a1 + de * su
                a2 = a2 + de
            return a1, a2
        a1, a2 = lax.fori_loop(
            0, 16, dsum,
            (jnp.zeros((16,), jnp.float32), jnp.zeros((16,), jnp.float32)))

        lane0 = lax.iota(jnp.int32, 16) == 0
        idx16 = jnp.zeros((16,), jnp.int32) + i
        plsc.store_scatter(s1b, [idx16],
                           jnp.zeros((16,), jnp.float32) + jnp.sum(a1),
                           mask=lane0)
        plsc.store_scatter(s2b, [idx16],
                           jnp.zeros((16,), jnp.float32) + jnp.sum(a2),
                           mask=lane0)

    def batch_body(bi, _):
        r0 = base + _RB * bi
        pltpu.sync_copy(tch_hbm.at[pl.ds(r0, _RB)], tchb)
        pltpu.sync_copy(stu_hbm.at[pl.ds(r0, _RB)], stub)

        def inner(rr, _):
            row_body(bi, rr)
            return 0
        lax.fori_loop(0, _RB, inner, 0)
        return 0

    lax.fori_loop(0, _RPW // _RB, batch_body, 0)
    pltpu.sync_copy(s1b, s12_hbm.at[0, pl.ds(base, _RPW)])
    pltpu.sync_copy(s2b, s12_hbm.at[1, pl.ds(base, _RPW)])


@jax.jit
def kernel(output_stu, output_tch, label):
    B = output_stu.shape[0]
    pad = _CP - _C
    stu = jnp.pad(output_stu, ((0, 0), (0, pad)), constant_values=_NEG)
    tch = jnp.pad(output_tch, ((0, 0), (0, pad)), constant_values=_NEG)

    mesh = plsc.VectorSubcoreMesh(core_axis_name="c", subcore_axis_name="s")
    sc_call = functools.partial(
        pl.kernel, mesh=mesh,
        compiler_params=pltpu.CompilerParams(needs_layout_passes=False),
        out_type=jax.ShapeDtypeStruct((2, B), jnp.float32),
        scratch_types=[
            pltpu.VMEM((_RB, _CP), jnp.float32),
            pltpu.VMEM((_RB, _CP), jnp.float32),
            pltpu.VMEM((_RPW,), jnp.int32),
            pltpu.VMEM((_CP,), jnp.float32),
            pltpu.VMEM((_CP,), jnp.int32),
            pltpu.VMEM((_CP,), jnp.int32),
            pltpu.VMEM((_CP,), jnp.int32),
            pltpu.VMEM((_CP,), jnp.int32),
            pltpu.VMEM((_CP + 16,), jnp.int32),
            pltpu.VMEM((256,), jnp.int32),
            pltpu.VMEM((_RPW,), jnp.float32),
            pltpu.VMEM((_RPW,), jnp.float32),
        ],
    )(_sc_kernel)
    s12 = sc_call(tch, stu, label)
    s1 = s12[0]
    s2 = s12[1]

    stu3 = stu.reshape(B, 8, 128)
    tch3 = tch.reshape(B, 8, 128)
    grid_spec = pltpu.PrefetchScalarGridSpec(
        num_scalar_prefetch=1,
        grid=(B // _R,),
        in_specs=[
            pl.BlockSpec((_R, 8, 128), lambda i, lab: (i, 0, 0)),
            pl.BlockSpec((_R, 8, 128), lambda i, lab: (i, 0, 0)),
        ],
        out_specs=pl.BlockSpec((_R, 1, 4), lambda i, lab: (i, 0, 0)),
    )
    out = pl.pallas_call(
        _tc_kernel,
        grid_spec=grid_spec,
        out_shape=jax.ShapeDtypeStruct((B, 1, 4), jnp.float32),
    )(label, stu3, tch3)

    ce = out[:, 0, 0]
    partial = out[:, 0, 1]
    Z = out[:, 0, 2]
    m1lz = out[:, 0, 3]
    klrow = partial - (s1 / _T - m1lz * s2) / Z

    loss_stu = -jnp.mean(ce)
    loss_tch = jnp.sum(klrow) / (B * _C) * (_T * _T)
    return loss_stu * (1.0 - _ALPHA) + loss_tch * _ALPHA

# --- scband reference (transcript-rebuilt; emitter-appended) ---
"""Pipeline reference for scband-kdcr-72885595013359 (READ-ONLY COPY).

The authoritative reference and input builder live on the scoring server;
editing this copy changes nothing except your own understanding.
"""

import jax, jax.numpy as jnp
import numpy as np

ALPHA = 0.5
T = 4.0
B = 4096
C = 1000


def setup_inputs(seed: int = 0) -> dict:
    key = jax.random.key(seed)
    k1, k2, k3 = jax.random.split(key, 3)
    output_stu = jax.random.normal(k1, (B, C), dtype=jnp.float32)
    output_tch = jax.random.normal(k2, (B, C), dtype=jnp.float32)
    label = jax.random.randint(k3, (B,), 0, C, dtype=jnp.int32)
    return {"output_stu": output_stu, "output_tch": output_tch, "label": label}


def _correct_row(o, lab):
    # torch: sort descending, cyclically shift sorted values among ranks 0..r
    # so the true-label position receives the max value.
    order = jnp.argsort(-o)          # descending order indices
    s = o[order]                      # sorted (descending) values
    r = jnp.argmax(order == lab)      # rank of the true label
    ks = jnp.arange(o.shape[0])
    s_next = jnp.concatenate([s[1:], s[-1:]])
    # ranks k < r take the value from rank k+1; rank r takes the max (s[0])
    new_sorted = jnp.where(ks < r, s_next, s)
    new_sorted = jnp.where(ks == r, s[0], new_sorted)
    # scatter back: new_row[order[k]] = new_sorted[k]
    new_row = jnp.zeros_like(o).at[order].set(new_sorted)
    return new_row


def reference(output_stu, output_tch, label):
    # teacher correction only on rows where teacher prediction is wrong
    pred = jnp.argmax(output_tch, axis=1)
    mism = pred != label
    corrected = jax.vmap(_correct_row)(output_tch, label)
    tch = jnp.where(mism[:, None], corrected, output_tch)

    # F.cross_entropy(output_stu, label), mean reduction
    ce_logp = jax.nn.log_softmax(output_stu, axis=1)
    loss_stu = -jnp.mean(ce_logp[jnp.arange(output_stu.shape[0]), label])

    # F.kl_div(log_softmax(stu/T), softmax(tch/T)), reduction='mean' (over all elems)
    log_p_stu = jax.nn.log_softmax(output_stu / T, axis=1)
    p_tch = jax.nn.softmax(tch / T, axis=1)
    kl_pt = jnp.where(p_tch > 0,
                      p_tch * (jnp.log(jnp.maximum(p_tch, 1e-38)) - log_p_stu),
                      0.0)
    loss_tch = jnp.mean(kl_pt) * T * T

    return loss_stu * (1.0 - ALPHA) + loss_tch * ALPHA

if __name__ == "__main__":
    import jax
    _d = setup_inputs()
    print(jax.jit(kernel)(*tuple(_d.values())))

</pallas_src>

<mosaic_0001>
#map = affine_map<(d0, d1) -> (0, 0)>
#map1 = affine_map<(d0, d1) -> (0)>
module attributes {stable_mosaic.version = 14 : i64} {
  func.func @_sc_kernel(%arg0: i32, %arg1: i32, %arg2: memref<4096x1024xf32, #tpu.memory_space<hbm>>, %arg3: memref<4096x1024xf32, #tpu.memory_space<hbm>>, %arg4: memref<4096xi32, #tpu.memory_space<hbm>>, %arg5: memref<2x4096xf32, #tpu.memory_space<hbm>>, %arg6: memref<8x1024xf32, #tpu.memory_space<vmem>>, %arg7: memref<8x1024xf32, #tpu.memory_space<vmem>>, %arg8: memref<128xi32, #tpu.memory_space<vmem>>, %arg9: memref<1024xf32, #tpu.memory_space<vmem>>, %arg10: memref<1024xi32, #tpu.memory_space<vmem>>, %arg11: memref<1024xi32, #tpu.memory_space<vmem>>, %arg12: memref<1024xi32, #tpu.memory_space<vmem>>, %arg13: memref<1024xi32, #tpu.memory_space<vmem>>, %arg14: memref<1040xi32, #tpu.memory_space<vmem>>, %arg15: memref<256xi32, #tpu.memory_space<vmem>>, %arg16: memref<128xf32, #tpu.memory_space<vmem>>, %arg17: memref<128xf32, #tpu.memory_space<vmem>>) attributes {dimension_semantics = [#tpu.dimension_semantics<core_parallel>, #tpu.dimension_semantics<subcore_parallel>], iteration_bounds = array<i64: 2, 16>, scalar_prefetch = 0 : i64, scratch_operands = 12 : i64, tpu.core_type = #tpu.core_type<sc_vector_subcore>, window_params = [{transform_indices = #map}, {transform_indices = #map}, {transform_indices = #map1}, {transform_indices = #map}]} {
    %mul3A = arith.constant 2 : i32
    %mul3A_0 = arith.muli %arg1, %mul3A : i32
    %add3A = arith.addi %mul3A_0, %arg0 : i32
    %mul3A_1 = arith.constant 128 : i32
    %mul3A_2 = arith.muli %add3A, %mul3A_1 : i32
    "tpu.region"() ({
      %run_scoped3A_10 = tpu.sem_alloc : memref<!tpu.dma_semaphore, #tpu.memory_space<semaphore_mem>>
      %dma_start3A = tpu.memref_slice %arg4[%mul3A_2] : memref<4096xi32, #tpu.memory_space<hbm>> -> memref<128xi32, #tpu.memory_space<hbm>>
      %dma_start3A_11 = tpu.memref_slice %arg4[%mul3A_2] : memref<4096xi32, #tpu.memory_space<hbm>> -> memref<128xi32, #tpu.memory_space<hbm>>
      tpu.enqueue_dma source(%dma_start3A_11 : memref<128xi32, #tpu.memory_space<hbm>>) target(%arg8 : memref<128xi32, #tpu.memory_space<vmem>>) target_semaphore(%run_scoped3A_10 : memref<!tpu.dma_semaphore, #tpu.memory_space<semaphore_mem>>)
      %dma_wait3A = tpu.memref_slice %arg4[%mul3A_2] : memref<4096xi32, #tpu.memory_space<hbm>> -> memref<128xi32, #tpu.memory_space<hbm>>
      %dma_wait3A_12 = tpu.memref_slice %arg4[%mul3A_2] : memref<4096xi32, #tpu.memory_space<hbm>> -> memref<128xi32, #tpu.memory_space<hbm>>
      tpu.wait_dma2 semaphore(%run_scoped3A_10 : memref<!tpu.dma_semaphore, #tpu.memory_space<semaphore_mem>>) src(%dma_wait3A_12 : memref<128xi32, #tpu.memory_space<hbm>>) dst(%arg8 : memref<128xi32, #tpu.memory_space<vmem>>)
      tpu.yield
    }) : () -> ()
    %scan3A = arith.constant 0 : i32
    %scan3A_3 = arith.constant 0 : i32
    %scan3A_4 = arith.constant 16 : i32
    %scan3A_5 = arith.addi %scan3A_3, %scan3A_4 : i32
    %scan3A_6 = arith.constant 1 : i32
    %scan3A_7 = scf.for %scan3A_10 = %scan3A_3 to %scan3A_5 step %scan3A_6 iter_args(%scan3A_11 = %scan3A) -> (i32)  : i32 {
      %mul3A_12 = arith.constant 8 : i32
      %mul3A_13 = arith.muli %mul3A_12, %scan3A_10 : i32
      %add3A_14 = arith.addi %mul3A_2, %mul3A_13 : i32
      "tpu.region"() ({
        %run_scoped3A_23 = tpu.sem_alloc : memref<!tpu.dma_semaphore, #tpu.memory_space<semaphore_mem>>
        %dma_start3A = arith.constant 0 : i32
        %dma_start3A_24 = tpu.memref_slice %arg2[%add3A_14, %dma_start3A] : memref<4096x1024xf32, #tpu.memory_space<hbm>> -> memref<8x1024xf32, #tpu.memory_space<hbm>>
        %dma_start3A_25 = arith.constant 0 : i32
        %dma_start3A_26 = tpu.memref_slice %arg2[%add3A_14, %dma_start3A_25] : memref<4096x1024xf32, #tpu.memory_space<hbm>> -> memref<8x1024xf32, #tpu.memory_space<hbm>>
        tpu.enqueue_dma source(%dma_start3A_26 : memref<8x1024xf32, #tpu.memory_space<hbm>>) target(%arg6 : memref<8x1024xf32, #tpu.memory_space<vmem>>) target_semaphore(%run_scoped3A_23 : memref<!tpu.dma_semaphore, #tpu.memory_space<semaphore_mem>>)
        %dma_wait3A = arith.constant 0 : i32
        %dma_wait3A_27 = tpu.memref_slice %arg2[%add3A_14, %dma_wait3A] : memref<4096x1024xf32, #tpu.memory_space<hbm>> -> memref<8x1024xf32, #tpu.memory_space<hbm>>
        %dma_wait3A_28 = arith.constant 0 : i32
        %dma_wait3A_29 = tpu.memref_slice %arg2[%add3A_14, %dma_wait3A_28] : memref<4096x1024xf32, #tpu.memory_space<hbm>> -> memref<8x1024xf32, #tpu.memory_space<hbm>>
        tpu.wait_dma2 semaphore(%run_scoped3A_23 : memref<!tpu.dma_semaphore, #tpu.memory_space<semaphore_mem>>) src(%dma_wait3A_29 : memref<8x1024xf32, #tpu.memory_space<hbm>>) dst(%arg6 : memref<8x1024xf32, #tpu.memory_space<vmem>>)
        tpu.yield
      }) : () -> ()
      "tpu.region"() ({
        %run_scoped3A_23 = tpu.sem_alloc : memref<!tpu.dma_semaphore, #tpu.memory_space<semaphore_mem>>
        %dma_start3A = arith.constant 0 : i32
        %dma_start3A_24 = tpu.memref_slice %arg3[%add3A_14, %dma_start3A] : memref<4096x1024xf32, #tpu.memory_space<hbm>> -> memref<8x1024xf32, #tpu.memory_space<hbm>>
        %dma_start3A_25 = arith.constant 0 : i32
        %dma_start3A_26 = tpu.memref_slice %arg3[%add3A_14, %dma_start3A_25] : memref<4096x1024xf32, #tpu.memory_space<hbm>> -> memref<8x1024xf32, #tpu.memory_space<hbm>>
        tpu.enqueue_dma source(%dma_start3A_26 : memref<8x1024xf32, #tpu.memory_space<hbm>>) target(%arg7 : memref<8x1024xf32, #tpu.memory_space<vmem>>) target_semaphore(%run_scoped3A_23 : memref<!tpu.dma_semaphore, #tpu.memory_space<semaphore_mem>>)
        %dma_wait3A = arith.constant 0 : i32
        %dma_wait3A_27 = tpu.memref_slice %arg3[%add3A_14, %dma_wait3A] : memref<4096x1024xf32, #tpu.memory_space<hbm>> -> memref<8x1024xf32, #tpu.memory_space<hbm>>
        %dma_wait3A_28 = arith.constant 0 : i32
        %dma_wait3A_29 = tpu.memref_slice %arg3[%add3A_14, %dma_wait3A_28] : memref<4096x1024xf32, #tpu.memory_space<hbm>> -> memref<8x1024xf32, #tpu.memory_space<hbm>>
        tpu.wait_dma2 semaphore(%run_scoped3A_23 : memref<!tpu.dma_semaphore, #tpu.memory_space<semaphore_mem>>) src(%dma_wait3A_29 : memref<8x1024xf32, #tpu.memory_space<hbm>>) dst(%arg7 : memref<8x1024xf32, #tpu.memory_space<vmem>>)
        tpu.yield
      }) : () -> ()
      %scan3A_15 = arith.constant 0 : i32
      %scan3A_16 = arith.constant 0 : i32
      %scan3A_17 = arith.constant 8 : i32
      %scan3A_18 = arith.addi %scan3A_16, %scan3A_17 : i32
      %scan3A_19 = arith.constant 1 : i32
      %scan3A_20 = scf.for %scan3A_23 = %scan3A_16 to %scan3A_18 step %scan3A_19 iter_args(%scan3A_24 = %scan3A_15) -> (i32)  : i32 {
        %mul3A_25 = arith.constant 8 : i32
        %mul3A_26 = arith.muli %mul3A_25, %scan3A_10 : i32
        %add3A_27 = arith.addi %mul3A_26, %scan3A_23 : i32
        %broadcast_in_dim3A = arith.constant -1.000000e+30 : f32
        %broadcast_in_dim3A_28 = vector.broadcast %broadcast_in_dim3A : f32 to vector<16xf32>
        %scan3A_29 = arith.constant 0 : i32
        %scan3A_30 = arith.constant 16 : i32
        %scan3A_31 = arith.addi %scan3A_29, %scan3A_30 : i32
        %scan3A_32 = arith.constant 1 : i32
        %scan3A_33:4 = scf.for %scan3A_726 = %scan3A_29 to %scan3A_31 step %scan3A_32 iter_args(%scan3A_727 = %broadcast_in_dim3A_28, %scan3A_728 = %broadcast_in_dim3A_28, %scan3A_729 = %broadcast_in_dim3A_28, %scan3A_730 = %broadcast_in_dim3A_28) -> (vector<16xf32>, vector<16xf32>, vector<16xf32>, vector<16xf32>)  : i32 {
          %mul3A_731 = arith.constant 64 : i32
          %mul3A_732 = arith.muli %mul3A_731, %scan3A_726 : i32
          %get3A_733 = arith.index_cast %scan3A_23 : i32 to index
          %get3A_734 = arith.index_cast %mul3A_732 : i32 to index
          %get3A_735 = tpu.vector_load %arg6[%get3A_733, %get3A_734] {strides = array<i32>} : memref<8x1024xf32, #tpu.memory_space<vmem>>, vector<16xf32>,
          %max3A_736 = arith.maximumf %scan3A_727, %get3A_735 : vector<16xf32>
          %mul3A_737 = arith.constant 64 : i32
          %mul3A_738 = arith.muli %mul3A_737, %scan3A_726 : i32
          %add3A_739 = arith.constant 16 : i32
          %add3A_740 = arith.addi %mul3A_738, %add3A_739 : i32
          %get3A_741 = arith.index_cast %scan3A_23 : i32 to index
          %get3A_742 = arith.index_cast %add3A_740 : i32 to index
          %get3A_743 = tpu.vector_load %arg6[%get3A_741, %get3A_742] {strides = array<i32>} : memref<8x1024xf32, #tpu.memory_space<vmem>>, vector<16xf32>,
          %max3A_744 = arith.maximumf %scan3A_728, %get3A_743 : vector<16xf32>
          %mul3A_745 = arith.constant 64 : i32
          %mul3A_746 = arith.muli %mul3A_745, %scan3A_726 : i32
          %add3A_747 = arith.constant 32 : i32
          %add3A_748 = arith.addi %mul3A_746, %add3A_747 : i32
          %get3A_749 = arith.index_cast %scan3A_23 : i32 to index
          %get3A_750 = arith.index_cast %add3A_748 : i32 to index
          %get3A_751 = tpu.vector_load %arg6[%get3A_749, %get3A_750] {strides = array<i32>} : memref<8x1024xf32, #tpu.memory_space<vmem>>, vector<16xf32>,
          %max3A_752 = arith.maximumf %scan3A_729, %get3A_751 : vector<16xf32>
          %mul3A_753 = arith.constant 64 : i32
          %mul3A_754 = arith.muli %mul3A_753, %scan3A_726 : i32
          %add3A_755 = arith.constant 48 : i32
          %add3A_756 = arith.addi %mul3A_754, %add3A_755 : i32
          %get3A_757 = arith.index_cast %scan3A_23 : i32 to index
          %get3A_758 = arith.index_cast %add3A_756 : i32 to index
          %get3A_759 = tpu.vector_load %arg6[%get3A_757, %get3A_758] {strides = array<i32>} : memref<8x1024xf32, #tpu.memory_space<vmem>>, vector<16xf32>,
          %max3A_760 = arith.maximumf %scan3A_730, %get3A_759 : vector<16xf32>
          scf.yield %max3A_736, %max3A_744, %max3A_752, %max3A_760 : vector<16xf32>, vector<16xf32>, vector<16xf32>, vector<16xf32>
        }
        %scan3A_34 = arith.constant 16 : i32
        %max3A = arith.maximumf %scan3A_33#0, %scan3A_33#1 : vector<16xf32>
        %max3A_35 = arith.maximumf %scan3A_33#2, %scan3A_33#3 : vector<16xf32>
        %max3A_36 = arith.maximumf %max3A, %max3A_35 : vector<16xf32>
        %reduce_max3A = arith.constant true
        %reduce_max3A_37 = vector.broadcast %reduce_max3A : i1 to vector<16xi1>
        %reduce_max3A_38 = tpu.scan <max>, %max3A_36 masked %reduce_max3A_37 : vector<16xf32>, vector<16xi1> -> vector<16xf32>
        %reduce_max3A_39 = vector.extract %reduce_max3A_38[15] : f32 from vector<16xf32>
        %scan3A_40 = arith.constant 0 : i32
        %scan3A_41 = arith.constant 0 : i32
        %scan3A_42 = arith.constant 16 : i32
        %scan3A_43 = arith.addi %scan3A_41, %scan3A_42 : i32
        %scan3A_44 = arith.constant 1 : i32
        %scan3A_45 = scf.for %scan3A_726 = %scan3A_41 to %scan3A_43 step %scan3A_44 iter_args(%scan3A_727 = %scan3A_40) -> (i32)  : i32 {
          %mul3A_728 = arith.constant 64 : i32
          %mul3A_729 = arith.muli %mul3A_728, %scan3A_726 : i32
          %add3A_730 = arith.constant 0 : i32
          %add3A_731 = arith.addi %mul3A_729, %add3A_730 : i32
          %get3A_732 = arith.index_cast %scan3A_23 : i32 to index
          %get3A_733 = arith.index_cast %add3A_731 : i32 to index
          %get3A_734 = tpu.vector_load %arg6[%get3A_732, %get3A_733] {strides = array<i32>} : memref<8x1024xf32, #tpu.memory_space<vmem>>, vector<16xf32>,
          %sub3A_735 = vector.broadcast %reduce_max3A_39 : f32 to vector<16xf32>
          %sub3A_736 = arith.subf %get3A_734, %sub3A_735 : vector<16xf32>
          %mul3A_737 = arith.constant 2.500000e-01 : f32
          %mul3A_738 = vector.broadcast %mul3A_737 : f32 to vector<16xf32>
          %mul3A_739 = arith.mulf %sub3A_736, %mul3A_738 : vector<16xf32>
          %exp3A = math.exp %mul3A_739 : vector<16xf32>
          %swap3A_740 = arith.index_cast %add3A_731 : i32 to index
          %swap3A_741 = tpu.vector_load %arg9[%swap3A_740] {strides = array<i32>} : memref<1024xf32, #tpu.memory_space<vmem>>, vector<16xf32>,
          tpu.vector_store %arg9[%swap3A_740], %exp3A {strides = array<i32>} : memref<1024xf32, #tpu.memory_space<vmem>>, vector<16xf32>,
          %bitcast3A_742 = vector.bitcast %exp3A : vector<16xf32> to vector<16xi32>
          %shift_right_logical3A_743 = arith.constant 16 : i32
          %shift_right_logical3A_744 = vector.broadcast %shift_right_logical3A_743 : i32 to vector<16xi32>
          %shift_right_logical3A_745 = arith.shrui %bitcast3A_742, %shift_right_logical3A_744 : vector<16xi32>
          %swap3A_746 = arith.index_cast %add3A_731 : i32 to index
          %swap3A_747 = tpu.vector_load %arg10[%swap3A_746] {strides = array<i32>} : memref<1024xi32, #tpu.memory_space<vmem>>, vector<16xi32>,
          tpu.vector_store %arg10[%swap3A_746], %shift_right_logical3A_745 {strides = array<i32>} : memref<1024xi32, #tpu.memory_space<vmem>>, vector<16xi32>,
          %iota3A_748 = tpu.iota {dimensions = array<i32: 0>} : vector<16xi32>
          %add3A_749 = vector.broadcast %add3A_731 : i32 to vector<16xi32>
          %add3A_750 = arith.addi %iota3A_748, %add3A_749 : vector<16xi32>
          %swap3A_751 = arith.index_cast %add3A_731 : i32 to index
          %swap3A_752 = tpu.vector_load %arg11[%swap3A_751] {strides = array<i32>} : memref<1024xi32, #tpu.memory_space<vmem>>, vector<16xi32>,
          tpu.vector_store %arg11[%swap3A_751], %add3A_750 {strides = array<i32>} : memref<1024xi32, #tpu.memory_space<vmem>>, vector<16xi32>,
          %mul3A_753 = arith.constant 64 : i32
          %mul3A_754 = arith.muli %mul3A_753, %scan3A_726 : i32
          %add3A_755 = arith.constant 16 : i32
          %add3A_756 = arith.addi %mul3A_754, %add3A_755 : i32
          %get3A_757 = arith.index_cast %scan3A_23 : i32 to index
          %get3A_758 = arith.index_cast %add3A_756 : i32 to index
          %get3A_759 = tpu.vector_load %arg6[%get3A_757, %get3A_758] {strides = array<i32>} : memref<8x1024xf32, #tpu.memory_space<vmem>>, vector<16xf32>,
          %sub3A_760 = vector.broadcast %reduce_max3A_39 : f32 to vector<16xf32>
          %sub3A_761 = arith.subf %get3A_759, %sub3A_760 : vector<16xf32>
          %mul3A_762 = arith.constant 2.500000e-01 : f32
          %mul3A_763 = vector.broadcast %mul3A_762 : f32 to vector<16xf32>
          %mul3A_764 = arith.mulf %sub3A_761, %mul3A_763 : vector<16xf32>
          %exp3A_765 = math.exp %mul3A_764 : vector<16xf32>
          %swap3A_766 = arith.index_cast %add3A_756 : i32 to index
          %swap3A_767 = tpu.vector_load %arg9[%swap3A_766] {strides = array<i32>} : memref<1024xf32, #tpu.memory_space<vmem>>, vector<16xf32>,
          tpu.vector_store %arg9[%swap3A_766], %exp3A_765 {strides = array<i32>} : memref<1024xf32, #tpu.memory_space<vmem>>, vector<16xf32>,
          %bitcast3A_768 = vector.bitcast %exp3A_765 : vector<16xf32> to vector<16xi32>
          %shift_right_logical3A_769 = arith.constant 16 : i32
          %shift_right_logical3A_770 = vector.broadcast %shift_right_logical3A_769 : i32 to vector<16xi32>
          %shift_right_logical3A_771 = arith.shrui %bitcast3A_768, %shift_right_logical3A_770 : vector<16xi32>
          %swap3A_772 = arith.index_cast %add3A_756 : i32 to index
          %swap3A_773 = tpu.vector_load %arg10[%swap3A_772] {strides = array<i32>} : memref<1024xi32, #tpu.memory_space<vmem>>, vector<16xi32>,
          tpu.vector_store %arg10[%swap3A_772], %shift_right_logical3A_771 {strides = array<i32>} : memref<1024xi32, #tpu.memory_space<vmem>>, vector<16xi32>,
          %iota3A_774 = tpu.iota {dimensions = array<i32: 0>} : vector<16xi32>
          %add3A_775 = vector.broadcast %add3A_756 : i32 to vector<16xi32>
          %add3A_776 = arith.addi %iota3A_774, %add3A_775 : vector<16xi32>
          %swap3A_777 = arith.index_cast %add3A_756 : i32 to index
          %swap3A_778 = tpu.vector_load %arg11[%swap3A_777] {strides = array<i32>} : memref<1024xi32, #tpu.memory_space<vmem>>, vector<16xi32>,
          tpu.vector_store %arg11[%swap3A_777], %add3A_776 {strides = array<i32>} : memref<1024xi32, #tpu.memory_space<vmem>>, vector<16xi32>,
          %mul3A_779 = arith.constant 64 : i32
          %mul3A_780 = arith.muli %mul3A_779, %scan3A_726 : i32
          %add3A_781 = arith.constant 32 : i32
          %add3A_782 = arith.addi %mul3A_780, %add3A_781 : i32
          %get3A_783 = arith.index_cast %scan3A_23 : i32 to index
          %get3A_784 = arith.index_cast %add3A_782 : i32 to index
          %get3A_785 = tpu.vector_load %arg6[%get3A_783, %get3A_784] {strides = array<i32>} : memref<8x1024xf32, #tpu.memory_space<vmem>>, vector<16xf32>,
          %sub3A_786 = vector.broadcast %reduce_max3A_39 : f32 to vector<16xf32>
          %sub3A_787 = arith.subf %get3A_785, %sub3A_786 : vector<16xf32>
          %mul3A_788 = arith.constant 2.500000e-01 : f32
          %mul3A_789 = vector.broadcast %mul3A_788 : f32 to vector<16xf32>
          %mul3A_790 = arith.mulf %sub3A_787, %mul3A_789 : vector<16xf32>
          %exp3A_791 = math.exp %mul3A_790 : vector<16xf32>
          %swap3A_792 = arith.index_cast %add3A_782 : i32 to index
          %swap3A_793 = tpu.vector_load %arg9[%swap3A_792] {strides = array<i32>} : memref<1024xf32, #tpu.memory_space<vmem>>, vector<16xf32>,
          tpu.vector_store %arg9[%swap3A_792], %exp3A_791 {strides = array<i32>} : memref<1024xf32, #tpu.memory_space<vmem>>, vector<16xf32>,
          %bitcast3A_794 = vector.bitcast %exp3A_791 : vector<16xf32> to vector<16xi32>
          %shift_right_logical3A_795 = arith.constant 16 : i32
          %shift_right_logical3A_796 = vector.broadcast %shift_right_logical3A_795 : i32 to vector<16xi32>
          %shift_right_logical3A_797 = arith.shrui %bitcast3A_794, %shift_right_logical3A_796 : vector<16xi32>
          %swap3A_798 = arith.index_cast %add3A_782 : i32 to index
          %swap3A_799 = tpu.vector_load %arg10[%swap3A_798] {strides = array<i32>} : memref<1024xi32, #tpu.memory_space<vmem>>, vector<16xi32>,
          tpu.vector_store %arg10[%swap3A_798], %shift_right_logical3A_797 {strides = array<i32>} : memref<1024xi32, #tpu.memory_space<vmem>>, vector<16xi32>,
          %iota3A_800 = tpu.iota {dimensions = array<i32: 0>} : vector<16xi32>
          %add3A_801 = vector.broadcast %add3A_782 : i32 to vector<16xi32>
          %add3A_802 = arith.addi %iota3A_800, %add3A_801 : vector<16xi32>
          %swap3A_803 = arith.index_cast %add3A_782 : i32 to index
          %swap3A_804 = tpu.vector_load %arg11[%swap3A_803] {strides = array<i32>} : memref<1024xi32, #tpu.memory_space<vmem>>, vector<16xi32>,
          tpu.vector_store %arg11[%swap3A_803], %add3A_802 {strides = array<i32>} : memref<1024xi32, #tpu.memory_space<vmem>>, vector<16xi32>,
          %mul3A_805 = arith.constant 64 : i32
          %mul3A_806 = arith.muli %mul3A_805, %scan3A_726 : i32
          %add3A_807 = arith.constant 48 : i32
          %add3A_808 = arith.addi %mul3A_806, %add3A_807 : i32
          %get3A_809 = arith.index_cast %scan3A_23 : i32 to index
          %get3A_810 = arith.index_cast %add3A_808 : i32 to index
          %get3A_811 = tpu.vector_load %arg6[%get3A_809, %get3A_810] {strides = array<i32>} : memref<8x1024xf32, #tpu.memory_space<vmem>>, vector<16xf32>,
          %sub3A_812 = vector.broadcast %reduce_max3A_39 : f32 to vector<16xf32>
          %sub3A_813 = arith.subf %get3A_811, %sub3A_812 : vector<16xf32>
          %mul3A_814 = arith.constant 2.500000e-01 : f32
          %mul3A_815 = vector.broadcast %mul3A_814 : f32 to vector<16xf32>
          %mul3A_816 = arith.mulf %sub3A_813, %mul3A_815 : vector<16xf32>
          %exp3A_817 = math.exp %mul3A_816 : vector<16xf32>
          %swap3A_818 = arith.index_cast %add3A_808 : i32 to index
          %swap3A_819 = tpu.vector_load %arg9[%swap3A_818] {strides = array<i32>} : memref<1024xf32, #tpu.memory_space<vmem>>, vector<16xf32>,
          tpu.vector_store %arg9[%swap3A_818], %exp3A_817 {strides = array<i32>} : memref<1024xf32, #tpu.memory_space<vmem>>, vector<16xf32>,
          %bitcast3A_820 = vector.bitcast %exp3A_817 : vector<16xf32> to vector<16xi32>
          %shift_right_logical3A_821 = arith.constant 16 : i32
          %shift_right_logical3A_822 = vector.broadcast %shift_right_logical3A_821 : i32 to vector<16xi32>
          %shift_right_logical3A_823 = arith.shrui %bitcast3A_820, %shift_right_logical3A_822 : vector<16xi32>
          %swap3A_824 = arith.index_cast %add3A_808 : i32 to index
          %swap3A_825 = tpu.vector_load %arg10[%swap3A_824] {strides = array<i32>} : memref<1024xi32, #tpu.memory_space<vmem>>, vector<16xi32>,
          tpu.vector_store %arg10[%swap3A_824], %shift_right_logical3A_823 {strides = array<i32>} : memref<1024xi32, #tpu.memory_space<vmem>>, vector<16xi32>,
          %iota3A_826 = tpu.iota {dimensions = array<i32: 0>} : vector<16xi32>
          %add3A_827 = vector.broadcast %add3A_808 : i32 to vector<16xi32>
          %add3A_828 = arith.addi %iota3A_826, %add3A_827 : vector<16xi32>
          %swap3A_829 = arith.index_cast %add3A_808 : i32 to index
          %swap3A_830 = tpu.vector_load %arg11[%swap3A_829] {strides = array<i32>} : memref<1024xi32, #tpu.memory_space<vmem>>, vector<16xi32>,
          tpu.vector_store %arg11[%swap3A_829], %add3A_828 {strides = array<i32>} : memref<1024xi32, #tpu.memory_space<vmem>>, vector<16xi32>,
          %scan3A_831 = arith.constant 0 : i32
          scf.yield %scan3A_831 : i32
        }
        %scan3A_46 = arith.constant 16 : i32
        %broadcast_in_dim3A_47 = arith.constant 0 : i32
        %broadcast_in_dim3A_48 = vector.broadcast %broadcast_in_dim3A_47 : i32 to vector<16xi32>
        %swap3A = arith.constant 0 : index
        %swap3A_49 = tpu.vector_load %arg15[%swap3A] {strides = array<i32>} : memref<256xi32, #tpu.memory_space<vmem>>, vector<16xi32>,
        tpu.vector_store %arg15[%swap3A], %broadcast_in_dim3A_48 {strides = array<i32>} : memref<256xi32, #tpu.memory_space<vmem>>, vector<16xi32>,
        %broadcast_in_dim3A_50 = arith.constant 0 : i32
        %broadcast_in_dim3A_51 = vector.broadcast %broadcast_in_dim3A_50 : i32 to vector<16xi32>
        %swap3A_52 = arith.constant 16 : index
        %swap3A_53 = tpu.vector_load %arg15[%swap3A_52] {strides = array<i32>} : memref<256xi32, #tpu.memory_space<vmem>>, vector<16xi32>,
        tpu.vector_store %arg15[%swap3A_52], %broadcast_in_dim3A_51 {strides = array<i32>} : memref<256xi32, #tpu.memory_space<vmem>>, vector<16xi32>,
        %broadcast_in_dim3A_54 = arith.constant 0 : i32
        %broadcast_in_dim3A_55 = vector.broadcast %broadcast_in_dim3A_54 : i32 to vector<16xi32>
        %swap3A_56 = arith.constant 32 : index
        %swap3A_57 = tpu.vector_load %arg15[%swap3A_56] {strides = array<i32>} : memref<256xi32, #tpu.memory_space<vmem>>, vector<16xi32>,
        tpu.vector_store %arg15[%swap3A_56], %broadcast_in_dim3A_55 {strides = array<i32>} : memref<256xi32, #tpu.memory_space<vmem>>, vector<16xi32>,
        %broadcast_in_dim3A_58 = arith.constant 0 : i32
        %broadcast_in_dim3A_59 = vector.broadcast %broadcast_in_dim3A_58 : i32 to vector<16xi32>
        %swap3A_60 = arith.constant 48 : index
        %swap3A_61 = tpu.vector_load %arg15[%swap3A_60] {strides = array<i32>} : memref<256xi32, #tpu.memory_space<vmem>>, vector<16xi32>,
        tpu.vector_store %arg15[%swap3A_60], %broadcast_in_dim3A_59 {strides = array<i32>} : memref<256xi32, #tpu.memory_space<vmem>>, vector<16xi32>,
        %broadcast_in_dim3A_62 = arith.constant 0 : i32
        %broadcast_in_dim3A_63 = vector.broadcast %broadcast_in_dim3A_62 : i32 to vector<16xi32>
        %swap3A_64 = arith.constant 64 : index
        %swap3A_65 = tpu.vector_load %arg15[%swap3A_64] {strides = array<i32>} : memref<256xi32, #tpu.memory_space<vmem>>, vector<16xi32>,
        tpu.vector_store %arg15[%swap3A_64], %broadcast_in_dim3A_63 {strides = array<i32>} : memref<256xi32, #tpu.memory_space<vmem>>, vector<16xi32>,
        %broadcast_in_dim3A_66 = arith.constant 0 : i32
        %broadcast_in_dim3A_67 = vector.broadcast %broadcast_in_dim3A_66 : i32 to vector<16xi32>
        %swap3A_68 = arith.constant 80 : index
        %swap3A_69 = tpu.vector_load %arg15[%swap3A_68] {strides = array<i32>} : memref<256xi32, #tpu.memory_space<vmem>>, vector<16xi32>,
        tpu.vector_store %arg15[%swap3A_68], %broadcast_in_dim3A_67 {strides = array<i32>} : memref<256xi32, #tpu.memory_space<vmem>>, vector<16xi32>,
        %broadcast_in_dim3A_70 = arith.constant 0 : i32
        %broadcast_in_dim3A_71 = vector.broadcast %broadcast_in_dim3A_70 : i32 to vector<16xi32>
        %swap3A_72 = arith.constant 96 : index
        %swap3A_73 = tpu.vector_load %arg15[%swap3A_72] {strides = array<i32>} : memref<256xi32, #tpu.memory_space<vmem>>, vector<16xi32>,
        tpu.vector_store %arg15[%swap3A_72], %broadcast_in_dim3A_71 {strides = array<i32>} : memref<256xi32, #tpu.memory_space<vmem>>, vector<16xi32>,
        %broadcast_in_dim3A_74 = arith.constant 0 : i32
        %broadcast_in_dim3A_75 = vector.broadcast %broadcast_in_dim3A_74 : i32 to vector<16xi32>
        %swap3A_76 = arith.constant 112 : index
        %swap3A_77 = tpu.vector_load %arg15[%swap3A_76] {strides = array<i32>} : memref<256xi32, #tpu.memory_space<vmem>>, vector<16xi32>,
        tpu.vector_store %arg15[%swap3A_76], %broadcast_in_dim3A_75 {strides = array<i32>} : memref<256xi32, #tpu.memory_space<vmem>>, vector<16xi32>,
        %broadcast_in_dim3A_78 = arith.constant 0 : i32
        %broadcast_in_dim3A_79 = vector.broadcast %broadcast_in_dim3A_78 : i32 to vector<16xi32>
        %swap3A_80 = arith.constant 128 : index
        %swap3A_81 = tpu.vector_load %arg15[%swap3A_80] {strides = array<i32>} : memref<256xi32, #tpu.memory_space<vmem>>, vector<16xi32>,
        tpu.vector_store %arg15[%swap3A_80], %broadcast_in_dim3A_79 {strides = array<i32>} : memref<256xi32, #tpu.memory_space<vmem>>, vector<16xi32>,
        %broadcast_in_dim3A_82 = arith.constant 0 : i32
        %broadcast_in_dim3A_83 = vector.broadcast %broadcast_in_dim3A_82 : i32 to vector<16xi32>
        %swap3A_84 = arith.constant 144 : index
        %swap3A_85 = tpu.vector_load %arg15[%swap3A_84] {strides = array<i32>} : memref<256xi32, #tpu.memory_space<vmem>>, vector<16xi32>,
        tpu.vector_store %arg15[%swap3A_84], %broadcast_in_dim3A_83 {strides = array<i32>} : memref<256xi32, #tpu.memory_space<vmem>>, vector<16xi32>,
        %broadcast_in_dim3A_86 = arith.constant 0 : i32
        %broadcast_in_dim3A_87 = vector.broadcast %broadcast_in_dim3A_86 : i32 to vector<16xi32>
        %swap3A_88 = arith.constant 160 : index
        %swap3A_89 = tpu.vector_load %arg15[%swap3A_88] {strides = array<i32>} : memref<256xi32, #tpu.memory_space<vmem>>, vector<16xi32>,
        tpu.vector_store %arg15[%swap3A_88], %broadcast_in_dim3A_87 {strides = array<i32>} : memref<256xi32, #tpu.memory_space<vmem>>, vector<16xi32>,
        %broadcast_in_dim3A_90 = arith.constant 0 : i32
        %broadcast_in_dim3A_91 = vector.broadcast %broadcast_in_dim3A_90 : i32 to vector<16xi32>
        %swap3A_92 = arith.constant 176 : index
        %swap3A_93 = tpu.vector_load %arg15[%swap3A_92] {strides = array<i32>} : memref<256xi32, #tpu.memory_space<vmem>>, vector<16xi32>,
        tpu.vector_store %arg15[%swap3A_92], %broadcast_in_dim3A_91 {strides = array<i32>} : memref<256xi32, #tpu.memory_space<vmem>>, vector<16xi32>,
        %broadcast_in_dim3A_94 = arith.constant 0 : i32
        %broadcast_in_dim3A_95 = vector.broadcast %broadcast_in_dim3A_94 : i32 to vector<16xi32>
        %swap3A_96 = arith.constant 192 : index
        %swap3A_97 = tpu.vector_load %arg15[%swap3A_96] {strides = array<i32>} : memref<256xi32, #tpu.memory_space<vmem>>, vector<16xi32>,
        tpu.vector_store %arg15[%swap3A_96], %broadcast_in_dim3A_95 {strides = array<i32>} : memref<256xi32, #tpu.memory_space<vmem>>, vector<16xi32>,
        %broadcast_in_dim3A_98 = arith.constant 0 : i32
        %broadcast_in_dim3A_99 = vector.broadcast %broadcast_in_dim3A_98 : i32 to vector<16xi32>
        %swap3A_100 = arith.constant 208 : index
        %swap3A_101 = tpu.vector_load %arg15[%swap3A_100] {strides = array<i32>} : memref<256xi32, #tpu.memory_space<vmem>>, vector<16xi32>,
        tpu.vector_store %arg15[%swap3A_100], %broadcast_in_dim3A_99 {strides = array<i32>} : memref<256xi32, #tpu.memory_space<vmem>>, vector<16xi32>,
        %broadcast_in_dim3A_102 = arith.constant 0 : i32
        %broadcast_in_dim3A_103 = vector.broadcast %broadcast_in_dim3A_102 : i32 to vector<16xi32>
        %swap3A_104 = arith.constant 224 : index
        %swap3A_105 = tpu.vector_load %arg15[%swap3A_104] {strides = array<i32>} : memref<256xi32, #tpu.memory_space<vmem>>, vector<16xi32>,
        tpu.vector_store %arg15[%swap3A_104], %broadcast_in_dim3A_103 {strides = array<i32>} : memref<256xi32, #tpu.memory_space<vmem>>, vector<16xi32>,
        %broadcast_in_dim3A_106 = arith.constant 0 : i32
        %broadcast_in_dim3A_107 = vector.broadcast %broadcast_in_dim3A_106 : i32 to vector<16xi32>
        %swap3A_108 = arith.constant 240 : index
        %swap3A_109 = tpu.vector_load %arg15[%swap3A_108] {strides = array<i32>} : memref<256xi32, #tpu.memory_space<vmem>>, vector<16xi32>,
        tpu.vector_store %arg15[%swap3A_108], %broadcast_in_dim3A_107 {strides = array<i32>} : memref<256xi32, #tpu.memory_space<vmem>>, vector<16xi32>,
        %scan3A_110 = arith.constant 0 : i32
        %scan3A_111 = arith.constant 0 : i32
        %scan3A_112 = arith.constant 16 : i32
        %scan3A_113 = arith.addi %scan3A_111, %scan3A_112 : i32
        %scan3A_114 = arith.constant 1 : i32
        %scan3A_115 = scf.for %scan3A_726 = %scan3A_111 to %scan3A_113 step %scan3A_114 iter_args(%scan3A_727 = %scan3A_110) -> (i32)  : i32 {
          %mul3A_728 = arith.constant 64 : i32
          %mul3A_729 = arith.muli %mul3A_728, %scan3A_726 : i32
          %add3A_730 = arith.constant 0 : i32
          %add3A_731 = arith.addi %mul3A_729, %add3A_730 : i32
          %get3A_732 = arith.index_cast %add3A_731 : i32 to index
          %get3A_733 = tpu.vector_load %arg10[%get3A_732] {strides = array<i32>} : memref<1024xi32, #tpu.memory_space<vmem>>, vector<16xi32>,
          %shift_right_logical3A_734 = arith.constant 0 : i32
          %shift_right_logical3A_735 = vector.broadcast %shift_right_logical3A_734 : i32 to vector<16xi32>
          %shift_right_logical3A_736 = arith.shrui %get3A_733, %shift_right_logical3A_735 : vector<16xi32>
          %and3A = arith.constant 255 : i32
          %and3A_737 = vector.broadcast %and3A : i32 to vector<16xi32>
          %and3A_738 = arith.andi %shift_right_logical3A_736, %and3A_737 : vector<16xi32>
          %broadcast_in_dim3A_739 = arith.constant true
          %broadcast_in_dim3A_740 = vector.broadcast %broadcast_in_dim3A_739 : i1 to vector<16xi1>
          %unique3A, %unique3A_741 = tpu.scan_count mask(%broadcast_in_dim3A_740 : vector<16xi1>) value(%and3A_738 : vector<16xi32>) : vector<16xi1>, vector<16xi32>
          tpu.vector_store_idx %arg15[%and3A_738], %unique3A_741 masked %unique3A {add = true} : memref<256xi32, #tpu.memory_space<vmem>>[vector<16xi32>], vector<16xi32>, vector<16xi1>
          %mul3A_742 = arith.constant 64 : i32
          %mul3A_743 = arith.muli %mul3A_742, %scan3A_726 : i32
          %add3A_744 = arith.constant 16 : i32
          %add3A_745 = arith.addi %mul3A_743, %add3A_744 : i32
          %get3A_746 = arith.index_cast %add3A_745 : i32 to index
          %get3A_747 = tpu.vector_load %arg10[%get3A_746] {strides = array<i32>} : memref<1024xi32, #tpu.memory_space<vmem>>, vector<16xi32>,
          %shift_right_logical3A_748 = arith.constant 0 : i32
          %shift_right_logical3A_749 = vector.broadcast %shift_right_logical3A_748 : i32 to vector<16xi32>
          %shift_right_logical3A_750 = arith.shrui %get3A_747, %shift_right_logical3A_749 : vector<16xi32>
          %and3A_751 = arith.constant 255 : i32
          %and3A_752 = vector.broadcast %and3A_751 : i32 to vector<16xi32>
          %and3A_753 = arith.andi %shift_right_logical3A_750, %and3A_752 : vector<16xi32>
          %broadcast_in_dim3A_754 = arith.constant true
          %broadcast_in_dim3A_755 = vector.broadcast %broadcast_in_dim3A_754 : i1 to vector<16xi1>
          %unique3A_756, %unique3A_757 = tpu.scan_count mask(%broadcast_in_dim3A_755 : vector<16xi1>) value(%and3A_753 : vector<16xi32>) : vector<16xi1>, vector<16xi32>
          tpu.vector_store_idx %arg15[%and3A_753], %unique3A_757 masked %unique3A_756 {add = true} : memref<256xi32, #tpu.memory_space<vmem>>[vector<16xi32>], vector<16xi32>, vector<16xi1>
          %mul3A_758 = arith.constant 64 : i32
          %mul3A_759 = arith.muli %mul3A_758, %scan3A_726 : i32
          %add3A_760 = arith.constant 32 : i32
          %add3A_761 = arith.addi %mul3A_759, %add3A_760 : i32
          %get3A_762 = arith.index_cast %add3A_761 : i32 to index
          %get3A_763 = tpu.vector_load %arg10[%get3A_762] {strides = array<i32>} : memref<1024xi32, #tpu.memory_space<vmem>>, vector<16xi32>,
          %shift_right_logical3A_764 = arith.constant 0 : i32
          %shift_right_logical3A_765 = vector.broadcast %shift_right_logical3A_764 : i32 to vector<16xi32>
          %shift_right_logical3A_766 = arith.shrui %get3A_763, %shift_right_logical3A_765 : vector<16xi32>
          %and3A_767 = arith.constant 255 : i32
          %and3A_768 = vector.broadcast %and3A_767 : i32 to vector<16xi32>
          %and3A_769 = arith.andi %shift_right_logical3A_766, %and3A_768 : vector<16xi32>
          %broadcast_in_dim3A_770 = arith.constant true
          %broadcast_in_dim3A_771 = vector.broadcast %broadcast_in_dim3A_770 : i1 to vector<16xi1>
          %unique3A_772, %unique3A_773 = tpu.scan_count mask(%broadcast_in_dim3A_771 : vector<16xi1>) value(%and3A_769 : vector<16xi32>) : vector<16xi1>, vector<16xi32>
          tpu.vector_store_idx %arg15[%and3A_769], %unique3A_773 masked %unique3A_772 {add = true} : memref<256xi32, #tpu.memory_space<vmem>>[vector<16xi32>], vector<16xi32>, vector<16xi1>
          %mul3A_774 = arith.constant 64 : i32
          %mul3A_775 = arith.muli %mul3A_774, %scan3A_726 : i32
          %add3A_776 = arith.constant 48 : i32
          %add3A_777 = arith.addi %mul3A_775, %add3A_776 : i32
          %get3A_778 = arith.index_cast %add3A_777 : i32 to index
          %get3A_779 = tpu.vector_load %arg10[%get3A_778] {strides = array<i32>} : memref<1024xi32, #tpu.memory_space<vmem>>, vector<16xi32>,
          %shift_right_logical3A_780 = arith.constant 0 : i32
          %shift_right_logical3A_781 = vector.broadcast %shift_right_logical3A_780 : i32 to vector<16xi32>
          %shift_right_logical3A_782 = arith.shrui %get3A_779, %shift_right_logical3A_781 : vector<16xi32>
          %and3A_783 = arith.constant 255 : i32
          %and3A_784 = vector.broadcast %and3A_783 : i32 to vector<16xi32>
          %and3A_785 = arith.andi %shift_right_logical3A_782, %and3A_784 : vector<16xi32>
          %broadcast_in_dim3A_786 = arith.constant true
          %broadcast_in_dim3A_787 = vector.broadcast %broadcast_in_dim3A_786 : i1 to vector<16xi1>
          %unique3A_788, %unique3A_789 = tpu.scan_count mask(%broadcast_in_dim3A_787 : vector<16xi1>) value(%and3A_785 : vector<16xi32>) : vector<16xi1>, vector<16xi32>
          tpu.vector_store_idx %arg15[%and3A_785], %unique3A_789 masked %unique3A_788 {add = true} : memref<256xi32, #tpu.memory_space<vmem>>[vector<16xi32>], vector<16xi32>, vector<16xi1>
          %scan3A_790 = arith.constant 0 : i32
          scf.yield %scan3A_790 : i32
        }
        %scan3A_116 = arith.constant 16 : i32
        %get3A = arith.constant 0 : index
        %get3A_117 = tpu.vector_load %arg15[%get3A] {strides = array<i32>} : memref<256xi32, #tpu.memory_space<vmem>>, vector<16xi32>,
        %broadcast_in_dim3A_118 = arith.constant true
        %broadcast_in_dim3A_119 = vector.broadcast %broadcast_in_dim3A_118 : i1 to vector<16xi1>
        %masked_cumsum3A = tpu.scan <sum>, %get3A_117 masked %broadcast_in_dim3A_119 : vector<16xi32>, vector<16xi1> -> vector<16xi32>
        %sub3A = arith.subi %masked_cumsum3A, %get3A_117 : vector<16xi32>
        %add3A_120 = arith.constant 0 : i32
        %add3A_121 = vector.broadcast %add3A_120 : i32 to vector<16xi32>
        %add3A_122 = arith.addi %sub3A, %add3A_121 : vector<16xi32>
        %swap3A_123 = arith.constant 0 : index
        %swap3A_124 = tpu.vector_load %arg15[%swap3A_123] {strides = array<i32>} : memref<256xi32, #tpu.memory_space<vmem>>, vector<16xi32>,
        tpu.vector_store %arg15[%swap3A_123], %add3A_122 {strides = array<i32>} : memref<256xi32, #tpu.memory_space<vmem>>, vector<16xi32>,
        %reduce_sum3A = arith.constant true
        %reduce_sum3A_125 = vector.broadcast %reduce_sum3A : i1 to vector<16xi1>
        %reduce_sum3A_126 = tpu.scan <sum>, %get3A_117 masked %reduce_sum3A_125 : vector<16xi32>, vector<16xi1> -> vector<16xi32>
        %reduce_sum3A_127 = vector.extract %reduce_sum3A_126[15] : i32 from vector<16xi32>
        %add3A_128 = arith.constant 0 : i32
        %add3A_129 = arith.addi %add3A_128, %reduce_sum3A_127 : i32
        %get3A_130 = arith.constant 16 : index
        %get3A_131 = tpu.vector_load %arg15[%get3A_130] {strides = array<i32>} : memref<256xi32, #tpu.memory_space<vmem>>, vector<16xi32>,
        %broadcast_in_dim3A_132 = arith.constant true
        %broadcast_in_dim3A_133 = vector.broadcast %broadcast_in_dim3A_132 : i1 to vector<16xi1>
        %masked_cumsum3A_134 = tpu.scan <sum>, %get3A_131 masked %broadcast_in_dim3A_133 : vector<16xi32>, vector<16xi1> -> vector<16xi32>
        %sub3A_135 = arith.subi %masked_cumsum3A_134, %get3A_131 : vector<16xi32>
        %add3A_136 = vector.broadcast %add3A_129 : i32 to vector<16xi32>
        %add3A_137 = arith.addi %sub3A_135, %add3A_136 : vector<16xi32>
        %swap3A_138 = arith.constant 16 : index
        %swap3A_139 = tpu.vector_load %arg15[%swap3A_138] {strides = array<i32>} : memref<256xi32, #tpu.memory_space<vmem>>, vector<16xi32>,
        tpu.vector_store %arg15[%swap3A_138], %add3A_137 {strides = array<i32>} : memref<256xi32, #tpu.memory_space<vmem>>, vector<16xi32>,
        %reduce_sum3A_140 = arith.constant true
        %reduce_sum3A_141 = vector.broadcast %reduce_sum3A_140 : i1 to vector<16xi1>
        %reduce_sum3A_142 = tpu.scan <sum>, %get3A_131 masked %reduce_sum3A_141 : vector<16xi32>, vector<16xi1> -> vector<16xi32>
        %reduce_sum3A_143 = vector.extract %reduce_sum3A_142[15] : i32 from vector<16xi32>
        %add3A_144 = arith.addi %add3A_129, %reduce_sum3A_143 : i32
        %get3A_145 = arith.constant 32 : index
        %get3A_146 = tpu.vector_load %arg15[%get3A_145] {strides = array<i32>} : memref<256xi32, #tpu.memory_space<vmem>>, vector<16xi32>,
        %broadcast_in_dim3A_147 = arith.constant true
        %broadcast_in_dim3A_148 = vector.broadcast %broadcast_in_dim3A_147 : i1 to vector<16xi1>
        %masked_cumsum3A_149 = tpu.scan <sum>, %get3A_146 masked %broadcast_in_dim3A_148 : vector<16xi32>, vector<16xi1> -> vector<16xi32>
        %sub3A_150 = arith.subi %masked_cumsum3A_149, %get3A_146 : vector<16xi32>
        %add3A_151 = vector.broadcast %add3A_144 : i32 to vector<16xi32>
        %add3A_152 = arith.addi %sub3A_150, %add3A_151 : vector<16xi32>
        %swap3A_153 = arith.constant 32 : index
        %swap3A_154 = tpu.vector_load %arg15[%swap3A_153] {strides = array<i32>} : memref<256xi32, #tpu.memory_space<vmem>>, vector<16xi32>,
        tpu.vector_store %arg15[%swap3A_153], %add3A_152 {strides = array<i32>} : memref<256xi32, #tpu.memory_space<vmem>>, vector<16xi32>,
        %reduce_sum3A_155 = arith.constant true
        %reduce_sum3A_156 = vector.broadcast %reduce_sum3A_155 : i1 to vector<16xi1>
        %reduce_sum3A_157 = tpu.scan <sum>, %get3A_146 masked %reduce_sum3A_156 : vector<16xi32>, vector<16xi1> -> vector<16xi32>
        %reduce_sum3A_158 = vector.extract %reduce_sum3A_157[15] : i32 from vector<16xi32>
        %add3A_159 = arith.addi %add3A_144, %reduce_sum3A_158 : i32
        %get3A_160 = arith.constant 48 : index
        %get3A_161 = tpu.vector_load %arg15[%get3A_160] {strides = array<i32>} : memref<256xi32, #tpu.memory_space<vmem>>, vector<16xi32>,
        %broadcast_in_dim3A_162 = arith.constant true
        %broadcast_in_dim3A_163 = vector.broadcast %broadcast_in_dim3A_162 : i1 to vector<16xi1>
        %masked_cumsum3A_164 = tpu.scan <sum>, %get3A_161 masked %broadcast_in_dim3A_163 : vector<16xi32>, vector<16xi1> -> vector<16xi32>
        %sub3A_165 = arith.subi %masked_cumsum3A_164, %get3A_161 : vector<16xi32>
        %add3A_166 = vector.broadcast %add3A_159 : i32 to vector<16xi32>
        %add3A_167 = arith.addi %sub3A_165, %add3A_166 : vector<16xi32>
        %swap3A_168 = arith.constant 48 : index
        %swap3A_169 = tpu.vector_load %arg15[%swap3A_168] {strides = array<i32>} : memref<256xi32, #tpu.memory_space<vmem>>, vector<16xi32>,
        tpu.vector_store %arg15[%swap3A_168], %add3A_167 {strides = array<i32>} : memref<256xi32, #tpu.memory_space<vmem>>, vector<16xi32>,
        %reduce_sum3A_170 = arith.constant true
        %reduce_sum3A_171 = vector.broadcast %reduce_sum3A_170 : i1 to vector<16xi1>
        %reduce_sum3A_172 = tpu.scan <sum>, %get3A_161 masked %reduce_sum3A_171 : vector<16xi32>, vector<16xi1> -> vector<16xi32>
        %reduce_sum3A_173 = vector.extract %reduce_sum3A_172[15] : i32 from vector<16xi32>
        %add3A_174 = arith.addi %add3A_159, %reduce_sum3A_173 : i32
        %get3A_175 = arith.constant 64 : index
        %get3A_176 = tpu.vector_load %arg15[%get3A_175] {strides = array<i32>} : memref<256xi32, #tpu.memory_space<vmem>>, vector<16xi32>,
        %broadcast_in_dim3A_177 = arith.constant true
        %broadcast_in_dim3A_178 = vector.broadcast %broadcast_in_dim3A_177 : i1 to vector<16xi1>
        %masked_cumsum3A_179 = tpu.scan <sum>, %get3A_176 masked %broadcast_in_dim3A_178 : vector<16xi32>, vector<16xi1> -> vector<16xi32>
        %sub3A_180 = arith.subi %masked_cumsum3A_179, %get3A_176 : vector<16xi32>
        %add3A_181 = vector.broadcast %add3A_174 : i32 to vector<16xi32>
        %add3A_182 = arith.addi %sub3A_180, %add3A_181 : vector<16xi32>
        %swap3A_183 = arith.constant 64 : index
        %swap3A_184 = tpu.vector_load %arg15[%swap3A_183] {strides = array<i32>} : memref<256xi32, #tpu.memory_space<vmem>>, vector<16xi32>,
        tpu.vector_store %arg15[%swap3A_183], %add3A_182 {strides = array<i32>} : memref<256xi32, #tpu.memory_space<vmem>>, vector<16xi32>,
        %reduce_sum3A_185 = arith.constant true
        %reduce_sum3A_186 = vector.broadcast %reduce_sum3A_185 : i1 to vector<16xi1>
        %reduce_sum3A_187 = tpu.scan <sum>, %get3A_176 masked %reduce_sum3A_186 : vector<16xi32>, vector<16xi1> -> vector<16xi32>
        %reduce_sum3A_188 = vector.extract %reduce_sum3A_187[15] : i32 from vector<16xi32>
        %add3A_189 = arith.addi %add3A_174, %reduce_sum3A_188 : i32
        %get3A_190 = arith.constant 80 : index
        %get3A_191 = tpu.vector_load %arg15[%get3A_190] {strides = array<i32>} : memref<256xi32, #tpu.memory_space<vmem>>, vector<16xi32>,
        %broadcast_in_dim3A_192 = arith.constant true
        %broadcast_in_dim3A_193 = vector.broadcast %broadcast_in_dim3A_192 : i1 to vector<16xi1>
        %masked_cumsum3A_194 = tpu.scan <sum>, %get3A_191 masked %broadcast_in_dim3A_193 : vector<16xi32>, vector<16xi1> -> vector<16xi32>
        %sub3A_195 = arith.subi %masked_cumsum3A_194, %get3A_191 : vector<16xi32>
        %add3A_196 = vector.broadcast %add3A_189 : i32 to vector<16xi32>
        %add3A_197 = arith.addi %sub3A_195, %add3A_196 : vector<16xi32>
        %swap3A_198 = arith.constant 80 : index
        %swap3A_199 = tpu.vector_load %arg15[%swap3A_198] {strides = array<i32>} : memref<256xi32, #tpu.memory_space<vmem>>, vector<16xi32>,
        tpu.vector_store %arg15[%swap3A_198], %add3A_197 {strides = array<i32>} : memref<256xi32, #tpu.memory_space<vmem>>, vector<16xi32>,
        %reduce_sum3A_200 = arith.constant true
        %reduce_sum3A_201 = vector.broadcast %reduce_sum3A_200 : i1 to vector<16xi1>
        %reduce_sum3A_202 = tpu.scan <sum>, %get3A_191 masked %reduce_sum3A_201 : vector<16xi32>, vector<16xi1> -> vector<16xi32>
        %reduce_sum3A_203 = vector.extract %reduce_sum3A_202[15] : i32 from vector<16xi32>
        %add3A_204 = arith.addi %add3A_189, %reduce_sum3A_203 : i32
        %get3A_205 = arith.constant 96 : index
        %get3A_206 = tpu.vector_load %arg15[%get3A_205] {strides = array<i32>} : memref<256xi32, #tpu.memory_space<vmem>>, vector<16xi32>,
        %broadcast_in_dim3A_207 = arith.constant true
        %broadcast_in_dim3A_208 = vector.broadcast %broadcast_in_dim3A_207 : i1 to vector<16xi1>
        %masked_cumsum3A_209 = tpu.scan <sum>, %get3A_206 masked %broadcast_in_dim3A_208 : vector<16xi32>, vector<16xi1> -> vector<16xi32>
        %sub3A_210 = arith.subi %masked_cumsum3A_209, %get3A_206 : vector<16xi32>
        %add3A_211 = vector.broadcast %add3A_204 : i32 to vector<16xi32>
        %add3A_212 = arith.addi %sub3A_210, %add3A_211 : vector<16xi32>
        %swap3A_213 = arith.constant 96 : index
        %swap3A_214 = tpu.vector_load %arg15[%swap3A_213] {strides = array<i32>} : memref<256xi32, #tpu.memory_space<vmem>>, vector<16xi32>,
        tpu.vector_store %arg15[%swap3A_213], %add3A_212 {strides = array<i32>} : memref<256xi32, #tpu.memory_space<vmem>>, vector<16xi32>,
        %reduce_sum3A_215 = arith.constant true
        %reduce_sum3A_216 = vector.broadcast %reduce_sum3A_215 : i1 to vector<16xi1>
        %reduce_sum3A_217 = tpu.scan <sum>, %get3A_206 masked %reduce_sum3A_216 : vector<16xi32>, vector<16xi1> -> vector<16xi32>
        %reduce_sum3A_218 = vector.extract %reduce_sum3A_217[15] : i32 from vector<16xi32>
        %add3A_219 = arith.addi %add3A_204, %reduce_sum3A_218 : i32
        %get3A_220 = arith.constant 112 : index
        %get3A_221 = tpu.vector_load %arg15[%get3A_220] {strides = array<i32>} : memref<256xi32, #tpu.memory_space<vmem>>, vector<16xi32>,
        %broadcast_in_dim3A_222 = arith.constant true
        %broadcast_in_dim3A_223 = vector.broadcast %broadcast_in_dim3A_222 : i1 to vector<16xi1>
        %masked_cumsum3A_224 = tpu.scan <sum>, %get3A_221 masked %broadcast_in_dim3A_223 : vector<16xi32>, vector<16xi1> -> vector<16xi32>
        %sub3A_225 = arith.subi %masked_cumsum3A_224, %get3A_221 : vector<16xi32>
        %add3A_226 = vector.broadcast %add3A_219 : i32 to vector<16xi32>
        %add3A_227 = arith.addi %sub3A_225, %add3A_226 : vector<16xi32>
        %swap3A_228 = arith.constant 112 : index
        %swap3A_229 = tpu.vector_load %arg15[%swap3A_228] {strides = array<i32>} : memref<256xi32, #tpu.memory_space<vmem>>, vector<16xi32>,
        tpu.vector_store %arg15[%swap3A_228], %add3A_227 {strides = array<i32>} : memref<256xi32, #tpu.memory_space<vmem>>, vector<16xi32>,
        %reduce_sum3A_230 = arith.constant true
        %reduce_sum3A_231 = vector.broadcast %reduce_sum3A_230 : i1 to vector<16xi1>
        %reduce_sum3A_232 = tpu.scan <sum>, %get3A_221 masked %reduce_sum3A_231 : vector<16xi32>, vector<16xi1> -> vector<16xi32>
        %reduce_sum3A_233 = vector.extract %reduce_sum3A_232[15] : i32 from vector<16xi32>
        %add3A_234 = arith.addi %add3A_219, %reduce_sum3A_233 : i32
        %get3A_235 = arith.constant 128 : index
        %get3A_236 = tpu.vector_load %arg15[%get3A_235] {strides = array<i32>} : memref<256xi32, #tpu.memory_space<vmem>>, vector<16xi32>,
        %broadcast_in_dim3A_237 = arith.constant true
        %broadcast_in_dim3A_238 = vector.broadcast %broadcast_in_dim3A_237 : i1 to vector<16xi1>
        %masked_cumsum3A_239 = tpu.scan <sum>, %get3A_236 masked %broadcast_in_dim3A_238 : vector<16xi32>, vector<16xi1> -> vector<16xi32>
        %sub3A_240 = arith.subi %masked_cumsum3A_239, %get3A_236 : vector<16xi32>
        %add3A_241 = vector.broadcast %add3A_234 : i32 to vector<16xi32>
        %add3A_242 = arith.addi %sub3A_240, %add3A_241 : vector<16xi32>
        %swap3A_243 = arith.constant 128 : index
        %swap3A_244 = tpu.vector_load %arg15[%swap3A_243] {strides = array<i32>} : memref<256xi32, #tpu.memory_space<vmem>>, vector<16xi32>,
        tpu.vector_store %arg15[%swap3A_243], %add3A_242 {strides = array<i32>} : memref<256xi32, #tpu.memory_space<vmem>>, vector<16xi32>,
        %reduce_sum3A_245 = arith.constant true
        %reduce_sum3A_246 = vector.broadcast %reduce_sum3A_245 : i1 to vector<16xi1>
        %reduce_sum3A_247 = tpu.scan <sum>, %get3A_236 masked %reduce_sum3A_246 : vector<16xi32>, vector<16xi1> -> vector<16xi32>
        %reduce_sum3A_248 = vector.extract %reduce_sum3A_247[15] : i32 from vector<16xi32>
        %add3A_249 = arith.addi %add3A_234, %reduce_sum3A_248 : i32
        %get3A_250 = arith.constant 144 : index
        %get3A_251 = tpu.vector_load %arg15[%get3A_250] {strides = array<i32>} : memref<256xi32, #tpu.memory_space<vmem>>, vector<16xi32>,
        %broadcast_in_dim3A_252 = arith.constant true
        %broadcast_in_dim3A_253 = vector.broadcast %broadcast_in_dim3A_252 : i1 to vector<16xi1>
        %masked_cumsum3A_254 = tpu.scan <sum>, %get3A_251 masked %broadcast_in_dim3A_253 : vector<16xi32>, vector<16xi1> -> vector<16xi32>
        %sub3A_255 = arith.subi %masked_cumsum3A_254, %get3A_251 : vector<16xi32>
        %add3A_256 = vector.broadcast %add3A_249 : i32 to vector<16xi32>
        %add3A_257 = arith.addi %sub3A_255, %add3A_256 : vector<16xi32>
        %swap3A_258 = arith.constant 144 : index
        %swap3A_259 = tpu.vector_load %arg15[%swap3A_258] {strides = array<i32>} : memref<256xi32, #tpu.memory_space<vmem>>, vector<16xi32>,
        tpu.vector_store %arg15[%swap3A_258], %add3A_257 {strides = array<i32>} : memref<256xi32, #tpu.memory_space<vmem>>, vector<16xi32>,
        %reduce_sum3A_260 = arith.constant true
        %reduce_sum3A_261 = vector.broadcast %reduce_sum3A_260 : i1 to vector<16xi1>
        %reduce_sum3A_262 = tpu.scan <sum>, %get3A_251 masked %reduce_sum3A_261 : vector<16xi32>, vector<16xi1> -> vector<16xi32>
        %reduce_sum3A_263 = vector.extract %reduce_sum3A_262[15] : i32 from vector<16xi32>
        %add3A_264 = arith.addi %add3A_249, %reduce_sum3A_263 : i32
        %get3A_265 = arith.constant 160 : index
        %get3A_266 = tpu.vector_load %arg15[%get3A_265] {strides = array<i32>} : memref<256xi32, #tpu.memory_space<vmem>>, vector<16xi32>,
        %broadcast_in_dim3A_267 = arith.constant true
        %broadcast_in_dim3A_268 = vector.broadcast %broadcast_in_dim3A_267 : i1 to vector<16xi1>
        %masked_cumsum3A_269 = tpu.scan <sum>, %get3A_266 masked %broadcast_in_dim3A_268 : vector<16xi32>, vector<16xi1> -> vector<16xi32>
        %sub3A_270 = arith.subi %masked_cumsum3A_269, %get3A_266 : vector<16xi32>
        %add3A_271 = vector.broadcast %add3A_264 : i32 to vector<16xi32>
        %add3A_272 = arith.addi %sub3A_270, %add3A_271 : vector<16xi32>
        %swap3A_273 = arith.constant 160 : index
        %swap3A_274 = tpu.vector_load %arg15[%swap3A_273] {strides = array<i32>} : memref<256xi32, #tpu.memory_space<vmem>>, vector<16xi32>,
        tpu.vector_store %arg15[%swap3A_273], %add3A_272 {strides = array<i32>} : memref<256xi32, #tpu.memory_space<vmem>>, vector<16xi32>,
        %reduce_sum3A_275 = arith.constant true
        %reduce_sum3A_276 = vector.broadcast %reduce_sum3A_275 : i1 to vector<16xi1>
        %reduce_sum3A_277 = tpu.scan <sum>, %get3A_266 masked %reduce_sum3A_276 : vector<16xi32>, vector<16xi1> -> vector<16xi32>
        %reduce_sum3A_278 = vector.extract %reduce_sum3A_277[15] : i32 from vector<16xi32>
        %add3A_279 = arith.addi %add3A_264, %reduce_sum3A_278 : i32
        %get3A_280 = arith.constant 176 : index
        %get3A_281 = tpu.vector_load %arg15[%get3A_280] {strides = array<i32>} : memref<256xi32, #tpu.memory_space<vmem>>, vector<16xi32>,
        %broadcast_in_dim3A_282 = arith.constant true
        %broadcast_in_dim3A_283 = vector.broadcast %broadcast_in_dim3A_282 : i1 to vector<16xi1>
        %masked_cumsum3A_284 = tpu.scan <sum>, %get3A_281 masked %broadcast_in_dim3A_283 : vector<16xi32>, vector<16xi1> -> vector<16xi32>
        %sub3A_285 = arith.subi %masked_cumsum3A_284, %get3A_281 : vector<16xi32>
        %add3A_286 = vector.broadcast %add3A_279 : i32 to vector<16xi32>
        %add3A_287 = arith.addi %sub3A_285, %add3A_286 : vector<16xi32>
        %swap3A_288 = arith.constant 176 : index
        %swap3A_289 = tpu.vector_load %arg15[%swap3A_288] {strides = array<i32>} : memref<256xi32, #tpu.memory_space<vmem>>, vector<16xi32>,
        tpu.vector_store %arg15[%swap3A_288], %add3A_287 {strides = array<i32>} : memref<256xi32, #tpu.memory_space<vmem>>, vector<16xi32>,
        %reduce_sum3A_290 = arith.constant true
        %reduce_sum3A_291 = vector.broadcast %reduce_sum3A_290 : i1 to vector<16xi1>
        %reduce_sum3A_292 = tpu.scan <sum>, %get3A_281 masked %reduce_sum3A_291 : vector<16xi32>, vector<16xi1> -> vector<16xi32>
        %reduce_sum3A_293 = vector.extract %reduce_sum3A_292[15] : i32 from vector<16xi32>
        %add3A_294 = arith.addi %add3A_279, %reduce_sum3A_293 : i32
        %get3A_295 = arith.constant 192 : index
        %get3A_296 = tpu.vector_load %arg15[%get3A_295] {strides = array<i32>} : memref<256xi32, #tpu.memory_space<vmem>>, vector<16xi32>,
        %broadcast_in_dim3A_297 = arith.constant true
        %broadcast_in_dim3A_298 = vector.broadcast %broadcast_in_dim3A_297 : i1 to vector<16xi1>
        %masked_cumsum3A_299 = tpu.scan <sum>, %get3A_296 masked %broadcast_in_dim3A_298 : vector<16xi32>, vector<16xi1> -> vector<16xi32>
        %sub3A_300 = arith.subi %masked_cumsum3A_299, %get3A_296 : vector<16xi32>
        %add3A_301 = vector.broadcast %add3A_294 : i32 to vector<16xi32>
        %add3A_302 = arith.addi %sub3A_300, %add3A_301 : vector<16xi32>
        %swap3A_303 = arith.constant 192 : index
        %swap3A_304 = tpu.vector_load %arg15[%swap3A_303] {strides = array<i32>} : memref<256xi32, #tpu.memory_space<vmem>>, vector<16xi32>,
        tpu.vector_store %arg15[%swap3A_303], %add3A_302 {strides = array<i32>} : memref<256xi32, #tpu.memory_space<vmem>>, vector<16xi32>,
        %reduce_sum3A_305 = arith.constant true
        %reduce_sum3A_306 = vector.broadcast %reduce_sum3A_305 : i1 to vector<16xi1>
        %reduce_sum3A_307 = tpu.scan <sum>, %get3A_296 masked %reduce_sum3A_306 : vector<16xi32>, vector<16xi1> -> vector<16xi32>
        %reduce_sum3A_308 = vector.extract %reduce_sum3A_307[15] : i32 from vector<16xi32>
        %add3A_309 = arith.addi %add3A_294, %reduce_sum3A_308 : i32
        %get3A_310 = arith.constant 208 : index
        %get3A_311 = tpu.vector_load %arg15[%get3A_310] {strides = array<i32>} : memref<256xi32, #tpu.memory_space<vmem>>, vector<16xi32>,
        %broadcast_in_dim3A_312 = arith.constant true
        %broadcast_in_dim3A_313 = vector.broadcast %broadcast_in_dim3A_312 : i1 to vector<16xi1>
        %masked_cumsum3A_314 = tpu.scan <sum>, %get3A_311 masked %broadcast_in_dim3A_313 : vector<16xi32>, vector<16xi1> -> vector<16xi32>
        %sub3A_315 = arith.subi %masked_cumsum3A_314, %get3A_311 : vector<16xi32>
        %add3A_316 = vector.broadcast %add3A_309 : i32 to vector<16xi32>
        %add3A_317 = arith.addi %sub3A_315, %add3A_316 : vector<16xi32>
        %swap3A_318 = arith.constant 208 : index
        %swap3A_319 = tpu.vector_load %arg15[%swap3A_318] {strides = array<i32>} : memref<256xi32, #tpu.memory_space<vmem>>, vector<16xi32>,
        tpu.vector_store %arg15[%swap3A_318], %add3A_317 {strides = array<i32>} : memref<256xi32, #tpu.memory_space<vmem>>, vector<16xi32>,
        %reduce_sum3A_320 = arith.constant true
        %reduce_sum3A_321 = vector.broadcast %reduce_sum3A_320 : i1 to vector<16xi1>
        %reduce_sum3A_322 = tpu.scan <sum>, %get3A_311 masked %reduce_sum3A_321 : vector<16xi32>, vector<16xi1> -> vector<16xi32>
        %reduce_sum3A_323 = vector.extract %reduce_sum3A_322[15] : i32 from vector<16xi32>
        %add3A_324 = arith.addi %add3A_309, %reduce_sum3A_323 : i32
        %get3A_325 = arith.constant 224 : index
        %get3A_326 = tpu.vector_load %arg15[%get3A_325] {strides = array<i32>} : memref<256xi32, #tpu.memory_space<vmem>>, vector<16xi32>,
        %broadcast_in_dim3A_327 = arith.constant true
        %broadcast_in_dim3A_328 = vector.broadcast %broadcast_in_dim3A_327 : i1 to vector<16xi1>
        %masked_cumsum3A_329 = tpu.scan <sum>, %get3A_326 masked %broadcast_in_dim3A_328 : vector<16xi32>, vector<16xi1> -> vector<16xi32>
        %sub3A_330 = arith.subi %masked_cumsum3A_329, %get3A_326 : vector<16xi32>
        %add3A_331 = vector.broadcast %add3A_324 : i32 to vector<16xi32>
        %add3A_332 = arith.addi %sub3A_330, %add3A_331 : vector<16xi32>
        %swap3A_333 = arith.constant 224 : index
        %swap3A_334 = tpu.vector_load %arg15[%swap3A_333] {strides = array<i32>} : memref<256xi32, #tpu.memory_space<vmem>>, vector<16xi32>,
        tpu.vector_store %arg15[%swap3A_333], %add3A_332 {strides = array<i32>} : memref<256xi32, #tpu.memory_space<vmem>>, vector<16xi32>,
        %reduce_sum3A_335 = arith.constant true
        %reduce_sum3A_336 = vector.broadcast %reduce_sum3A_335 : i1 to vector<16xi1>
        %reduce_sum3A_337 = tpu.scan <sum>, %get3A_326 masked %reduce_sum3A_336 : vector<16xi32>, vector<16xi1> -> vector<16xi32>
        %reduce_sum3A_338 = vector.extract %reduce_sum3A_337[15] : i32 from vector<16xi32>
        %add3A_339 = arith.addi %add3A_324, %reduce_sum3A_338 : i32
        %get3A_340 = arith.constant 240 : index
        %get3A_341 = tpu.vector_load %arg15[%get3A_340] {strides = array<i32>} : memref<256xi32, #tpu.memory_space<vmem>>, vector<16xi32>,
        %broadcast_in_dim3A_342 = arith.constant true
        %broadcast_in_dim3A_343 = vector.broadcast %broadcast_in_dim3A_342 : i1 to vector<16xi1>
        %masked_cumsum3A_344 = tpu.scan <sum>, %get3A_341 masked %broadcast_in_dim3A_343 : vector<16xi32>, vector<16xi1> -> vector<16xi32>
        %sub3A_345 = arith.subi %masked_cumsum3A_344, %get3A_341 : vector<16xi32>
        %add3A_346 = vector.broadcast %add3A_339 : i32 to vector<16xi32>
        %add3A_347 = arith.addi %sub3A_345, %add3A_346 : vector<16xi32>
        %swap3A_348 = arith.constant 240 : index
        %swap3A_349 = tpu.vector_load %arg15[%swap3A_348] {strides = array<i32>} : memref<256xi32, #tpu.memory_space<vmem>>, vector<16xi32>,
        tpu.vector_store %arg15[%swap3A_348], %add3A_347 {strides = array<i32>} : memref<256xi32, #tpu.memory_space<vmem>>, vector<16xi32>,
        %reduce_sum3A_350 = arith.constant true
        %reduce_sum3A_351 = vector.broadcast %reduce_sum3A_350 : i1 to vector<16xi1>
        %reduce_sum3A_352 = tpu.scan <sum>, %get3A_341 masked %reduce_sum3A_351 : vector<16xi32>, vector<16xi1> -> vector<16xi32>
        %reduce_sum3A_353 = vector.extract %reduce_sum3A_352[15] : i32 from vector<16xi32>
        %add3A_354 = arith.addi %add3A_339, %reduce_sum3A_353 : i32
        %scan3A_355 = arith.constant 0 : i32
        %scan3A_356 = arith.constant 0 : i32
        %scan3A_357 = arith.constant 16 : i32
        %scan3A_358 = arith.addi %scan3A_356, %scan3A_357 : i32
        %scan3A_359 = arith.constant 1 : i32
        %scan3A_360 = scf.for %scan3A_726 = %scan3A_356 to %scan3A_358 step %scan3A_359 iter_args(%scan3A_727 = %scan3A_355) -> (i32)  : i32 {
          %mul3A_728 = arith.constant 64 : i32
          %mul3A_729 = arith.muli %mul3A_728, %scan3A_726 : i32
          %add3A_730 = arith.constant 0 : i32
          %add3A_731 = arith.addi %mul3A_729, %add3A_730 : i32
          %get3A_732 = arith.index_cast %add3A_731 : i32 to index
          %get3A_733 = tpu.vector_load %arg10[%get3A_732] {strides = array<i32>} : memref<1024xi32, #tpu.memory_space<vmem>>, vector<16xi32>,
          %get3A_734 = arith.index_cast %add3A_731 : i32 to index
          %get3A_735 = tpu.vector_load %arg11[%get3A_734] {strides = array<i32>} : memref<1024xi32, #tpu.memory_space<vmem>>, vector<16xi32>,
          %shift_right_logical3A_736 = arith.constant 0 : i32
          %shift_right_logical3A_737 = vector.broadcast %shift_right_logical3A_736 : i32 to vector<16xi32>
          %shift_right_logical3A_738 = arith.shrui %get3A_733, %shift_right_logical3A_737 : vector<16xi32>
          %and3A = arith.constant 255 : i32
          %and3A_739 = vector.broadcast %and3A : i32 to vector<16xi32>
          %and3A_740 = arith.andi %shift_right_logical3A_738, %and3A_739 : vector<16xi32>
          %broadcast_in_dim3A_741 = arith.constant true
          %broadcast_in_dim3A_742 = vector.broadcast %broadcast_in_dim3A_741 : i1 to vector<16xi1>
          %unique3A, %unique3A_743 = tpu.scan_count mask(%broadcast_in_dim3A_742 : vector<16xi1>) value(%and3A_740 : vector<16xi32>) : vector<16xi1>, vector<16xi32>
          %gather3A_744 = tpu.vector_load_idx %arg15[%and3A_740] : memref<256xi32, #tpu.memory_space<vmem>>[vector<16xi32>], vector<16xi32>,
          %add3A_745 = arith.addi %gather3A_744, %unique3A_743 : vector<16xi32>
          %sub3A_746 = arith.constant 1 : i32
          %sub3A_747 = vector.broadcast %sub3A_746 : i32 to vector<16xi32>
          %sub3A_748 = arith.subi %add3A_745, %sub3A_747 : vector<16xi32>
          tpu.vector_store_idx %arg12[%sub3A_748], %get3A_733 : memref<1024xi32, #tpu.memory_space<vmem>>[vector<16xi32>], vector<16xi32>,
          tpu.vector_store_idx %arg13[%sub3A_748], %get3A_735 : memref<1024xi32, #tpu.memory_space<vmem>>[vector<16xi32>], vector<16xi32>,
          tpu.vector_store_idx %arg15[%and3A_740], %unique3A_743 masked %unique3A {add = true} : memref<256xi32, #tpu.memory_space<vmem>>[vector<16xi32>], vector<16xi32>, vector<16xi1>
          %mul3A_749 = arith.constant 64 : i32
          %mul3A_750 = arith.muli %mul3A_749, %scan3A_726 : i32
          %add3A_751 = arith.constant 16 : i32
          %add3A_752 = arith.addi %mul3A_750, %add3A_751 : i32
          %get3A_753 = arith.index_cast %add3A_752 : i32 to index
          %get3A_754 = tpu.vector_load %arg10[%get3A_753] {strides = array<i32>} : memref<1024xi32, #tpu.memory_space<vmem>>, vector<16xi32>,
          %get3A_755 = arith.index_cast %add3A_752 : i32 to index
          %get3A_756 = tpu.vector_load %arg11[%get3A_755] {strides = array<i32>} : memref<1024xi32, #tpu.memory_space<vmem>>, vector<16xi32>,
          %shift_right_logical3A_757 = arith.constant 0 : i32
          %shift_right_logical3A_758 = vector.broadcast %shift_right_logical3A_757 : i32 to vector<16xi32>
          %shift_right_logical3A_759 = arith.shrui %get3A_754, %shift_right_logical3A_758 : vector<16xi32>
          %and3A_760 = arith.constant 255 : i32
          %and3A_761 = vector.broadcast %and3A_760 : i32 to vector<16xi32>
          %and3A_762 = arith.andi %shift_right_logical3A_759, %and3A_761 : vector<16xi32>
          %broadcast_in_dim3A_763 = arith.constant true
          %broadcast_in_dim3A_764 = vector.broadcast %broadcast_in_dim3A_763 : i1 to vector<16xi1>
          %unique3A_765, %unique3A_766 = tpu.scan_count mask(%broadcast_in_dim3A_764 : vector<16xi1>) value(%and3A_762 : vector<16xi32>) : vector<16xi1>, vector<16xi32>
          %gather3A_767 = tpu.vector_load_idx %arg15[%and3A_762] : memref<256xi32, #tpu.memory_space<vmem>>[vector<16xi32>], vector<16xi32>,
          %add3A_768 = arith.addi %gather3A_767, %unique3A_766 : vector<16xi32>
          %sub3A_769 = arith.constant 1 : i32
          %sub3A_770 = vector.broadcast %sub3A_769 : i32 to vector<16xi32>
          %sub3A_771 = arith.subi %add3A_768, %sub3A_770 : vector<16xi32>
          tpu.vector_store_idx %arg12[%sub3A_771], %get3A_754 : memref<1024xi32, #tpu.memory_space<vmem>>[vector<16xi32>], vector<16xi32>,
          tpu.vector_store_idx %arg13[%sub3A_771], %get3A_756 : memref<1024xi32, #tpu.memory_space<vmem>>[vector<16xi32>], vector<16xi32>,
          tpu.vector_store_idx %arg15[%and3A_762], %unique3A_766 masked %unique3A_765 {add = true} : memref<256xi32, #tpu.memory_space<vmem>>[vector<16xi32>], vector<16xi32>, vector<16xi1>
          %mul3A_772 = arith.constant 64 : i32
          %mul3A_773 = arith.muli %mul3A_772, %scan3A_726 : i32
          %add3A_774 = arith.constant 32 : i32
          %add3A_775 = arith.addi %mul3A_773, %add3A_774 : i32
          %get3A_776 = arith.index_cast %add3A_775 : i32 to index
          %get3A_777 = tpu.vector_load %arg10[%get3A_776] {strides = array<i32>} : memref<1024xi32, #tpu.memory_space<vmem>>, vector<16xi32>,
          %get3A_778 = arith.index_cast %add3A_775 : i32 to index
          %get3A_779 = tpu.vector_load %arg11[%get3A_778] {strides = array<i32>} : memref<1024xi32, #tpu.memory_space<vmem>>, vector<16xi32>,
          %shift_right_logical3A_780 = arith.constant 0 : i32
          %shift_right_logical3A_781 = vector.broadcast %shift_right_logical3A_780 : i32 to vector<16xi32>
          %shift_right_logical3A_782 = arith.shrui %get3A_777, %shift_right_logical3A_781 : vector<16xi32>
          %and3A_783 = arith.constant 255 : i32
          %and3A_784 = vector.broadcast %and3A_783 : i32 to vector<16xi32>
          %and3A_785 = arith.andi %shift_right_logical3A_782, %and3A_784 : vector<16xi32>
          %broadcast_in_dim3A_786 = arith.constant true
          %broadcast_in_dim3A_787 = vector.broadcast %broadcast_in_dim3A_786 : i1 to vector<16xi1>
          %unique3A_788, %unique3A_789 = tpu.scan_count mask(%broadcast_in_dim3A_787 : vector<16xi1>) value(%and3A_785 : vector<16xi32>) : vector<16xi1>, vector<16xi32>
          %gather3A_790 = tpu.vector_load_idx %arg15[%and3A_785] : memref<256xi32, #tpu.memory_space<vmem>>[vector<16xi32>], vector<16xi32>,
          %add3A_791 = arith.addi %gather3A_790, %unique3A_789 : vector<16xi32>
          %sub3A_792 = arith.constant 1 : i32
          %sub3A_793 = vector.broadcast %sub3A_792 : i32 to vector<16xi32>
          %sub3A_794 = arith.subi %add3A_791, %sub3A_793 : vector<16xi32>
          tpu.vector_store_idx %arg12[%sub3A_794], %get3A_777 : memref<1024xi32, #tpu.memory_space<vmem>>[vector<16xi32>], vector<16xi32>,
          tpu.vector_store_idx %arg13[%sub3A_794], %get3A_779 : memref<1024xi32, #tpu.memory_space<vmem>>[vector<16xi32>], vector<16xi32>,
          tpu.vector_store_idx %arg15[%and3A_785], %unique3A_789 masked %unique3A_788 {add = true} : memref<256xi32, #tpu.memory_space<vmem>>[vector<16xi32>], vector<16xi32>, vector<16xi1>
          %mul3A_795 = arith.constant 64 : i32
          %mul3A_796 = arith.muli %mul3A_795, %scan3A_726 : i32
          %add3A_797 = arith.constant 48 : i32
          %add3A_798 = arith.addi %mul3A_796, %add3A_797 : i32
          %get3A_799 = arith.index_cast %add3A_798 : i32 to index
          %get3A_800 = tpu.vector_load %arg10[%get3A_799] {strides = array<i32>} : memref<1024xi32, #tpu.memory_space<vmem>>, vector<16xi32>,
          %get3A_801 = arith.index_cast %add3A_798 : i32 to index
          %get3A_802 = tpu.vector_load %arg11[%get3A_801] {strides = array<i32>} : memref<1024xi32, #tpu.memory_space<vmem>>, vector<16xi32>,
          %shift_right_logical3A_803 = arith.constant 0 : i32
          %shift_right_logical3A_804 = vector.broadcast %shift_right_logical3A_803 : i32 to vector<16xi32>
          %shift_right_logical3A_805 = arith.shrui %get3A_800, %shift_right_logical3A_804 : vector<16xi32>
          %and3A_806 = arith.constant 255 : i32
          %and3A_807 = vector.broadcast %and3A_806 : i32 to vector<16xi32>
          %and3A_808 = arith.andi %shift_right_logical3A_805, %and3A_807 : vector<16xi32>
          %broadcast_in_dim3A_809 = arith.constant true
          %broadcast_in_dim3A_810 = vector.broadcast %broadcast_in_dim3A_809 : i1 to vector<16xi1>
          %unique3A_811, %unique3A_812 = tpu.scan_count mask(%broadcast_in_dim3A_810 : vector<16xi1>) value(%and3A_808 : vector<16xi32>) : vector<16xi1>, vector<16xi32>
          %gather3A_813 = tpu.vector_load_idx %arg15[%and3A_808] : memref<256xi32, #tpu.memory_space<vmem>>[vector<16xi32>], vector<16xi32>,
          %add3A_814 = arith.addi %gather3A_813, %unique3A_812 : vector<16xi32>
          %sub3A_815 = arith.constant 1 : i32
          %sub3A_816 = vector.broadcast %sub3A_815 : i32 to vector<16xi32>
          %sub3A_817 = arith.subi %add3A_814, %sub3A_816 : vector<16xi32>
          tpu.vector_store_idx %arg12[%sub3A_817], %get3A_800 : memref<1024xi32, #tpu.memory_space<vmem>>[vector<16xi32>], vector<16xi32>,
          tpu.vector_store_idx %arg13[%sub3A_817], %get3A_802 : memref<1024xi32, #tpu.memory_space<vmem>>[vector<16xi32>], vector<16xi32>,
          tpu.vector_store_idx %arg15[%and3A_808], %unique3A_812 masked %unique3A_811 {add = true} : memref<256xi32, #tpu.memory_space<vmem>>[vector<16xi32>], vector<16xi32>, vector<16xi1>
          %scan3A_818 = arith.constant 0 : i32
          scf.yield %scan3A_818 : i32
        }
        %scan3A_361 = arith.constant 16 : i32
        %broadcast_in_dim3A_362 = arith.constant 0 : i32
        %broadcast_in_dim3A_363 = vector.broadcast %broadcast_in_dim3A_362 : i32 to vector<16xi32>
        %swap3A_364 = arith.constant 0 : index
        %swap3A_365 = tpu.vector_load %arg15[%swap3A_364] {strides = array<i32>} : memref<256xi32, #tpu.memory_space<vmem>>, vector<16xi32>,
        tpu.vector_store %arg15[%swap3A_364], %broadcast_in_dim3A_363 {strides = array<i32>} : memref<256xi32, #tpu.memory_space<vmem>>, vector<16xi32>,
        %broadcast_in_dim3A_366 = arith.constant 0 : i32
        %broadcast_in_dim3A_367 = vector.broadcast %broadcast_in_dim3A_366 : i32 to vector<16xi32>
        %swap3A_368 = arith.constant 16 : index
        %swap3A_369 = tpu.vector_load %arg15[%swap3A_368] {strides = array<i32>} : memref<256xi32, #tpu.memory_space<vmem>>, vector<16xi32>,
        tpu.vector_store %arg15[%swap3A_368], %broadcast_in_dim3A_367 {strides = array<i32>} : memref<256xi32, #tpu.memory_space<vmem>>, vector<16xi32>,
        %broadcast_in_dim3A_370 = arith.constant 0 : i32
        %broadcast_in_dim3A_371 = vector.broadcast %broadcast_in_dim3A_370 : i32 to vector<16xi32>
        %swap3A_372 = arith.constant 32 : index
        %swap3A_373 = tpu.vector_load %arg15[%swap3A_372] {strides = array<i32>} : memref<256xi32, #tpu.memory_space<vmem>>, vector<16xi32>,
        tpu.vector_store %arg15[%swap3A_372], %broadcast_in_dim3A_371 {strides = array<i32>} : memref<256xi32, #tpu.memory_space<vmem>>, vector<16xi32>,
        %broadcast_in_dim3A_374 = arith.constant 0 : i32
        %broadcast_in_dim3A_375 = vector.broadcast %broadcast_in_dim3A_374 : i32 to vector<16xi32>
        %swap3A_376 = arith.constant 48 : index
        %swap3A_377 = tpu.vector_load %arg15[%swap3A_376] {strides = array<i32>} : memref<256xi32, #tpu.memory_space<vmem>>, vector<16xi32>,
        tpu.vector_store %arg15[%swap3A_376], %broadcast_in_dim3A_375 {strides = array<i32>} : memref<256xi32, #tpu.memory_space<vmem>>, vector<16xi32>,
        %broadcast_in_dim3A_378 = arith.constant 0 : i32
        %broadcast_in_dim3A_379 = vector.broadcast %broadcast_in_dim3A_378 : i32 to vector<16xi32>
        %swap3A_380 = arith.constant 64 : index
        %swap3A_381 = tpu.vector_load %arg15[%swap3A_380] {strides = array<i32>} : memref<256xi32, #tpu.memory_space<vmem>>, vector<16xi32>,
        tpu.vector_store %arg15[%swap3A_380], %broadcast_in_dim3A_379 {strides = array<i32>} : memref<256xi32, #tpu.memory_space<vmem>>, vector<16xi32>,
        %broadcast_in_dim3A_382 = arith.constant 0 : i32
        %broadcast_in_dim3A_383 = vector.broadcast %broadcast_in_dim3A_382 : i32 to vector<16xi32>
        %swap3A_384 = arith.constant 80 : index
        %swap3A_385 = tpu.vector_load %arg15[%swap3A_384] {strides = array<i32>} : memref<256xi32, #tpu.memory_space<vmem>>, vector<16xi32>,
        tpu.vector_store %arg15[%swap3A_384], %broadcast_in_dim3A_383 {strides = array<i32>} : memref<256xi32, #tpu.memory_space<vmem>>, vector<16xi32>,
        %broadcast_in_dim3A_386 = arith.constant 0 : i32
        %broadcast_in_dim3A_387 = vector.broadcast %broadcast_in_dim3A_386 : i32 to vector<16xi32>
        %swap3A_388 = arith.constant 96 : index
        %swap3A_389 = tpu.vector_load %arg15[%swap3A_388] {strides = array<i32>} : memref<256xi32, #tpu.memory_space<vmem>>, vector<16xi32>,
        tpu.vector_store %arg15[%swap3A_388], %broadcast_in_dim3A_387 {strides = array<i32>} : memref<256xi32, #tpu.memory_space<vmem>>, vector<16xi32>,
        %broadcast_in_dim3A_390 = arith.constant 0 : i32
        %broadcast_in_dim3A_391 = vector.broadcast %broadcast_in_dim3A_390 : i32 to vector<16xi32>
        %swap3A_392 = arith.constant 112 : index
        %swap3A_393 = tpu.vector_load %arg15[%swap3A_392] {strides = array<i32>} : memref<256xi32, #tpu.memory_space<vmem>>, vector<16xi32>,
        tpu.vector_store %arg15[%swap3A_392], %broadcast_in_dim3A_391 {strides = array<i32>} : memref<256xi32, #tpu.memory_space<vmem>>, vector<16xi32>,
        %broadcast_in_dim3A_394 = arith.constant 0 : i32
        %broadcast_in_dim3A_395 = vector.broadcast %broadcast_in_dim3A_394 : i32 to vector<16xi32>
        %swap3A_396 = arith.constant 128 : index
        %swap3A_397 = tpu.vector_load %arg15[%swap3A_396] {strides = array<i32>} : memref<256xi32, #tpu.memory_space<vmem>>, vector<16xi32>,
        tpu.vector_store %arg15[%swap3A_396], %broadcast_in_dim3A_395 {strides = array<i32>} : memref<256xi32, #tpu.memory_space<vmem>>, vector<16xi32>,
        %broadcast_in_dim3A_398 = arith.constant 0 : i32
        %broadcast_in_dim3A_399 = vector.broadcast %broadcast_in_dim3A_398 : i32 to vector<16xi32>
        %swap3A_400 = arith.constant 144 : index
        %swap3A_401 = tpu.vector_load %arg15[%swap3A_400] {strides = array<i32>} : memref<256xi32, #tpu.memory_space<vmem>>, vector<16xi32>,
        tpu.vector_store %arg15[%swap3A_400], %broadcast_in_dim3A_399 {strides = array<i32>} : memref<256xi32, #tpu.memory_space<vmem>>, vector<16xi32>,
        %broadcast_in_dim3A_402 = arith.constant 0 : i32
        %broadcast_in_dim3A_403 = vector.broadcast %broadcast_in_dim3A_402 : i32 to vector<16xi32>
        %swap3A_404 = arith.constant 160 : index
        %swap3A_405 = tpu.vector_load %arg15[%swap3A_404] {strides = array<i32>} : memref<256xi32, #tpu.memory_space<vmem>>, vector<16xi32>,
        tpu.vector_store %arg15[%swap3A_404], %broadcast_in_dim3A_403 {strides = array<i32>} : memref<256xi32, #tpu.memory_space<vmem>>, vector<16xi32>,
        %broadcast_in_dim3A_406 = arith.constant 0 : i32
        %broadcast_in_dim3A_407 = vector.broadcast %broadcast_in_dim3A_406 : i32 to vector<16xi32>
        %swap3A_408 = arith.constant 176 : index
        %swap3A_409 = tpu.vector_load %arg15[%swap3A_408] {strides = array<i32>} : memref<256xi32, #tpu.memory_space<vmem>>, vector<16xi32>,
        tpu.vector_store %arg15[%swap3A_408], %broadcast_in_dim3A_407 {strides = array<i32>} : memref<256xi32, #tpu.memory_space<vmem>>, vector<16xi32>,
        %broadcast_in_dim3A_410 = arith.constant 0 : i32
        %broadcast_in_dim3A_411 = vector.broadcast %broadcast_in_dim3A_410 : i32 to vector<16xi32>
        %swap3A_412 = arith.constant 192 : index
        %swap3A_413 = tpu.vector_load %arg15[%swap3A_412] {strides = array<i32>} : memref<256xi32, #tpu.memory_space<vmem>>, vector<16xi32>,
        tpu.vector_store %arg15[%swap3A_412], %broadcast_in_dim3A_411 {strides = array<i32>} : memref<256xi32, #tpu.memory_space<vmem>>, vector<16xi32>,
        %broadcast_in_dim3A_414 = arith.constant 0 : i32
        %broadcast_in_dim3A_415 = vector.broadcast %broadcast_in_dim3A_414 : i32 to vector<16xi32>
        %swap3A_416 = arith.constant 208 : index
        %swap3A_417 = tpu.vector_load %arg15[%swap3A_416] {strides = array<i32>} : memref<256xi32, #tpu.memory_space<vmem>>, vector<16xi32>,
        tpu.vector_store %arg15[%swap3A_416], %broadcast_in_dim3A_415 {strides = array<i32>} : memref<256xi32, #tpu.memory_space<vmem>>, vector<16xi32>,
        %broadcast_in_dim3A_418 = arith.constant 0 : i32
        %broadcast_in_dim3A_419 = vector.broadcast %broadcast_in_dim3A_418 : i32 to vector<16xi32>
        %swap3A_420 = arith.constant 224 : index
        %swap3A_421 = tpu.vector_load %arg15[%swap3A_420] {strides = array<i32>} : memref<256xi32, #tpu.memory_space<vmem>>, vector<16xi32>,
        tpu.vector_store %arg15[%swap3A_420], %broadcast_in_dim3A_419 {strides = array<i32>} : memref<256xi32, #tpu.memory_space<vmem>>, vector<16xi32>,
        %broadcast_in_dim3A_422 = arith.constant 0 : i32
        %broadcast_in_dim3A_423 = vector.broadcast %broadcast_in_dim3A_422 : i32 to vector<16xi32>
        %swap3A_424 = arith.constant 240 : index
        %swap3A_425 = tpu.vector_load %arg15[%swap3A_424] {strides = array<i32>} : memref<256xi32, #tpu.memory_space<vmem>>, vector<16xi32>,
        tpu.vector_store %arg15[%swap3A_424], %broadcast_in_dim3A_423 {strides = array<i32>} : memref<256xi32, #tpu.memory_space<vmem>>, vector<16xi32>,
        %scan3A_426 = arith.constant 0 : i32
        %scan3A_427 = arith.constant 0 : i32
        %scan3A_428 = arith.constant 16 : i32
        %scan3A_429 = arith.addi %scan3A_427, %scan3A_428 : i32
        %scan3A_430 = arith.constant 1 : i32
        %scan3A_431 = scf.for %scan3A_726 = %scan3A_427 to %scan3A_429 step %scan3A_430 iter_args(%scan3A_727 = %scan3A_426) -> (i32)  : i32 {
          %mul3A_728 = arith.constant 64 : i32
          %mul3A_729 = arith.muli %mul3A_728, %scan3A_726 : i32
          %add3A_730 = arith.constant 0 : i32
          %add3A_731 = arith.addi %mul3A_729, %add3A_730 : i32
          %get3A_732 = arith.index_cast %add3A_731 : i32 to index
          %get3A_733 = tpu.vector_load %arg12[%get3A_732] {strides = array<i32>} : memref<1024xi32, #tpu.memory_space<vmem>>, vector<16xi32>,
          %shift_right_logical3A_734 = arith.constant 8 : i32
          %shift_right_logical3A_735 = vector.broadcast %shift_right_logical3A_734 : i32 to vector<16xi32>
          %shift_right_logical3A_736 = arith.shrui %get3A_733, %shift_right_logical3A_735 : vector<16xi32>
          %and3A = arith.constant 255 : i32
          %and3A_737 = vector.broadcast %and3A : i32 to vector<16xi32>
          %and3A_738 = arith.andi %shift_right_logical3A_736, %and3A_737 : vector<16xi32>
          %broadcast_in_dim3A_739 = arith.constant true
          %broadcast_in_dim3A_740 = vector.broadcast %broadcast_in_dim3A_739 : i1 to vector<16xi1>
          %unique3A, %unique3A_741 = tpu.scan_count mask(%broadcast_in_dim3A_740 : vector<16xi1>) value(%and3A_738 : vector<16xi32>) : vector<16xi1>, vector<16xi32>
          tpu.vector_store_idx %arg15[%and3A_738], %unique3A_741 masked %unique3A {add = true} : memref<256xi32, #tpu.memory_space<vmem>>[vector<16xi32>], vector<16xi32>, vector<16xi1>
          %mul3A_742 = arith.constant 64 : i32
          %mul3A_743 = arith.muli %mul3A_742, %scan3A_726 : i32
          %add3A_744 = arith.constant 16 : i32
          %add3A_745 = arith.addi %mul3A_743, %add3A_744 : i32
          %get3A_746 = arith.index_cast %add3A_745 : i32 to index
          %get3A_747 = tpu.vector_load %arg12[%get3A_746] {strides = array<i32>} : memref<1024xi32, #tpu.memory_space<vmem>>, vector<16xi32>,
          %shift_right_logical3A_748 = arith.constant 8 : i32
          %shift_right_logical3A_749 = vector.broadcast %shift_right_logical3A_748 : i32 to vector<16xi32>
          %shift_right_logical3A_750 = arith.shrui %get3A_747, %shift_right_logical3A_749 : vector<16xi32>
          %and3A_751 = arith.constant 255 : i32
          %and3A_752 = vector.broadcast %and3A_751 : i32 to vector<16xi32>
          %and3A_753 = arith.andi %shift_right_logical3A_750, %and3A_752 : vector<16xi32>
          %broadcast_in_dim3A_754 = arith.constant true
          %broadcast_in_dim3A_755 = vector.broadcast %broadcast_in_dim3A_754 : i1 to vector<16xi1>
          %unique3A_756, %unique3A_757 = tpu.scan_count mask(%broadcast_in_dim3A_755 : vector<16xi1>) value(%and3A_753 : vector<16xi32>) : vector<16xi1>, vector<16xi32>
          tpu.vector_store_idx %arg15[%and3A_753], %unique3A_757 masked %unique3A_756 {add = true} : memref<256xi32, #tpu.memory_space<vmem>>[vector<16xi32>], vector<16xi32>, vector<16xi1>
          %mul3A_758 = arith.constant 64 : i32
          %mul3A_759 = arith.muli %mul3A_758, %scan3A_726 : i32
          %add3A_760 = arith.constant 32 : i32
          %add3A_761 = arith.addi %mul3A_759, %add3A_760 : i32
          %get3A_762 = arith.index_cast %add3A_761 : i32 to index
          %get3A_763 = tpu.vector_load %arg12[%get3A_762] {strides = array<i32>} : memref<1024xi32, #tpu.memory_space<vmem>>, vector<16xi32>,
          %shift_right_logical3A_764 = arith.constant 8 : i32
          %shift_right_logical3A_765 = vector.broadcast %shift_right_logical3A_764 : i32 to vector<16xi32>
          %shift_right_logical3A_766 = arith.shrui %get3A_763, %shift_right_logical3A_765 : vector<16xi32>
          %and3A_767 = arith.constant 255 : i32
          %and3A_768 = vector.broadcast %and3A_767 : i32 to vector<16xi32>
          %and3A_769 = arith.andi %shift_right_logical3A_766, %and3A_768 : vector<16xi32>
          %broadcast_in_dim3A_770 = arith.constant true
          %broadcast_in_dim3A_771 = vector.broadcast %broadcast_in_dim3A_770 : i1 to vector<16xi1>
          %unique3A_772, %unique3A_773 = tpu.scan_count mask(%broadcast_in_dim3A_771 : vector<16xi1>) value(%and3A_769 : vector<16xi32>) : vector<16xi1>, vector<16xi32>
          tpu.vector_store_idx %arg15[%and3A_769], %unique3A_773 masked %unique3A_772 {add = true} : memref<256xi32, #tpu.memory_space<vmem>>[vector<16xi32>], vector<16xi32>, vector<16xi1>
          %mul3A_774 = arith.constant 64 : i32
          %mul3A_775 = arith.muli %mul3A_774, %scan3A_726 : i32
          %add3A_776 = arith.constant 48 : i32
          %add3A_777 = arith.addi %mul3A_775, %add3A_776 : i32
          %get3A_778 = arith.index_cast %add3A_777 : i32 to index
          %get3A_779 = tpu.vector_load %arg12[%get3A_778] {strides = array<i32>} : memref<1024xi32, #tpu.memory_space<vmem>>, vector<16xi32>,
          %shift_right_logical3A_780 = arith.constant 8 : i32
          %shift_right_logical3A_781 = vector.broadcast %shift_right_logical3A_780 : i32 to vector<16xi32>
          %shift_right_logical3A_782 = arith.shrui %get3A_779, %shift_right_logical3A_781 : vector<16xi32>
          %and3A_783 = arith.constant 255 : i32
          %and3A_784 = vector.broadcast %and3A_783 : i32 to vector<16xi32>
          %and3A_785 = arith.andi %shift_right_logical3A_782, %and3A_784 : vector<16xi32>
          %broadcast_in_dim3A_786 = arith.constant true
          %broadcast_in_dim3A_787 = vector.broadcast %broadcast_in_dim3A_786 : i1 to vector<16xi1>
          %unique3A_788, %unique3A_789 = tpu.scan_count mask(%broadcast_in_dim3A_787 : vector<16xi1>) value(%and3A_785 : vector<16xi32>) : vector<16xi1>, vector<16xi32>
          tpu.vector_store_idx %arg15[%and3A_785], %unique3A_789 masked %unique3A_788 {add = true} : memref<256xi32, #tpu.memory_space<vmem>>[vector<16xi32>], vector<16xi32>, vector<16xi1>
          %scan3A_790 = arith.constant 0 : i32
          scf.yield %scan3A_790 : i32
        }
        %scan3A_432 = arith.constant 16 : i32
        %get3A_433 = arith.constant 0 : index
        %get3A_434 = tpu.vector_load %arg15[%get3A_433] {strides = array<i32>} : memref<256xi32, #tpu.memory_space<vmem>>, vector<16xi32>,
        %broadcast_in_dim3A_435 = arith.constant true
        %broadcast_in_dim3A_436 = vector.broadcast %broadcast_in_dim3A_435 : i1 to vector<16xi1>
        %masked_cumsum3A_437 = tpu.scan <sum>, %get3A_434 masked %broadcast_in_dim3A_436 : vector<16xi32>, vector<16xi1> -> vector<16xi32>
        %sub3A_438 = arith.subi %masked_cumsum3A_437, %get3A_434 : vector<16xi32>
        %add3A_439 = arith.constant 0 : i32
        %add3A_440 = vector.broadcast %add3A_439 : i32 to vector<16xi32>
        %add3A_441 = arith.addi %sub3A_438, %add3A_440 : vector<16xi32>
        %swap3A_442 = arith.constant 0 : index
        %swap3A_443 = tpu.vector_load %arg15[%swap3A_442] {strides = array<i32>} : memref<256xi32, #tpu.memory_space<vmem>>, vector<16xi32>,
        tpu.vector_store %arg15[%swap3A_442], %add3A_441 {strides = array<i32>} : memref<256xi32, #tpu.memory_space<vmem>>, vector<16xi32>,
        %reduce_sum3A_444 = arith.constant true
        %reduce_sum3A_445 = vector.broadcast %reduce_sum3A_444 : i1 to vector<16xi1>
        %reduce_sum3A_446 = tpu.scan <sum>, %get3A_434 masked %reduce_sum3A_445 : vector<16xi32>, vector<16xi1> -> vector<16xi32>
        %reduce_sum3A_447 = vector.extract %reduce_sum3A_446[15] : i32 from vector<16xi32>
        %add3A_448 = arith.constant 0 : i32
        %add3A_449 = arith.addi %add3A_448, %reduce_sum3A_447 : i32
        %get3A_450 = arith.constant 16 : index
        %get3A_451 = tpu.vector_load %arg15[%get3A_450] {strides = array<i32>} : memref<256xi32, #tpu.memory_space<vmem>>, vector<16xi32>,
        %broadcast_in_dim3A_452 = arith.constant true
        %broadcast_in_dim3A_453 = vector.broadcast %broadcast_in_dim3A_452 : i1 to vector<16xi1>
        %masked_cumsum3A_454 = tpu.scan <sum>, %get3A_451 masked %broadcast_in_dim3A_453 : vector<16xi32>, vector<16xi1> -> vector<16xi32>
        %sub3A_455 = arith.subi %masked_cumsum3A_454, %get3A_451 : vector<16xi32>
        %add3A_456 = vector.broadcast %add3A_449 : i32 to vector<16xi32>
        %add3A_457 = arith.addi %sub3A_455, %add3A_456 : vector<16xi32>
        %swap3A_458 = arith.constant 16 : index
        %swap3A_459 = tpu.vector_load %arg15[%swap3A_458] {strides = array<i32>} : memref<256xi32, #tpu.memory_space<vmem>>, vector<16xi32>,
        tpu.vector_store %arg15[%swap3A_458], %add3A_457 {strides = array<i32>} : memref<256xi32, #tpu.memory_space<vmem>>, vector<16xi32>,
        %reduce_sum3A_460 = arith.constant true
        %reduce_sum3A_461 = vector.broadcast %reduce_sum3A_460 : i1 to vector<16xi1>
        %reduce_sum3A_462 = tpu.scan <sum>, %get3A_451 masked %reduce_sum3A_461 : vector<16xi32>, vector<16xi1> -> vector<16xi32>
        %reduce_sum3A_463 = vector.extract %reduce_sum3A_462[15] : i32 from vector<16xi32>
        %add3A_464 = arith.addi %add3A_449, %reduce_sum3A_463 : i32
        %get3A_465 = arith.constant 32 : index
        %get3A_466 = tpu.vector_load %arg15[%get3A_465] {strides = array<i32>} : memref<256xi32, #tpu.memory_space<vmem>>, vector<16xi32>,
        %broadcast_in_dim3A_467 = arith.constant true
        %broadcast_in_dim3A_468 = vector.broadcast %broadcast_in_dim3A_467 : i1 to vector<16xi1>
        %masked_cumsum3A_469 = tpu.scan <sum>, %get3A_466 masked %broadcast_in_dim3A_468 : vector<16xi32>, vector<16xi1> -> vector<16xi32>
        %sub3A_470 = arith.subi %masked_cumsum3A_469, %get3A_466 : vector<16xi32>
        %add3A_471 = vector.broadcast %add3A_464 : i32 to vector<16xi32>
        %add3A_472 = arith.addi %sub3A_470, %add3A_471 : vector<16xi32>
        %swap3A_473 = arith.constant 32 : index
        %swap3A_474 = tpu.vector_load %arg15[%swap3A_473] {strides = array<i32>} : memref<256xi32, #tpu.memory_space<vmem>>, vector<16xi32>,
        tpu.vector_store %arg15[%swap3A_473], %add3A_472 {strides = array<i32>} : memref<256xi32, #tpu.memory_space<vmem>>, vector<16xi32>,
        %reduce_sum3A_475 = arith.constant true
        %reduce_sum3A_476 = vector.broadcast %reduce_sum3A_475 : i1 to vector<16xi1>
        %reduce_sum3A_477 = tpu.scan <sum>, %get3A_466 masked %reduce_sum3A_476 : vector<16xi32>, vector<16xi1> -> vector<16xi32>
        %reduce_sum3A_478 = vector.extract %reduce_sum3A_477[15] : i32 from vector<16xi32>
        %add3A_479 = arith.addi %add3A_464, %reduce_sum3A_478 : i32
        %get3A_480 = arith.constant 48 : index
        %get3A_481 = tpu.vector_load %arg15[%get3A_480] {strides = array<i32>} : memref<256xi32, #tpu.memory_space<vmem>>, vector<16xi32>,
        %broadcast_in_dim3A_482 = arith.constant true
        %broadcast_in_dim3A_483 = vector.broadcast %broadcast_in_dim3A_482 : i1 to vector<16xi1>
        %masked_cumsum3A_484 = tpu.scan <sum>, %get3A_481 masked %broadcast_in_dim3A_483 : vector<16xi32>, vector<16xi1> -> vector<16xi32>
        %sub3A_485 = arith.subi %masked_cumsum3A_484, %get3A_481 : vector<16xi32>
        %add3A_486 = vector.broadcast %add3A_479 : i32 to vector<16xi32>
        %add3A_487 = arith.addi %sub3A_485, %add3A_486 : vector<16xi32>
        %swap3A_488 = arith.constant 48 : index
        %swap3A_489 = tpu.vector_load %arg15[%swap3A_488] {strides = array<i32>} : memref<256xi32, #tpu.memory_space<vmem>>, vector<16xi32>,
        tpu.vector_store %arg15[%swap3A_488], %add3A_487 {strides = array<i32>} : memref<256xi32, #tpu.memory_space<vmem>>, vector<16xi32>,
        %reduce_sum3A_490 = arith.constant true
        %reduce_sum3A_491 = vector.broadcast %reduce_sum3A_490 : i1 to vector<16xi1>
        %reduce_sum3A_492 = tpu.scan <sum>, %get3A_481 masked %reduce_sum3A_491 : vector<16xi32>, vector<16xi1> -> vector<16xi32>
        %reduce_sum3A_493 = vector.extract %reduce_sum3A_492[15] : i32 from vector<16xi32>
        %add3A_494 = arith.addi %add3A_479, %reduce_sum3A_493 : i32
        %get3A_495 = arith.constant 64 : index
        %get3A_496 = tpu.vector_load %arg15[%get3A_495] {strides = array<i32>} : memref<256xi32, #tpu.memory_space<vmem>>, vector<16xi32>,
        %broadcast_in_dim3A_497 = arith.constant true
        %broadcast_in_dim3A_498 = vector.broadcast %broadcast_in_dim3A_497 : i1 to vector<16xi1>
        %masked_cumsum3A_499 = tpu.scan <sum>, %get3A_496 masked %broadcast_in_dim3A_498 : vector<16xi32>, vector<16xi1> -> vector<16xi32>
        %sub3A_500 = arith.subi %masked_cumsum3A_499, %get3A_496 : vector<16xi32>
        %add3A_501 = vector.broadcast %add3A_494 : i32 to vector<16xi32>
        %add3A_502 = arith.addi %sub3A_500, %add3A_501 : vector<16xi32>
        %swap3A_503 = arith.constant 64 : index
        %swap3A_504 = tpu.vector_load %arg15[%swap3A_503] {strides = array<i32>} : memref<256xi32, #tpu.memory_space<vmem>>, vector<16xi32>,
        tpu.vector_store %arg15[%swap3A_503], %add3A_502 {strides = array<i32>} : memref<256xi32, #tpu.memory_space<vmem>>, vector<16xi32>,
        %reduce_sum3A_505 = arith.constant true
        %reduce_sum3A_506 = vector.broadcast %reduce_sum3A_505 : i1 to vector<16xi1>
        %reduce_sum3A_507 = tpu.scan <sum>, %get3A_496 masked %reduce_sum3A_506 : vector<16xi32>, vector<16xi1> -> vector<16xi32>
        %reduce_sum3A_508 = vector.extract %reduce_sum3A_507[15] : i32 from vector<16xi32>
        %add3A_509 = arith.addi %add3A_494, %reduce_sum3A_508 : i32
        %get3A_510 = arith.constant 80 : index
        %get3A_511 = tpu.vector_load %arg15[%get3A_510] {strides = array<i32>} : memref<256xi32, #tpu.memory_space<vmem>>, vector<16xi32>,
        %broadcast_in_dim3A_512 = arith.constant true
        %broadcast_in_dim3A_513 = vector.broadcast %broadcast_in_dim3A_512 : i1 to vector<16xi1>
        %masked_cumsum3A_514 = tpu.scan <sum>, %get3A_511 masked %broadcast_in_dim3A_513 : vector<16xi32>, vector<16xi1> -> vector<16xi32>
        %sub3A_515 = arith.subi %masked_cumsum3A_514, %get3A_511 : vector<16xi32>
        %add3A_516 = vector.broadcast %add3A_509 : i32 to vector<16xi32>
        %add3A_517 = arith.addi %sub3A_515, %add3A_516 : vector<16xi32>
        %swap3A_518 = arith.constant 80 : index
        %swap3A_519 = tpu.vector_load %arg15[%swap3A_518] {strides = array<i32>} : memref<256xi32, #tpu.memory_space<vmem>>, vector<16xi32>,
        tpu.vector_store %arg15[%swap3A_518], %add3A_517 {strides = array<i32>} : memref<256xi32, #tpu.memory_space<vmem>>, vector<16xi32>,
        %reduce_sum3A_520 = arith.constant true
        %reduce_sum3A_521 = vector.broadcast %reduce_sum3A_520 : i1 to vector<16xi1>
        %reduce_sum3A_522 = tpu.scan <sum>, %get3A_511 masked %reduce_sum3A_521 : vector<16xi32>, vector<16xi1> -> vector<16xi32>
        %reduce_sum3A_523 = vector.extract %reduce_sum3A_522[15] : i32 from vector<16xi32>
        %add3A_524 = arith.addi %add3A_509, %reduce_sum3A_523 : i32
        %get3A_525 = arith.constant 96 : index
        %get3A_526 = tpu.vector_load %arg15[%get3A_525] {strides = array<i32>} : memref<256xi32, #tpu.memory_space<vmem>>, vector<16xi32>,
        %broadcast_in_dim3A_527 = arith.constant true
        %broadcast_in_dim3A_528 = vector.broadcast %broadcast_in_dim3A_527 : i1 to vector<16xi1>
        %masked_cumsum3A_529 = tpu.scan <sum>, %get3A_526 masked %broadcast_in_dim3A_528 : vector<16xi32>, vector<16xi1> -> vector<16xi32>
        %sub3A_530 = arith.subi %masked_cumsum3A_529, %get3A_526 : vector<16xi32>
        %add3A_531 = vector.broadcast %add3A_524 : i32 to vector<16xi32>
        %add3A_532 = arith.addi %sub3A_530, %add3A_531 : vector<16xi32>
        %swap3A_533 = arith.constant 96 : index
        %swap3A_534 = tpu.vector_load %arg15[%swap3A_533] {strides = array<i32>} : memref<256xi32, #tpu.memory_space<vmem>>, vector<16xi32>,
        tpu.vector_store %arg15[%swap3A_533], %add3A_532 {strides = array<i32>} : memref<256xi32, #tpu.memory_space<vmem>>, vector<16xi32>,
        %reduce_sum3A_535 = arith.constant true
        %reduce_sum3A_536 = vector.broadcast %reduce_sum3A_535 : i1 to vector<16xi1>
        %reduce_sum3A_537 = tpu.scan <sum>, %get3A_526 masked %reduce_sum3A_536 : vector<16xi32>, vector<16xi1> -> vector<16xi32>
        %reduce_sum3A_538 = vector.extract %reduce_sum3A_537[15] : i32 from vector<16xi32>
        %add3A_539 = arith.addi %add3A_524, %reduce_sum3A_538 : i32
        %get3A_540 = arith.constant 112 : index
        %get3A_541 = tpu.vector_load %arg15[%get3A_540] {strides = array<i32>} : memref<256xi32, #tpu.memory_space<vmem>>, vector<16xi32>,
        %broadcast_in_dim3A_542 = arith.constant true
        %broadcast_in_dim3A_543 = vector.broadcast %broadcast_in_dim3A_542 : i1 to vector<16xi1>
        %masked_cumsum3A_544 = tpu.scan <sum>, %get3A_541 masked %broadcast_in_dim3A_543 : vector<16xi32>, vector<16xi1> -> vector<16xi32>
        %sub3A_545 = arith.subi %masked_cumsum3A_544, %get3A_541 : vector<16xi32>
        %add3A_546 = vector.broadcast %add3A_539 : i32 to vector<16xi32>
        %add3A_547 = arith.addi %sub3A_545, %add3A_546 : vector<16xi32>
        %swap3A_548 = arith.constant 112 : index
        %swap3A_549 = tpu.vector_load %arg15[%swap3A_548] {strides = array<i32>} : memref<256xi32, #tpu.memory_space<vmem>>, vector<16xi32>,
        tpu.vector_store %arg15[%swap3A_548], %add3A_547 {strides = array<i32>} : memref<256xi32, #tpu.memory_space<vmem>>, vector<16xi32>,
        %reduce_sum3A_550 = arith.constant true
        %reduce_sum3A_551 = vector.broadcast %reduce_sum3A_550 : i1 to vector<16xi1>
        %reduce_sum3A_552 = tpu.scan <sum>, %get3A_541 masked %reduce_sum3A_551 : vector<16xi32>, vector<16xi1> -> vector<16xi32>
        %reduce_sum3A_553 = vector.extract %reduce_sum3A_552[15] : i32 from vector<16xi32>
        %add3A_554 = arith.addi %add3A_539, %reduce_sum3A_553 : i32
        %get3A_555 = arith.constant 128 : index
        %get3A_556 = tpu.vector_load %arg15[%get3A_555] {strides = array<i32>} : memref<256xi32, #tpu.memory_space<vmem>>, vector<16xi32>,
        %broadcast_in_dim3A_557 = arith.constant true
        %broadcast_in_dim3A_558 = vector.broadcast %broadcast_in_dim3A_557 : i1 to vector<16xi1>
        %masked_cumsum3A_559 = tpu.scan <sum>, %get3A_556 masked %broadcast_in_dim3A_558 : vector<16xi32>, vector<16xi1> -> vector<16xi32>
        %sub3A_560 = arith.subi %masked_cumsum3A_559, %get3A_556 : vector<16xi32>
        %add3A_561 = vector.broadcast %add3A_554 : i32 to vector<16xi32>
        %add3A_562 = arith.addi %sub3A_560, %add3A_561 : vector<16xi32>
        %swap3A_563 = arith.constant 128 : index
        %swap3A_564 = tpu.vector_load %arg15[%swap3A_563] {strides = array<i32>} : memref<256xi32, #tpu.memory_space<vmem>>, vector<16xi32>,
        tpu.vector_store %arg15[%swap3A_563], %add3A_562 {strides = array<i32>} : memref<256xi32, #tpu.memory_space<vmem>>, vector<16xi32>,
        %reduce_sum3A_565 = arith.constant true
        %reduce_sum3A_566 = vector.broadcast %reduce_sum3A_565 : i1 to vector<16xi1>
        %reduce_sum3A_567 = tpu.scan <sum>, %get3A_556 masked %reduce_sum3A_566 : vector<16xi32>, vector<16xi1> -> vector<16xi32>
        %reduce_sum3A_568 = vector.extract %reduce_sum3A_567[15] : i32 from vector<16xi32>
        %add3A_569 = arith.addi %add3A_554, %reduce_sum3A_568 : i32
        %get3A_570 = arith.constant 144 : index
        %get3A_571 = tpu.vector_load %arg15[%get3A_570] {strides = array<i32>} : memref<256xi32, #tpu.memory_space<vmem>>, vector<16xi32>,
        %broadcast_in_dim3A_572 = arith.constant true
        %broadcast_in_dim3A_573 = vector.broadcast %broadcast_in_dim3A_572 : i1 to vector<16xi1>
        %masked_cumsum3A_574 = tpu.scan <sum>, %get3A_571 masked %broadcast_in_dim3A_573 : vector<16xi32>, vector<16xi1> -> vector<16xi32>
        %sub3A_575 = arith.subi %masked_cumsum3A_574, %get3A_571 : vector<16xi32>
        %add3A_576 = vector.broadcast %add3A_569 : i32 to vector<16xi32>
        %add3A_577 = arith.addi %sub3A_575, %add3A_576 : vector<16xi32>
        %swap3A_578 = arith.constant 144 : index
        %swap3A_579 = tpu.vector_load %arg15[%swap3A_578] {strides = array<i32>} : memref<256xi32, #tpu.memory_space<vmem>>, vector<16xi32>,
        tpu.vector_store %arg15[%swap3A_578], %add3A_577 {strides = array<i32>} : memref<256xi32, #tpu.memory_space<vmem>>, vector<16xi32>,
        %reduce_sum3A_580 = arith.constant true
        %reduce_sum3A_581 = vector.broadcast %reduce_sum3A_580 : i1 to vector<16xi1>
        %reduce_sum3A_582 = tpu.scan <sum>, %get3A_571 masked %reduce_sum3A_581 : vector<16xi32>, vector<16xi1> -> vector<16xi32>
        %reduce_sum3A_583 = vector.extract %reduce_sum3A_582[15] : i32 from vector<16xi32>
        %add3A_584 = arith.addi %add3A_569, %reduce_sum3A_583 : i32
        %get3A_585 = arith.constant 160 : index
        %get3A_586 = tpu.vector_load %arg15[%get3A_585] {strides = array<i32>} : memref<256xi32, #tpu.memory_space<vmem>>, vector<16xi32>,
        %broadcast_in_dim3A_587 = arith.constant true
        %broadcast_in_dim3A_588 = vector.broadcast %broadcast_in_dim3A_587 : i1 to vector<16xi1>
        %masked_cumsum3A_589 = tpu.scan <sum>, %get3A_586 masked %broadcast_in_dim3A_588 : vector<16xi32>, vector<16xi1> -> vector<16xi32>
        %sub3A_590 = arith.subi %masked_cumsum3A_589, %get3A_586 : vector<16xi32>
        %add3A_591 = vector.broadcast %add3A_584 : i32 to vector<16xi32>
        %add3A_592 = arith.addi %sub3A_590, %add3A_591 : vector<16xi32>
        %swap3A_593 = arith.constant 160 : index
        %swap3A_594 = tpu.vector_load %arg15[%swap3A_593] {strides = array<i32>} : memref<256xi32, #tpu.memory_space<vmem>>, vector<16xi32>,
        tpu.vector_store %arg15[%swap3A_593], %add3A_592 {strides = array<i32>} : memref<256xi32, #tpu.memory_space<vmem>>, vector<16xi32>,
        %reduce_sum3A_595 = arith.constant true
        %reduce_sum3A_596 = vector.broadcast %reduce_sum3A_595 : i1 to vector<16xi1>
        %reduce_sum3A_597 = tpu.scan <sum>, %get3A_586 masked %reduce_sum3A_596 : vector<16xi32>, vector<16xi1> -> vector<16xi32>
        %reduce_sum3A_598 = vector.extract %reduce_sum3A_597[15] : i32 from vector<16xi32>
        %add3A_599 = arith.addi %add3A_584, %reduce_sum3A_598 : i32
        %get3A_600 = arith.constant 176 : index
        %get3A_601 = tpu.vector_load %arg15[%get3A_600] {strides = array<i32>} : memref<256xi32, #tpu.memory_space<vmem>>, vector<16xi32>,
        %broadcast_in_dim3A_602 = arith.constant true
        %broadcast_in_dim3A_603 = vector.broadcast %broadcast_in_dim3A_602 : i1 to vector<16xi1>
        %masked_cumsum3A_604 = tpu.scan <sum>, %get3A_601 masked %broadcast_in_dim3A_603 : vector<16xi32>, vector<16xi1> -> vector<16xi32>
        %sub3A_605 = arith.subi %masked_cumsum3A_604, %get3A_601 : vector<16xi32>
        %add3A_606 = vector.broadcast %add3A_599 : i32 to vector<16xi32>
        %add3A_607 = arith.addi %sub3A_605, %add3A_606 : vector<16xi32>
        %swap3A_608 = arith.constant 176 : index
        %swap3A_609 = tpu.vector_load %arg15[%swap3A_608] {strides = array<i32>} : memref<256xi32, #tpu.memory_space<vmem>>, vector<16xi32>,
        tpu.vector_store %arg15[%swap3A_608], %add3A_607 {strides = array<i32>} : memref<256xi32, #tpu.memory_space<vmem>>, vector<16xi32>,
        %reduce_sum3A_610 = arith.constant true
        %reduce_sum3A_611 = vector.broadcast %reduce_sum3A_610 : i1 to vector<16xi1>
        %reduce_sum3A_612 = tpu.scan <sum>, %get3A_601 masked %reduce_sum3A_611 : vector<16xi32>, vector<16xi1> -> vector<16xi32>
        %reduce_sum3A_613 = vector.extract %reduce_sum3A_612[15] : i32 from vector<16xi32>
        %add3A_614 = arith.addi %add3A_599, %reduce_sum3A_613 : i32
        %get3A_615 = arith.constant 192 : index
        %get3A_616 = tpu.vector_load %arg15[%get3A_615] {strides = array<i32>} : memref<256xi32, #tpu.memory_space<vmem>>, vector<16xi32>,
        %broadcast_in_dim3A_617 = arith.constant true
        %broadcast_in_dim3A_618 = vector.broadcast %broadcast_in_dim3A_617 : i1 to vector<16xi1>
        %masked_cumsum3A_619 = tpu.scan <sum>, %get3A_616 masked %broadcast_in_dim3A_618 : vector<16xi32>, vector<16xi1> -> vector<16xi32>
        %sub3A_620 = arith.subi %masked_cumsum3A_619, %get3A_616 : vector<16xi32>
        %add3A_621 = vector.broadcast %add3A_614 : i32 to vector<16xi32>
        %add3A_622 = arith.addi %sub3A_620, %add3A_621 : vector<16xi32>
        %swap3A_623 = arith.constant 192 : index
        %swap3A_624 = tpu.vector_load %arg15[%swap3A_623] {strides = array<i32>} : memref<256xi32, #tpu.memory_space<vmem>>, vector<16xi32>,
        tpu.vector_store %arg15[%swap3A_623], %add3A_622 {strides = array<i32>} : memref<256xi32, #tpu.memory_space<vmem>>, vector<16xi32>,
        %reduce_sum3A_625 = arith.constant true
        %reduce_sum3A_626 = vector.broadcast %reduce_sum3A_625 : i1 to vector<16xi1>
        %reduce_sum3A_627 = tpu.scan <sum>, %get3A_616 masked %reduce_sum3A_626 : vector<16xi32>, vector<16xi1> -> vector<16xi32>
        %reduce_sum3A_628 = vector.extract %reduce_sum3A_627[15] : i32 from vector<16xi32>
        %add3A_629 = arith.addi %add3A_614, %reduce_sum3A_628 : i32
        %get3A_630 = arith.constant 208 : index
        %get3A_631 = tpu.vector_load %arg15[%get3A_630] {strides = array<i32>} : memref<256xi32, #tpu.memory_space<vmem>>, vector<16xi32>,
        %broadcast_in_dim3A_632 = arith.constant true
        %broadcast_in_dim3A_633 = vector.broadcast %broadcast_in_dim3A_632 : i1 to vector<16xi1>
        %masked_cumsum3A_634 = tpu.scan <sum>, %get3A_631 masked %broadcast_in_dim3A_633 : vector<16xi32>, vector<16xi1> -> vector<16xi32>
        %sub3A_635 = arith.subi %masked_cumsum3A_634, %get3A_631 : vector<16xi32>
        %add3A_636 = vector.broadcast %add3A_629 : i32 to vector<16xi32>
        %add3A_637 = arith.addi %sub3A_635, %add3A_636 : vector<16xi32>
        %swap3A_638 = arith.constant 208 : index
        %swap3A_639 = tpu.vector_load %arg15[%swap3A_638] {strides = array<i32>} : memref<256xi32, #tpu.memory_space<vmem>>, vector<16xi32>,
        tpu.vector_store %arg15[%swap3A_638], %add3A_637 {strides = array<i32>} : memref<256xi32, #tpu.memory_space<vmem>>, vector<16xi32>,
        %reduce_sum3A_640 = arith.constant true
        %reduce_sum3A_641 = vector.broadcast %reduce_sum3A_640 : i1 to vector<16xi1>
        %reduce_sum3A_642 = tpu.scan <sum>, %get3A_631 masked %reduce_sum3A_641 : vector<16xi32>, vector<16xi1> -> vector<16xi32>
        %reduce_sum3A_643 = vector.extract %reduce_sum3A_642[15] : i32 from vector<16xi32>
        %add3A_644 = arith.addi %add3A_629, %reduce_sum3A_643 : i32
        %get3A_645 = arith.constant 224 : index
        %get3A_646 = tpu.vector_load %arg15[%get3A_645] {strides = array<i32>} : memref<256xi32, #tpu.memory_space<vmem>>, vector<16xi32>,
        %broadcast_in_dim3A_647 = arith.constant true
        %broadcast_in_dim3A_648 = vector.broadcast %broadcast_in_dim3A_647 : i1 to vector<16xi1>
        %masked_cumsum3A_649 = tpu.scan <sum>, %get3A_646 masked %broadcast_in_dim3A_648 : vector<16xi32>, vector<16xi1> -> vector<16xi32>
        %sub3A_650 = arith.subi %masked_cumsum3A_649, %get3A_646 : vector<16xi32>
        %add3A_651 = vector.broadcast %add3A_644 : i32 to vector<16xi32>
        %add3A_652 = arith.addi %sub3A_650, %add3A_651 : vector<16xi32>
        %swap3A_653 = arith.constant 224 : index
        %swap3A_654 = tpu.vector_load %arg15[%swap3A_653] {strides = array<i32>} : memref<256xi32, #tpu.memory_space<vmem>>, vector<16xi32>,
        tpu.vector_store %arg15[%swap3A_653], %add3A_652 {strides = array<i32>} : memref<256xi32, #tpu.memory_space<vmem>>, vector<16xi32>,
        %reduce_sum3A_655 = arith.constant true
        %reduce_sum3A_656 = vector.broadcast %reduce_sum3A_655 : i1 to vector<16xi1>
        %reduce_sum3A_657 = tpu.scan <sum>, %get3A_646 masked %reduce_sum3A_656 : vector<16xi32>, vector<16xi1> -> vector<16xi32>
        %reduce_sum3A_658 = vector.extract %reduce_sum3A_657[15] : i32 from vector<16xi32>
        %add3A_659 = arith.addi %add3A_644, %reduce_sum3A_658 : i32
        %get3A_660 = arith.constant 240 : index
        %get3A_661 = tpu.vector_load %arg15[%get3A_660] {strides = array<i32>} : memref<256xi32, #tpu.memory_space<vmem>>, vector<16xi32>,
        %broadcast_in_dim3A_662 = arith.constant true
        %broadcast_in_dim3A_663 = vector.broadcast %broadcast_in_dim3A_662 : i1 to vector<16xi1>
        %masked_cumsum3A_664 = tpu.scan <sum>, %get3A_661 masked %broadcast_in_dim3A_663 : vector<16xi32>, vector<16xi1> -> vector<16xi32>
        %sub3A_665 = arith.subi %masked_cumsum3A_664, %get3A_661 : vector<16xi32>
        %add3A_666 = vector.broadcast %add3A_659 : i32 to vector<16xi32>
        %add3A_667 = arith.addi %sub3A_665, %add3A_666 : vector<16xi32>
        %swap3A_668 = arith.constant 240 : index
        %swap3A_669 = tpu.vector_load %arg15[%swap3A_668] {strides = array<i32>} : memref<256xi32, #tpu.memory_space<vmem>>, vector<16xi32>,
        tpu.vector_store %arg15[%swap3A_668], %add3A_667 {strides = array<i32>} : memref<256xi32, #tpu.memory_space<vmem>>, vector<16xi32>,
        %reduce_sum3A_670 = arith.constant true
        %reduce_sum3A_671 = vector.broadcast %reduce_sum3A_670 : i1 to vector<16xi1>
        %reduce_sum3A_672 = tpu.scan <sum>, %get3A_661 masked %reduce_sum3A_671 : vector<16xi32>, vector<16xi1> -> vector<16xi32>
        %reduce_sum3A_673 = vector.extract %reduce_sum3A_672[15] : i32 from vector<16xi32>
        %add3A_674 = arith.addi %add3A_659, %reduce_sum3A_673 : i32
        %scan3A_675 = arith.constant 0 : i32
        %scan3A_676 = arith.constant 0 : i32
        %scan3A_677 = arith.constant 16 : i32
        %scan3A_678 = arith.addi %scan3A_676, %scan3A_677 : i32
        %scan3A_679 = arith.constant 1 : i32
        %scan3A_680 = scf.for %scan3A_726 = %scan3A_676 to %scan3A_678 step %scan3A_679 iter_args(%scan3A_727 = %scan3A_675) -> (i32)  : i32 {
          %mul3A_728 = arith.constant 64 : i32
          %mul3A_729 = arith.muli %mul3A_728, %scan3A_726 : i32
          %add3A_730 = arith.constant 0 : i32
          %add3A_731 = arith.addi %mul3A_729, %add3A_730 : i32
          %get3A_732 = arith.index_cast %add3A_731 : i32 to index
          %get3A_733 = tpu.vector_load %arg12[%get3A_732] {strides = array<i32>} : memref<1024xi32, #tpu.memory_space<vmem>>, vector<16xi32>,
          %get3A_734 = arith.index_cast %add3A_731 : i32 to index
          %get3A_735 = tpu.vector_load %arg13[%get3A_734] {strides = array<i32>} : memref<1024xi32, #tpu.memory_space<vmem>>, vector<16xi32>,
          %shift_right_logical3A_736 = arith.constant 8 : i32
          %shift_right_logical3A_737 = vector.broadcast %shift_right_logical3A_736 : i32 to vector<16xi32>
          %shift_right_logical3A_738 = arith.shrui %get3A_733, %shift_right_logical3A_737 : vector<16xi32>
          %and3A = arith.constant 255 : i32
          %and3A_739 = vector.broadcast %and3A : i32 to vector<16xi32>
          %and3A_740 = arith.andi %shift_right_logical3A_738, %and3A_739 : vector<16xi32>
          %broadcast_in_dim3A_741 = arith.constant true
          %broadcast_in_dim3A_742 = vector.broadcast %broadcast_in_dim3A_741 : i1 to vector<16xi1>
          %unique3A, %unique3A_743 = tpu.scan_count mask(%broadcast_in_dim3A_742 : vector<16xi1>) value(%and3A_740 : vector<16xi32>) : vector<16xi1>, vector<16xi32>
          %gather3A_744 = tpu.vector_load_idx %arg15[%and3A_740] : memref<256xi32, #tpu.memory_space<vmem>>[vector<16xi32>], vector<16xi32>,
          %add3A_745 = arith.addi %gather3A_744, %unique3A_743 : vector<16xi32>
          %sub3A_746 = arith.constant 1 : i32
          %sub3A_747 = vector.broadcast %sub3A_746 : i32 to vector<16xi32>
          %sub3A_748 = arith.subi %add3A_745, %sub3A_747 : vector<16xi32>
          tpu.vector_store_idx %arg10[%sub3A_748], %get3A_733 : memref<1024xi32, #tpu.memory_space<vmem>>[vector<16xi32>], vector<16xi32>,
          tpu.vector_store_idx %arg11[%sub3A_748], %get3A_735 : memref<1024xi32, #tpu.memory_space<vmem>>[vector<16xi32>], vector<16xi32>,
          %add3A_749 = arith.constant 1 : i32
          %add3A_750 = vector.broadcast %add3A_749 : i32 to vector<16xi32>
          %add3A_751 = arith.addi %sub3A_748, %add3A_750 : vector<16xi32>
          tpu.vector_store_idx %arg14[%add3A_751], %get3A_733 : memref<1040xi32, #tpu.memory_space<vmem>>[vector<16xi32>], vector<16xi32>,
          tpu.vector_store_idx %arg15[%and3A_740], %unique3A_743 masked %unique3A {add = true} : memref<256xi32, #tpu.memory_space<vmem>>[vector<16xi32>], vector<16xi32>, vector<16xi1>
          %mul3A_752 = arith.constant 64 : i32
          %mul3A_753 = arith.muli %mul3A_752, %scan3A_726 : i32
          %add3A_754 = arith.constant 16 : i32
          %add3A_755 = arith.addi %mul3A_753, %add3A_754 : i32
          %get3A_756 = arith.index_cast %add3A_755 : i32 to index
          %get3A_757 = tpu.vector_load %arg12[%get3A_756] {strides = array<i32>} : memref<1024xi32, #tpu.memory_space<vmem>>, vector<16xi32>,
          %get3A_758 = arith.index_cast %add3A_755 : i32 to index
          %get3A_759 = tpu.vector_load %arg13[%get3A_758] {strides = array<i32>} : memref<1024xi32, #tpu.memory_space<vmem>>, vector<16xi32>,
          %shift_right_logical3A_760 = arith.constant 8 : i32
          %shift_right_logical3A_761 = vector.broadcast %shift_right_logical3A_760 : i32 to vector<16xi32>
          %shift_right_logical3A_762 = arith.shrui %get3A_757, %shift_right_logical3A_761 : vector<16xi32>
          %and3A_763 = arith.constant 255 : i32
          %and3A_764 = vector.broadcast %and3A_763 : i32 to vector<16xi32>
          %and3A_765 = arith.andi %shift_right_logical3A_762, %and3A_764 : vector<16xi32>
          %broadcast_in_dim3A_766 = arith.constant true
          %broadcast_in_dim3A_767 = vector.broadcast %broadcast_in_dim3A_766 : i1 to vector<16xi1>
          %unique3A_768, %unique3A_769 = tpu.scan_count mask(%broadcast_in_dim3A_767 : vector<16xi1>) value(%and3A_765 : vector<16xi32>) : vector<16xi1>, vector<16xi32>
          %gather3A_770 = tpu.vector_load_idx %arg15[%and3A_765] : memref<256xi32, #tpu.memory_space<vmem>>[vector<16xi32>], vector<16xi32>,
          %add3A_771 = arith.addi %gather3A_770, %unique3A_769 : vector<16xi32>
          %sub3A_772 = arith.constant 1 : i32
          %sub3A_773 = vector.broadcast %sub3A_772 : i32 to vector<16xi32>
          %sub3A_774 = arith.subi %add3A_771, %sub3A_773 : vector<16xi32>
          tpu.vector_store_idx %arg10[%sub3A_774], %get3A_757 : memref<1024xi32, #tpu.memory_space<vmem>>[vector<16xi32>], vector<16xi32>,
          tpu.vector_store_idx %arg11[%sub3A_774], %get3A_759 : memref<1024xi32, #tpu.memory_space<vmem>>[vector<16xi32>], vector<16xi32>,
          %add3A_775 = arith.constant 1 : i32
          %add3A_776 = vector.broadcast %add3A_775 : i32 to vector<16xi32>
          %add3A_777 = arith.addi %sub3A_774, %add3A_776 : vector<16xi32>
          tpu.vector_store_idx %arg14[%add3A_777], %get3A_757 : memref<1040xi32, #tpu.memory_space<vmem>>[vector<16xi32>], vector<16xi32>,
          tpu.vector_store_idx %arg15[%and3A_765], %unique3A_769 masked %unique3A_768 {add = true} : memref<256xi32, #tpu.memory_space<vmem>>[vector<16xi32>], vector<16xi32>, vector<16xi1>
          %mul3A_778 = arith.constant 64 : i32
          %mul3A_779 = arith.muli %mul3A_778, %scan3A_726 : i32
          %add3A_780 = arith.constant 32 : i32
          %add3A_781 = arith.addi %mul3A_779, %add3A_780 : i32
          %get3A_782 = arith.index_cast %add3A_781 : i32 to index
          %get3A_783 = tpu.vector_load %arg12[%get3A_782] {strides = array<i32>} : memref<1024xi32, #tpu.memory_space<vmem>>, vector<16xi32>,
          %get3A_784 = arith.index_cast %add3A_781 : i32 to index
          %get3A_785 = tpu.vector_load %arg13[%get3A_784] {strides = array<i32>} : memref<1024xi32, #tpu.memory_space<vmem>>, vector<16xi32>,
          %shift_right_logical3A_786 = arith.constant 8 : i32
          %shift_right_logical3A_787 = vector.broadcast %shift_right_logical3A_786 : i32 to vector<16xi32>
          %shift_right_logical3A_788 = arith.shrui %get3A_783, %shift_right_logical3A_787 : vector<16xi32>
          %and3A_789 = arith.constant 255 : i32
          %and3A_790 = vector.broadcast %and3A_789 : i32 to vector<16xi32>
          %and3A_791 = arith.andi %shift_right_logical3A_788, %and3A_790 : vector<16xi32>
          %broadcast_in_dim3A_792 = arith.constant true
          %broadcast_in_dim3A_793 = vector.broadcast %broadcast_in_dim3A_792 : i1 to vector<16xi1>
          %unique3A_794, %unique3A_795 = tpu.scan_count mask(%broadcast_in_dim3A_793 : vector<16xi1>) value(%and3A_791 : vector<16xi32>) : vector<16xi1>, vector<16xi32>
          %gather3A_796 = tpu.vector_load_idx %arg15[%and3A_791] : memref<256xi32, #tpu.memory_space<vmem>>[vector<16xi32>], vector<16xi32>,
          %add3A_797 = arith.addi %gather3A_796, %unique3A_795 : vector<16xi32>
          %sub3A_798 = arith.constant 1 : i32
          %sub3A_799 = vector.broadcast %sub3A_798 : i32 to vector<16xi32>
          %sub3A_800 = arith.subi %add3A_797, %sub3A_799 : vector<16xi32>
          tpu.vector_store_idx %arg10[%sub3A_800], %get3A_783 : memref<1024xi32, #tpu.memory_space<vmem>>[vector<16xi32>], vector<16xi32>,
          tpu.vector_store_idx %arg11[%sub3A_800], %get3A_785 : memref<1024xi32, #tpu.memory_space<vmem>>[vector<16xi32>], vector<16xi32>,
          %add3A_801 = arith.constant 1 : i32
          %add3A_802 = vector.broadcast %add3A_801 : i32 to vector<16xi32>
          %add3A_803 = arith.addi %sub3A_800, %add3A_802 : vector<16xi32>
          tpu.vector_store_idx %arg14[%add3A_803], %get3A_783 : memref<1040xi32, #tpu.memory_space<vmem>>[vector<16xi32>], vector<16xi32>,
          tpu.vector_store_idx %arg15[%and3A_791], %unique3A_795 masked %unique3A_794 {add = true} : memref<256xi32, #tpu.memory_space<vmem>>[vector<16xi32>], vector<16xi32>, vector<16xi1>
          %mul3A_804 = arith.constant 64 : i32
          %mul3A_805 = arith.muli %mul3A_804, %scan3A_726 : i32
          %add3A_806 = arith.constant 48 : i32
          %add3A_807 = arith.addi %mul3A_805, %add3A_806 : i32
          %get3A_808 = arith.index_cast %add3A_807 : i32 to index
          %get3A_809 = tpu.vector_load %arg12[%get3A_808] {strides = array<i32>} : memref<1024xi32, #tpu.memory_space<vmem>>, vector<16xi32>,
          %get3A_810 = arith.index_cast %add3A_807 : i32 to index
          %get3A_811 = tpu.vector_load %arg13[%get3A_810] {strides = array<i32>} : memref<1024xi32, #tpu.memory_space<vmem>>, vector<16xi32>,
          %shift_right_logical3A_812 = arith.constant 8 : i32
          %shift_right_logical3A_813 = vector.broadcast %shift_right_logical3A_812 : i32 to vector<16xi32>
          %shift_right_logical3A_814 = arith.shrui %get3A_809, %shift_right_logical3A_813 : vector<16xi32>
          %and3A_815 = arith.constant 255 : i32
          %and3A_816 = vector.broadcast %and3A_815 : i32 to vector<16xi32>
          %and3A_817 = arith.andi %shift_right_logical3A_814, %and3A_816 : vector<16xi32>
          %broadcast_in_dim3A_818 = arith.constant true
          %broadcast_in_dim3A_819 = vector.broadcast %broadcast_in_dim3A_818 : i1 to vector<16xi1>
          %unique3A_820, %unique3A_821 = tpu.scan_count mask(%broadcast_in_dim3A_819 : vector<16xi1>) value(%and3A_817 : vector<16xi32>) : vector<16xi1>, vector<16xi32>
          %gather3A_822 = tpu.vector_load_idx %arg15[%and3A_817] : memref<256xi32, #tpu.memory_space<vmem>>[vector<16xi32>], vector<16xi32>,
          %add3A_823 = arith.addi %gather3A_822, %unique3A_821 : vector<16xi32>
          %sub3A_824 = arith.constant 1 : i32
          %sub3A_825 = vector.broadcast %sub3A_824 : i32 to vector<16xi32>
          %sub3A_826 = arith.subi %add3A_823, %sub3A_825 : vector<16xi32>
          tpu.vector_store_idx %arg10[%sub3A_826], %get3A_809 : memref<1024xi32, #tpu.memory_space<vmem>>[vector<16xi32>], vector<16xi32>,
          tpu.vector_store_idx %arg11[%sub3A_826], %get3A_811 : memref<1024xi32, #tpu.memory_space<vmem>>[vector<16xi32>], vector<16xi32>,
          %add3A_827 = arith.constant 1 : i32
          %add3A_828 = vector.broadcast %add3A_827 : i32 to vector<16xi32>
          %add3A_829 = arith.addi %sub3A_826, %add3A_828 : vector<16xi32>
          tpu.vector_store_idx %arg14[%add3A_829], %get3A_809 : memref<1040xi32, #tpu.memory_space<vmem>>[vector<16xi32>], vector<16xi32>,
          tpu.vector_store_idx %arg15[%and3A_817], %unique3A_821 masked %unique3A_820 {add = true} : memref<256xi32, #tpu.memory_space<vmem>>[vector<16xi32>], vector<16xi32>, vector<16xi1>
          %scan3A_830 = arith.constant 0 : i32
          scf.yield %scan3A_830 : i32
        }
        %scan3A_681 = arith.constant 16 : i32
        %broadcast_in_dim3A_682 = arith.constant 0 : i32
        %broadcast_in_dim3A_683 = vector.broadcast %broadcast_in_dim3A_682 : i32 to vector<16xi32>
        %add3A_684 = vector.broadcast %add3A_27 : i32 to vector<16xi32>
        %add3A_685 = arith.addi %broadcast_in_dim3A_683, %add3A_684 : vector<16xi32>
        %gather3A = tpu.vector_load_idx %arg8[%add3A_685] : memref<128xi32, #tpu.memory_space<vmem>>[vector<16xi32>], vector<16xi32>,
        %gather3A_686 = tpu.vector_load_idx %arg9[%gather3A] : memref<1024xf32, #tpu.memory_space<vmem>>[vector<16xi32>], vector<16xf32>,
        %bitcast3A = vector.bitcast %gather3A_686 : vector<16xf32> to vector<16xi32>
        %shift_right_logical3A = arith.constant 16 : i32
        %shift_right_logical3A_687 = vector.broadcast %shift_right_logical3A : i32 to vector<16xi32>
        %shift_right_logical3A_688 = arith.shrui %bitcast3A, %shift_right_logical3A_687 : vector<16xi32>
        %broadcast_in_dim3A_689 = arith.constant 0 : i32
        %broadcast_in_dim3A_690 = vector.broadcast %broadcast_in_dim3A_689 : i32 to vector<16xi32>
        %add3A_691 = vector.broadcast %scan3A_23 : i32 to vector<16xi32>
        %add3A_692 = arith.addi %broadcast_in_dim3A_690, %add3A_691 : vector<16xi32>
        %broadcast_in_dim3A_693 = arith.constant 0.000000e+00 : f32
        %broadcast_in_dim3A_694 = vector.broadcast %broadcast_in_dim3A_693 : f32 to vector<16xf32>
        %broadcast_in_dim3A_695 = arith.constant 0.000000e+00 : f32
        %broadcast_in_dim3A_696 = vector.broadcast %broadcast_in_dim3A_695 : f32 to vector<16xf32>
        %scan3A_697 = arith.constant 0 : i32
        %scan3A_698 = arith.constant 16 : i32
        %scan3A_699 = arith.addi %scan3A_697, %scan3A_698 : i32
        %scan3A_700 = arith.constant 1 : i32
        %scan3A_701:2 = scf.for %scan3A_726 = %scan3A_697 to %scan3A_699 step %scan3A_700 iter_args(%scan3A_727 = %broadcast_in_dim3A_694, %scan3A_728 = %broadcast_in_dim3A_696) -> (vector<16xf32>, vector<16xf32>)  : i32 {
          %mul3A_729 = arith.constant 64 : i32
          %mul3A_730 = arith.muli %mul3A_729, %scan3A_726 : i32
          %add3A_731 = arith.constant 0 : i32
          %add3A_732 = arith.addi %mul3A_730, %add3A_731 : i32
          %get3A_733 = arith.index_cast %add3A_732 : i32 to index
          %get3A_734 = tpu.vector_load %arg10[%get3A_733] {strides = array<i32>} : memref<1024xi32, #tpu.memory_space<vmem>>, vector<16xi32>,
          %get3A_735 = arith.index_cast %add3A_732 : i32 to index
          %get3A_736 = tpu.vector_load %arg14[%get3A_735] {strides = array<i32>} : memref<1040xi32, #tpu.memory_space<vmem>>, vector<16xi32>,
          %get3A_737 = arith.index_cast %add3A_732 : i32 to index
          %get3A_738 = tpu.vector_load %arg11[%get3A_737] {strides = array<i32>} : memref<1024xi32, #tpu.memory_space<vmem>>, vector<16xi32>,
          %gather3A_739 = tpu.vector_load_idx %arg7[%add3A_692, %get3A_738] : memref<8x1024xf32, #tpu.memory_space<vmem>>[vector<16xi32>, vector<16xi32>], vector<16xf32>,
          %shift_left3A = arith.constant 16 : i32
          %shift_left3A_740 = vector.broadcast %shift_left3A : i32 to vector<16xi32>
          %shift_left3A_741 = arith.shli %get3A_734, %shift_left3A_740 : vector<16xi32>
          %bitcast3A_742 = vector.bitcast %shift_left3A_741 : vector<16xi32> to vector<16xf32>
          %shift_left3A_743 = arith.constant 16 : i32
          %shift_left3A_744 = vector.broadcast %shift_left3A_743 : i32 to vector<16xi32>
          %shift_left3A_745 = arith.shli %get3A_736, %shift_left3A_744 : vector<16xi32>
          %bitcast3A_746 = vector.bitcast %shift_left3A_745 : vector<16xi32> to vector<16xf32>
          %gt3A = arith.cmpi sgt, %get3A_734, %shift_right_logical3A_688 : vector<16xi32>
          %sub3A_747 = arith.subf %bitcast3A_746, %bitcast3A_742 : vector<16xf32>
          %jit3A = arith.constant 0.000000e+00 : f32
          %broadcast_in_dim3A_748 = vector.broadcast %jit3A : f32 to vector<16xf32>
          %select_n3A = arith.select %gt3A, %sub3A_747, %broadcast_in_dim3A_748 : vector<16xi1>, vector<16xf32>
          %mul3A_749 = arith.mulf %select_n3A, %gather3A_739 : vector<16xf32>
          %add3A_750 = arith.addf %scan3A_727, %mul3A_749 : vector<16xf32>
          %add3A_751 = arith.addf %scan3A_728, %select_n3A : vector<16xf32>
          %mul3A_752 = arith.constant 64 : i32
          %mul3A_753 = arith.muli %mul3A_752, %scan3A_726 : i32
          %add3A_754 = arith.constant 16 : i32
          %add3A_755 = arith.addi %mul3A_753, %add3A_754 : i32
          %get3A_756 = arith.index_cast %add3A_755 : i32 to index
          %get3A_757 = tpu.vector_load %arg10[%get3A_756] {strides = array<i32>} : memref<1024xi32, #tpu.memory_space<vmem>>, vector<16xi32>,
          %get3A_758 = arith.index_cast %add3A_755 : i32 to index
          %get3A_759 = tpu.vector_load %arg14[%get3A_758] {strides = array<i32>} : memref<1040xi32, #tpu.memory_space<vmem>>, vector<16xi32>,
          %get3A_760 = arith.index_cast %add3A_755 : i32 to index
          %get3A_761 = tpu.vector_load %arg11[%get3A_760] {strides = array<i32>} : memref<1024xi32, #tpu.memory_space<vmem>>, vector<16xi32>,
          %gather3A_762 = tpu.vector_load_idx %arg7[%add3A_692, %get3A_761] : memref<8x1024xf32, #tpu.memory_space<vmem>>[vector<16xi32>, vector<16xi32>], vector<16xf32>,
          %shift_left3A_763 = arith.constant 16 : i32
          %shift_left3A_764 = vector.broadcast %shift_left3A_763 : i32 to vector<16xi32>
          %shift_left3A_765 = arith.shli %get3A_757, %shift_left3A_764 : vector<16xi32>
          %bitcast3A_766 = vector.bitcast %shift_left3A_765 : vector<16xi32> to vector<16xf32>
          %shift_left3A_767 = arith.constant 16 : i32
          %shift_left3A_768 = vector.broadcast %shift_left3A_767 : i32 to vector<16xi32>
          %shift_left3A_769 = arith.shli %get3A_759, %shift_left3A_768 : vector<16xi32>
          %bitcast3A_770 = vector.bitcast %shift_left3A_769 : vector<16xi32> to vector<16xf32>
          %gt3A_771 = arith.cmpi sgt, %get3A_757, %shift_right_logical3A_688 : vector<16xi32>
          %sub3A_772 = arith.subf %bitcast3A_770, %bitcast3A_766 : vector<16xf32>
          %jit3A_773 = arith.constant 0.000000e+00 : f32
          %broadcast_in_dim3A_774 = vector.broadcast %jit3A_773 : f32 to vector<16xf32>
          %select_n3A_775 = arith.select %gt3A_771, %sub3A_772, %broadcast_in_dim3A_774 : vector<16xi1>, vector<16xf32>
          %mul3A_776 = arith.mulf %select_n3A_775, %gather3A_762 : vector<16xf32>
          %add3A_777 = arith.addf %add3A_750, %mul3A_776 : vector<16xf32>
          %add3A_778 = arith.addf %add3A_751, %select_n3A_775 : vector<16xf32>
          %mul3A_779 = arith.constant 64 : i32
          %mul3A_780 = arith.muli %mul3A_779, %scan3A_726 : i32
          %add3A_781 = arith.constant 32 : i32
          %add3A_782 = arith.addi %mul3A_780, %add3A_781 : i32
          %get3A_783 = arith.index_cast %add3A_782 : i32 to index
          %get3A_784 = tpu.vector_load %arg10[%get3A_783] {strides = array<i32>} : memref<1024xi32, #tpu.memory_space<vmem>>, vector<16xi32>,
          %get3A_785 = arith.index_cast %add3A_782 : i32 to index
          %get3A_786 = tpu.vector_load %arg14[%get3A_785] {strides = array<i32>} : memref<1040xi32, #tpu.memory_space<vmem>>, vector<16xi32>,
          %get3A_787 = arith.index_cast %add3A_782 : i32 to index
          %get3A_788 = tpu.vector_load %arg11[%get3A_787] {strides = array<i32>} : memref<1024xi32, #tpu.memory_space<vmem>>, vector<16xi32>,
          %gather3A_789 = tpu.vector_load_idx %arg7[%add3A_692, %get3A_788] : memref<8x1024xf32, #tpu.memory_space<vmem>>[vector<16xi32>, vector<16xi32>], vector<16xf32>,
          %shift_left3A_790 = arith.constant 16 : i32
          %shift_left3A_791 = vector.broadcast %shift_left3A_790 : i32 to vector<16xi32>
          %shift_left3A_792 = arith.shli %get3A_784, %shift_left3A_791 : vector<16xi32>
          %bitcast3A_793 = vector.bitcast %shift_left3A_792 : vector<16xi32> to vector<16xf32>
          %shift_left3A_794 = arith.constant 16 : i32
          %shift_left3A_795 = vector.broadcast %shift_left3A_794 : i32 to vector<16xi32>
          %shift_left3A_796 = arith.shli %get3A_786, %shift_left3A_795 : vector<16xi32>
          %bitcast3A_797 = vector.bitcast %shift_left3A_796 : vector<16xi32> to vector<16xf32>
          %gt3A_798 = arith.cmpi sgt, %get3A_784, %shift_right_logical3A_688 : vector<16xi32>
          %sub3A_799 = arith.subf %bitcast3A_797, %bitcast3A_793 : vector<16xf32>
          %jit3A_800 = arith.constant 0.000000e+00 : f32
          %broadcast_in_dim3A_801 = vector.broadcast %jit3A_800 : f32 to vector<16xf32>
          %select_n3A_802 = arith.select %gt3A_798, %sub3A_799, %broadcast_in_dim3A_801 : vector<16xi1>, vector<16xf32>
          %mul3A_803 = arith.mulf %select_n3A_802, %gather3A_789 : vector<16xf32>
          %add3A_804 = arith.addf %add3A_777, %mul3A_803 : vector<16xf32>
          %add3A_805 = arith.addf %add3A_778, %select_n3A_802 : vector<16xf32>
          %mul3A_806 = arith.constant 64 : i32
          %mul3A_807 = arith.muli %mul3A_806, %scan3A_726 : i32
          %add3A_808 = arith.constant 48 : i32
          %add3A_809 = arith.addi %mul3A_807, %add3A_808 : i32
          %get3A_810 = arith.index_cast %add3A_809 : i32 to index
          %get3A_811 = tpu.vector_load %arg10[%get3A_810] {strides = array<i32>} : memref<1024xi32, #tpu.memory_space<vmem>>, vector<16xi32>,
          %get3A_812 = arith.index_cast %add3A_809 : i32 to index
          %get3A_813 = tpu.vector_load %arg14[%get3A_812] {strides = array<i32>} : memref<1040xi32, #tpu.memory_space<vmem>>, vector<16xi32>,
          %get3A_814 = arith.index_cast %add3A_809 : i32 to index
          %get3A_815 = tpu.vector_load %arg11[%get3A_814] {strides = array<i32>} : memref<1024xi32, #tpu.memory_space<vmem>>, vector<16xi32>,
          %gather3A_816 = tpu.vector_load_idx %arg7[%add3A_692, %get3A_815] : memref<8x1024xf32, #tpu.memory_space<vmem>>[vector<16xi32>, vector<16xi32>], vector<16xf32>,
          %shift_left3A_817 = arith.constant 16 : i32
          %shift_left3A_818 = vector.broadcast %shift_left3A_817 : i32 to vector<16xi32>
          %shift_left3A_819 = arith.shli %get3A_811, %shift_left3A_818 : vector<16xi32>
          %bitcast3A_820 = vector.bitcast %shift_left3A_819 : vector<16xi32> to vector<16xf32>
          %shift_left3A_821 = arith.constant 16 : i32
          %shift_left3A_822 = vector.broadcast %shift_left3A_821 : i32 to vector<16xi32>
          %shift_left3A_823 = arith.shli %get3A_813, %shift_left3A_822 : vector<16xi32>
          %bitcast3A_824 = vector.bitcast %shift_left3A_823 : vector<16xi32> to vector<16xf32>
          %gt3A_825 = arith.cmpi sgt, %get3A_811, %shift_right_logical3A_688 : vector<16xi32>
          %sub3A_826 = arith.subf %bitcast3A_824, %bitcast3A_820 : vector<16xf32>
          %jit3A_827 = arith.constant 0.000000e+00 : f32
          %broadcast_in_dim3A_828 = vector.broadcast %jit3A_827 : f32 to vector<16xf32>
          %select_n3A_829 = arith.select %gt3A_825, %sub3A_826, %broadcast_in_dim3A_828 : vector<16xi1>, vector<16xf32>
          %mul3A_830 = arith.mulf %select_n3A_829, %gather3A_816 : vector<16xf32>
          %add3A_831 = arith.addf %add3A_804, %mul3A_830 : vector<16xf32>
          %add3A_832 = arith.addf %add3A_805, %select_n3A_829 : vector<16xf32>
          scf.yield %add3A_831, %add3A_832 : vector<16xf32>, vector<16xf32>
        }
        %scan3A_702 = arith.constant 16 : i32
        %iota3A = tpu.iota {dimensions = array<i32: 0>} : vector<16xi32>
        %eq3A = arith.constant 0 : i32
        %eq3A_703 = vector.broadcast %eq3A : i32 to vector<16xi32>
        %eq3A_704 = arith.cmpi eq, %iota3A, %eq3A_703 : vector<16xi32>
        %broadcast_in_dim3A_705 = arith.constant 0 : i32
        %broadcast_in_dim3A_706 = vector.broadcast %broadcast_in_dim3A_705 : i32 to vector<16xi32>
        %add3A_707 = vector.broadcast %add3A_27 : i32 to vector<16xi32>
        %add3A_708 = arith.addi %broadcast_in_dim3A_706, %add3A_707 : vector<16xi32>
        %broadcast_in_dim3A_709 = arith.constant 0.000000e+00 : f32
        %broadcast_in_dim3A_710 = vector.broadcast %broadcast_in_dim3A_709 : f32 to vector<16xf32>
        %reduce_sum3A_711 = arith.constant true
        %reduce_sum3A_712 = vector.broadcast %reduce_sum3A_711 : i1 to vector<16xi1>
        %reduce_sum3A_713 = tpu.scan <sum>, %scan3A_701#0 masked %reduce_sum3A_712 : vector<16xf32>, vector<16xi1> -> vector<16xf32>
        %reduce_sum3A_714 = vector.extract %reduce_sum3A_713[15] : f32 from vector<16xf32>
        %add3A_715 = vector.broadcast %reduce_sum3A_714 : f32 to vector<16xf32>
        %add3A_716 = arith.addf %broadcast_in_dim3A_710, %add3A_715 : vector<16xf32>
        tpu.vector_store_idx %arg16[%add3A_708], %add3A_716 masked %eq3A_704 : memref<128xf32, #tpu.memory_space<vmem>>[vector<16xi32>], vector<16xf32>, vector<16xi1>
        %broadcast_in_dim3A_717 = arith.constant 0.000000e+00 : f32
        %broadcast_in_dim3A_718 = vector.broadcast %broadcast_in_dim3A_717 : f32 to vector<16xf32>
        %reduce_sum3A_719 = arith.constant true
        %reduce_sum3A_720 = vector.broadcast %reduce_sum3A_719 : i1 to vector<16xi1>
        %reduce_sum3A_721 = tpu.scan <sum>, %scan3A_701#1 masked %reduce_sum3A_720 : vector<16xf32>, vector<16xi1> -> vector<16xf32>
        %reduce_sum3A_722 = vector.extract %reduce_sum3A_721[15] : f32 from vector<16xf32>
        %add3A_723 = vector.broadcast %reduce_sum3A_722 : f32 to vector<16xf32>
        %add3A_724 = arith.addf %broadcast_in_dim3A_718, %add3A_723 : vector<16xf32>
        tpu.vector_store_idx %arg17[%add3A_708], %add3A_724 masked %eq3A_704 : memref<128xf32, #tpu.memory_space<vmem>>[vector<16xi32>], vector<16xf32>, vector<16xi1>
        %scan3A_725 = arith.constant 0 : i32
        scf.yield %scan3A_725 : i32
      }
      %scan3A_21 = arith.constant 8 : i32
      %scan3A_22 = arith.constant 0 : i32
      scf.yield %scan3A_22 : i32
    }
    %scan3A_8 = arith.constant 16 : i32
    %run_scoped3A = arith.constant 0 : i32
    "tpu.region"() ({
      %run_scoped3A_10 = tpu.sem_alloc : memref<!tpu.dma_semaphore, #tpu.memory_space<semaphore_mem>>
      %dma_start3A = tpu.memref_slice %arg5[%run_scoped3A, %mul3A_2] : memref<2x4096xf32, #tpu.memory_space<hbm>> -> memref<1x128xf32, #tpu.memory_space<hbm>>
      %dma_start3A_11 = tpu.memref_squeeze %dma_start3A : memref<1x128xf32, #tpu.memory_space<hbm>> -> memref<128xf32, #tpu.memory_space<hbm>>
      %dma_start3A_12 = tpu.memref_slice %arg5[%run_scoped3A, %mul3A_2] : memref<2x4096xf32, #tpu.memory_space<hbm>> -> memref<1x128xf32, #tpu.memory_space<hbm>>
      %dma_start3A_13 = tpu.memref_squeeze %dma_start3A_12 : memref<1x128xf32, #tpu.memory_space<hbm>> -> memref<128xf32, #tpu.memory_space<hbm>>
      tpu.enqueue_dma source(%arg16 : memref<128xf32, #tpu.memory_space<vmem>>) target(%dma_start3A_13 : memref<128xf32, #tpu.memory_space<hbm>>) target_semaphore(%run_scoped3A_10 : memref<!tpu.dma_semaphore, #tpu.memory_space<semaphore_mem>>)
      %dma_wait3A = tpu.memref_slice %arg5[%run_scoped3A, %mul3A_2] : memref<2x4096xf32, #tpu.memory_space<hbm>> -> memref<1x128xf32, #tpu.memory_space<hbm>>
      %dma_wait3A_14 = tpu.memref_squeeze %dma_wait3A : memref<1x128xf32, #tpu.memory_space<hbm>> -> memref<128xf32, #tpu.memory_space<hbm>>
      %dma_wait3A_15 = tpu.memref_slice %arg5[%run_scoped3A, %mul3A_2] : memref<2x4096xf32, #tpu.memory_space<hbm>> -> memref<1x128xf32, #tpu.memory_space<hbm>>
      %dma_wait3A_16 = tpu.memref_squeeze %dma_wait3A_15 : memref<1x128xf32, #tpu.memory_space<hbm>> -> memref<128xf32, #tpu.memory_space<hbm>>
      tpu.wait_dma2 semaphore(%run_scoped3A_10 : memref<!tpu.dma_semaphore, #tpu.memory_space<semaphore_mem>>) src(%arg16 : memref<128xf32, #tpu.memory_space<vmem>>) dst(%dma_wait3A_16 : memref<128xf32, #tpu.memory_space<hbm>>)
      tpu.yield
    }) : () -> ()
    %run_scoped3A_9 = arith.constant 1 : i32
    "tpu.region"() ({
      %run_scoped3A_10 = tpu.sem_alloc : memref<!tpu.dma_semaphore, #tpu.memory_space<semaphore_mem>>
      %dma_start3A = tpu.memref_slice %arg5[%run_scoped3A_9, %mul3A_2] : memref<2x4096xf32, #tpu.memory_space<hbm>> -> memref<1x128xf32, #tpu.memory_space<hbm>>
      %dma_start3A_11 = tpu.memref_squeeze %dma_start3A : memref<1x128xf32, #tpu.memory_space<hbm>> -> memref<128xf32, #tpu.memory_space<hbm>>
      %dma_start3A_12 = tpu.memref_slice %arg5[%run_scoped3A_9, %mul3A_2] : memref<2x4096xf32, #tpu.memory_space<hbm>> -> memref<1x128xf32, #tpu.memory_space<hbm>>
      %dma_start3A_13 = tpu.memref_squeeze %dma_start3A_12 : memref<1x128xf32, #tpu.memory_space<hbm>> -> memref<128xf32, #tpu.memory_space<hbm>>
      tpu.enqueue_dma source(%arg17 : memref<128xf32, #tpu.memory_space<vmem>>) target(%dma_start3A_13 : memref<128xf32, #tpu.memory_space<hbm>>) target_semaphore(%run_scoped3A_10 : memref<!tpu.dma_semaphore, #tpu.memory_space<semaphore_mem>>)
      %dma_wait3A = tpu.memref_slice %arg5[%run_scoped3A_9, %mul3A_2] : memref<2x4096xf32, #tpu.memory_space<hbm>> -> memref<1x128xf32, #tpu.memory_space<hbm>>
      %dma_wait3A_14 = tpu.memref_squeeze %dma_wait3A : memref<1x128xf32, #tpu.memory_space<hbm>> -> memref<128xf32, #tpu.memory_space<hbm>>
      %dma_wait3A_15 = tpu.memref_slice %arg5[%run_scoped3A_9, %mul3A_2] : memref<2x4096xf32, #tpu.memory_space<hbm>> -> memref<1x128xf32, #tpu.memory_space<hbm>>
      %dma_wait3A_16 = tpu.memref_squeeze %dma_wait3A_15 : memref<1x128xf32, #tpu.memory_space<hbm>> -> memref<128xf32, #tpu.memory_space<hbm>>
      tpu.wait_dma2 semaphore(%run_scoped3A_10 : memref<!tpu.dma_semaphore, #tpu.memory_space<semaphore_mem>>) src(%arg17 : memref<128xf32, #tpu.memory_space<vmem>>) dst(%dma_wait3A_16 : memref<128xf32, #tpu.memory_space<hbm>>)
      tpu.yield
    }) : () -> ()
    return
  }
}

module attributes {stable_mosaic.version = 14 : i64} {
  func.func @_tc_kernel(%arg0: i32, %arg1: memref<4096xi32, #tpu.memory_space<smem>>, %arg2: memref<8x8x128xf32, #tpu.memory_space<vmem>>, %arg3: memref<8x8x128xf32, #tpu.memory_space<vmem>>, %arg4: memref<8x1x4xf32, #tpu.memory_space<vmem>>) attributes {dimension_semantics = [#tpu.dimension_semantics<arbitrary>], iteration_bounds = array<i64: 512>, scalar_prefetch = 1 : i64, scratch_operands = 0 : i64, tpu.core_type = #tpu.core_type<tc>, window_params = [{transform_indices = @transform_0, window_bounds = array<i64: 8, 8, 128>}, {transform_indices = @transform_1, window_bounds = array<i64: 8, 8, 128>}, {transform_indices = @transform_2, window_bounds = array<i64: 8, 1, 4>}]} {
    %iota3A = tpu.iota {dimensions = array<i32: 1>} : vector<8x8x128xi32>
    %iota3A_0 = tpu.iota {dimensions = array<i32: 2>} : vector<8x8x128xi32>
    %iota3A_1 = tpu.iota {dimensions = array<i32: 0>} : vector<8x1x1xi32>
    %iota3A_2 = tpu.iota {dimensions = array<i32: 2>} : vector<1x1x4xi32>
    %broadcast_in_dim3A = arith.constant 0 : i32
    %broadcast_in_dim3A_3 = vector.broadcast %broadcast_in_dim3A : i32 to vector<8x1x1xi32>
    %eq3A = arith.constant 0 : i32
    %eq3A_4 = vector.broadcast %eq3A : i32 to vector<8x1x1xi32>
    %eq3A_5 = arith.cmpi eq, %iota3A_1, %eq3A_4 : vector<8x1x1xi32>
    %mul3A = arith.constant 8 : i32
    %mul3A_6 = arith.muli %arg0, %mul3A : i32
    %add3A = arith.constant 0 : i32
    %add3A_7 = arith.addi %mul3A_6, %add3A : i32
    %get3A = arith.index_cast %add3A_7 : i32 to index
    %get3A_8 = memref.load %arg1[%get3A] : memref<4096xi32, #tpu.memory_space<smem>>
    %broadcast_in_dim3A_9 = vector.broadcast %get3A_8 : i32 to vector<8x1x1xi32>
    %select_n3A = arith.select %eq3A_5, %broadcast_in_dim3A_9, %broadcast_in_dim3A_3 : vector<8x1x1xi1>, vector<8x1x1xi32>
    %eq3A_10 = arith.constant 1 : i32
    %eq3A_11 = vector.broadcast %eq3A_10 : i32 to vector<8x1x1xi32>
    %eq3A_12 = arith.cmpi eq, %iota3A_1, %eq3A_11 : vector<8x1x1xi32>
    %mul3A_13 = arith.constant 8 : i32
    %mul3A_14 = arith.muli %arg0, %mul3A_13 : i32
    %add3A_15 = arith.constant 1 : i32
    %add3A_16 = arith.addi %mul3A_14, %add3A_15 : i32
    %get3A_17 = arith.index_cast %add3A_16 : i32 to index
    %get3A_18 = memref.load %arg1[%get3A_17] : memref<4096xi32, #tpu.memory_space<smem>>
    %broadcast_in_dim3A_19 = vector.broadcast %get3A_18 : i32 to vector<8x1x1xi32>
    %select_n3A_20 = arith.select %eq3A_12, %broadcast_in_dim3A_19, %select_n3A : vector<8x1x1xi1>, vector<8x1x1xi32>
    %eq3A_21 = arith.constant 2 : i32
    %eq3A_22 = vector.broadcast %eq3A_21 : i32 to vector<8x1x1xi32>
    %eq3A_23 = arith.cmpi eq, %iota3A_1, %eq3A_22 : vector<8x1x1xi32>
    %mul3A_24 = arith.constant 8 : i32
    %mul3A_25 = arith.muli %arg0, %mul3A_24 : i32
    %add3A_26 = arith.constant 2 : i32
    %add3A_27 = arith.addi %mul3A_25, %add3A_26 : i32
    %get3A_28 = arith.index_cast %add3A_27 : i32 to index
    %get3A_29 = memref.load %arg1[%get3A_28] : memref<4096xi32, #tpu.memory_space<smem>>
    %broadcast_in_dim3A_30 = vector.broadcast %get3A_29 : i32 to vector<8x1x1xi32>
    %select_n3A_31 = arith.select %eq3A_23, %broadcast_in_dim3A_30, %select_n3A_20 : vector<8x1x1xi1>, vector<8x1x1xi32>
    %eq3A_32 = arith.constant 3 : i32
    %eq3A_33 = vector.broadcast %eq3A_32 : i32 to vector<8x1x1xi32>
    %eq3A_34 = arith.cmpi eq, %iota3A_1, %eq3A_33 : vector<8x1x1xi32>
    %mul3A_35 = arith.constant 8 : i32
    %mul3A_36 = arith.muli %arg0, %mul3A_35 : i32
    %add3A_37 = arith.constant 3 : i32
    %add3A_38 = arith.addi %mul3A_36, %add3A_37 : i32
    %get3A_39 = arith.index_cast %add3A_38 : i32 to index
    %get3A_40 = memref.load %arg1[%get3A_39] : memref<4096xi32, #tpu.memory_space<smem>>
    %broadcast_in_dim3A_41 = vector.broadcast %get3A_40 : i32 to vector<8x1x1xi32>
    %select_n3A_42 = arith.select %eq3A_34, %broadcast_in_dim3A_41, %select_n3A_31 : vector<8x1x1xi1>, vector<8x1x1xi32>
    %eq3A_43 = arith.constant 4 : i32
    %eq3A_44 = vector.broadcast %eq3A_43 : i32 to vector<8x1x1xi32>
    %eq3A_45 = arith.cmpi eq, %iota3A_1, %eq3A_44 : vector<8x1x1xi32>
    %mul3A_46 = arith.constant 8 : i32
    %mul3A_47 = arith.muli %arg0, %mul3A_46 : i32
    %add3A_48 = arith.constant 4 : i32
    %add3A_49 = arith.addi %mul3A_47, %add3A_48 : i32
    %get3A_50 = arith.index_cast %add3A_49 : i32 to index
    %get3A_51 = memref.load %arg1[%get3A_50] : memref<4096xi32, #tpu.memory_space<smem>>
    %broadcast_in_dim3A_52 = vector.broadcast %get3A_51 : i32 to vector<8x1x1xi32>
    %select_n3A_53 = arith.select %eq3A_45, %broadcast_in_dim3A_52, %select_n3A_42 : vector<8x1x1xi1>, vector<8x1x1xi32>
    %eq3A_54 = arith.constant 5 : i32
    %eq3A_55 = vector.broadcast %eq3A_54 : i32 to vector<8x1x1xi32>
    %eq3A_56 = arith.cmpi eq, %iota3A_1, %eq3A_55 : vector<8x1x1xi32>
    %mul3A_57 = arith.constant 8 : i32
    %mul3A_58 = arith.muli %arg0, %mul3A_57 : i32
    %add3A_59 = arith.constant 5 : i32
    %add3A_60 = arith.addi %mul3A_58, %add3A_59 : i32
    %get3A_61 = arith.index_cast %add3A_60 : i32 to index
    %get3A_62 = memref.load %arg1[%get3A_61] : memref<4096xi32, #tpu.memory_space<smem>>
    %broadcast_in_dim3A_63 = vector.broadcast %get3A_62 : i32 to vector<8x1x1xi32>
    %select_n3A_64 = arith.select %eq3A_56, %broadcast_in_dim3A_63, %select_n3A_53 : vector<8x1x1xi1>, vector<8x1x1xi32>
    %eq3A_65 = arith.constant 6 : i32
    %eq3A_66 = vector.broadcast %eq3A_65 : i32 to vector<8x1x1xi32>
    %eq3A_67 = arith.cmpi eq, %iota3A_1, %eq3A_66 : vector<8x1x1xi32>
    %mul3A_68 = arith.constant 8 : i32
    %mul3A_69 = arith.muli %arg0, %mul3A_68 : i32
    %add3A_70 = arith.constant 6 : i32
    %add3A_71 = arith.addi %mul3A_69, %add3A_70 : i32
    %get3A_72 = arith.index_cast %add3A_71 : i32 to index
    %get3A_73 = memref.load %arg1[%get3A_72] : memref<4096xi32, #tpu.memory_space<smem>>
    %broadcast_in_dim3A_74 = vector.broadcast %get3A_73 : i32 to vector<8x1x1xi32>
    %select_n3A_75 = arith.select %eq3A_67, %broadcast_in_dim3A_74, %select_n3A_64 : vector<8x1x1xi1>, vector<8x1x1xi32>
    %eq3A_76 = arith.constant 7 : i32
    %eq3A_77 = vector.broadcast %eq3A_76 : i32 to vector<8x1x1xi32>
    %eq3A_78 = arith.cmpi eq, %iota3A_1, %eq3A_77 : vector<8x1x1xi32>
    %mul3A_79 = arith.constant 8 : i32
    %mul3A_80 = arith.muli %arg0, %mul3A_79 : i32
    %add3A_81 = arith.constant 7 : i32
    %add3A_82 = arith.addi %mul3A_80, %add3A_81 : i32
    %get3A_83 = arith.index_cast %add3A_82 : i32 to index
    %get3A_84 = memref.load %arg1[%get3A_83] : memref<4096xi32, #tpu.memory_space<smem>>
    %broadcast_in_dim3A_85 = vector.broadcast %get3A_84 : i32 to vector<8x1x1xi32>
    %select_n3A_86 = arith.select %eq3A_78, %broadcast_in_dim3A_85, %select_n3A_75 : vector<8x1x1xi1>, vector<8x1x1xi32>
    %get3A_87 = arith.constant 0 : index
    %get3A_88 = arith.constant 0 : index
    %get3A_89 = arith.constant 0 : index
    %get3A_90 = vector.load %arg2[%get3A_87, %get3A_88, %get3A_89] : memref<8x8x128xf32, #tpu.memory_space<vmem>>, vector<8x8x128xf32>
    %get3A_91 = arith.constant 0 : index
    %get3A_92 = arith.constant 0 : index
    %get3A_93 = arith.constant 0 : index
    %get3A_94 = vector.load %arg3[%get3A_91, %get3A_92, %get3A_93] : memref<8x8x128xf32, #tpu.memory_space<vmem>>, vector<8x8x128xf32>
    %jit3A = arith.constant 128 : i32
    %div3A = vector.broadcast %jit3A : i32 to vector<8x1x1xi32>
    %div3A_95 = arith.divsi %select_n3A_86, %div3A : vector<8x1x1xi32>
    %sign3A = arith.constant 0 : i32
    %sign3A_96 = vector.broadcast %sign3A : i32 to vector<8x1x1xi32>
    %sign3A_97 = arith.cmpi sgt, %select_n3A_86, %sign3A_96 : vector<8x1x1xi32>
    %sign3A_98 = arith.extui %sign3A_97 : vector<8x1x1xi1> to vector<8x1x1xi32>
    %sign3A_99 = arith.constant 0 : i32
    %sign3A_100 = vector.broadcast %sign3A_99 : i32 to vector<8x1x1xi32>
    %sign3A_101 = arith.cmpi slt, %select_n3A_86, %sign3A_100 : vector<8x1x1xi32>
    %sign3A_102 = arith.extui %sign3A_101 : vector<8x1x1xi1> to vector<8x1x1xi32>
    %sign3A_103 = arith.subi %sign3A_98, %sign3A_102 : vector<8x1x1xi32>
    %sign3A_104 = arith.constant 0 : i32
    %sign3A_105 = arith.cmpi sgt, %jit3A, %sign3A_104 : i32
    %sign3A_106 = arith.extui %sign3A_105 : i1 to i32
    %sign3A_107 = arith.constant 0 : i32
    %sign3A_108 = arith.cmpi slt, %jit3A, %sign3A_107 : i32
    %sign3A_109 = arith.extui %sign3A_108 : i1 to i32
    %sign3A_110 = arith.subi %sign3A_106, %sign3A_109 : i32
    %ne3A = vector.broadcast %sign3A_110 : i32 to vector<8x1x1xi32>
    %ne3A_111 = arith.cmpi ne, %sign3A_103, %ne3A : vector<8x1x1xi32>
    %rem3A = vector.broadcast %jit3A : i32 to vector<8x1x1xi32>
    %rem3A_112 = arith.remsi %select_n3A_86, %rem3A : vector<8x1x1xi32>
    %ne3A_113 = arith.constant 0 : i32
    %ne3A_114 = vector.broadcast %ne3A_113 : i32 to vector<8x1x1xi32>
    %ne3A_115 = arith.cmpi ne, %rem3A_112, %ne3A_114 : vector<8x1x1xi32>
    %and3A = arith.andi %ne3A_111, %ne3A_115 : vector<8x1x1xi1>
    %sub3A = arith.constant 1 : i32
    %sub3A_116 = vector.broadcast %sub3A : i32 to vector<8x1x1xi32>
    %sub3A_117 = arith.subi %div3A_95, %sub3A_116 : vector<8x1x1xi32>
    %select_n3A_118 = arith.select %and3A, %sub3A_117, %div3A_95 : vector<8x1x1xi1>, vector<8x1x1xi32>
    %eq3A_119 = vector.broadcast %select_n3A_118 : vector<8x1x1xi32> to vector<8x8x128xi32>
    %eq3A_120 = arith.cmpi eq, %iota3A, %eq3A_119 : vector<8x8x128xi32>
    %jit3A_121 = arith.constant 128 : i32
    %eq3A_122 = arith.constant 0 : i32
    %eq3A_123 = arith.cmpi eq, %jit3A_121, %eq3A_122 : i32
    %jit3A_124 = arith.constant 1 : i32
    %select_n3A_125 = arith.select %eq3A_123, %jit3A_124, %jit3A_121 : i32
    %rem3A_126 = vector.broadcast %select_n3A_125 : i32 to vector<8x1x1xi32>
    %rem3A_127 = arith.remsi %select_n3A_86, %rem3A_126 : vector<8x1x1xi32>
    %ne3A_128 = arith.constant 0 : i32
    %ne3A_129 = vector.broadcast %ne3A_128 : i32 to vector<8x1x1xi32>
    %ne3A_130 = arith.cmpi ne, %rem3A_127, %ne3A_129 : vector<8x1x1xi32>
    %lt3A = arith.constant 0 : i32
    %lt3A_131 = vector.broadcast %lt3A : i32 to vector<8x1x1xi32>
    %lt3A_132 = arith.cmpi slt, %rem3A_127, %lt3A_131 : vector<8x1x1xi32>
    %lt3A_133 = arith.constant 0 : i32
    %lt3A_134 = arith.cmpi slt, %select_n3A_125, %lt3A_133 : i32
    %ne3A_135 = vector.broadcast %lt3A_134 : i1 to vector<8x1x1xi1>
    %ne3A_136 = vector.broadcast %ne3A_135 : vector<8x1x1xi1> to vector<8x1x1xi1>
    %ne3A_137 = arith.xori %lt3A_132, %ne3A_136 : vector<8x1x1xi1>
    %and3A_138 = arith.andi %ne3A_137, %ne3A_130 : vector<8x1x1xi1>
    %add3A_139 = vector.broadcast %select_n3A_125 : i32 to vector<8x1x1xi32>
    %add3A_140 = arith.addi %rem3A_127, %add3A_139 : vector<8x1x1xi32>
    %select_n3A_141 = arith.select %and3A_138, %add3A_140, %rem3A_127 : vector<8x1x1xi1>, vector<8x1x1xi32>
    %eq3A_142 = vector.broadcast %select_n3A_141 : vector<8x1x1xi32> to vector<8x8x128xi32>
    %eq3A_143 = arith.cmpi eq, %iota3A_0, %eq3A_142 : vector<8x8x128xi32>
    %and3A_144 = arith.andi %eq3A_120, %eq3A_143 : vector<8x8x128xi1>
    %reduce_max3A = arith.constant dense<0xFF800000> : vector<8x8xf32>
    %reduce_max3A_145 = vector.multi_reduction <maximumf>, %get3A_90, %reduce_max3A [2] : vector<8x8x128xf32> to vector<8x8xf32>
    %broadcast_in_dim3A_146 = vector.shape_cast %reduce_max3A_145 : vector<8x8xf32> to vector<8x8x1xf32>
    %reduce_max3A_147 = arith.constant dense<0xFF800000> : vector<8x1xf32>
    %reduce_max3A_148 = vector.multi_reduction <maximumf>, %broadcast_in_dim3A_146, %reduce_max3A_147 [1] : vector<8x8x1xf32> to vector<8x1xf32>
    %broadcast_in_dim3A_149 = vector.shape_cast %reduce_max3A_148 : vector<8x1xf32> to vector<8x1x1xf32>
    %sub3A_150 = vector.broadcast %broadcast_in_dim3A_149 : vector<8x1x1xf32> to vector<8x8x128xf32>
    %sub3A_151 = arith.subf %get3A_90, %sub3A_150 : vector<8x8x128xf32>
    %exp3A = math.exp %sub3A_151 : vector<8x8x128xf32>
    %reduce_sum3A = arith.constant dense<0.000000e+00> : vector<8x8xf32>
    %reduce_sum3A_152 = vector.multi_reduction <add>, %exp3A, %reduce_sum3A [2] : vector<8x8x128xf32> to vector<8x8xf32>
    %broadcast_in_dim3A_153 = vector.shape_cast %reduce_sum3A_152 : vector<8x8xf32> to vector<8x8x1xf32>
    %reduce_sum3A_154 = arith.constant dense<0.000000e+00> : vector<8x1xf32>
    %reduce_sum3A_155 = vector.multi_reduction <add>, %broadcast_in_dim3A_153, %reduce_sum3A_154 [1] : vector<8x8x1xf32> to vector<8x1xf32>
    %broadcast_in_dim3A_156 = vector.shape_cast %reduce_sum3A_155 : vector<8x1xf32> to vector<8x1x1xf32>
    %jit3A_157 = arith.constant 0.000000e+00 : f32
    %broadcast_in_dim3A_158 = vector.broadcast %jit3A_157 : f32 to vector<8x8x128xf32>
    %select_n3A_159 = arith.select %and3A_144, %get3A_90, %broadcast_in_dim3A_158 : vector<8x8x128xi1>, vector<8x8x128xf32>
    %reduce_sum3A_160 = arith.constant dense<0.000000e+00> : vector<8x8xf32>
    %reduce_sum3A_161 = vector.multi_reduction <add>, %select_n3A_159, %reduce_sum3A_160 [2] : vector<8x8x128xf32> to vector<8x8xf32>
    %broadcast_in_dim3A_162 = vector.shape_cast %reduce_sum3A_161 : vector<8x8xf32> to vector<8x8x1xf32>
    %reduce_sum3A_163 = arith.constant dense<0.000000e+00> : vector<8x1xf32>
    %reduce_sum3A_164 = vector.multi_reduction <add>, %broadcast_in_dim3A_162, %reduce_sum3A_163 [1] : vector<8x8x1xf32> to vector<8x1xf32>
    %broadcast_in_dim3A_165 = vector.shape_cast %reduce_sum3A_164 : vector<8x1xf32> to vector<8x1x1xf32>
    %sub3A_166 = arith.subf %broadcast_in_dim3A_165, %broadcast_in_dim3A_149 : vector<8x1x1xf32>
    %log3A = math.log %broadcast_in_dim3A_156 : vector<8x1x1xf32>
    %sub3A_167 = arith.subf %sub3A_166, %log3A : vector<8x1x1xf32>
    %sub3A_168 = vector.broadcast %broadcast_in_dim3A_149 : vector<8x1x1xf32> to vector<8x8x128xf32>
    %sub3A_169 = arith.subf %get3A_90, %sub3A_168 : vector<8x8x128xf32>
    %div3A_170 = arith.constant 4.000000e+00 : f32
    %div3A_171 = vector.broadcast %div3A_170 : f32 to vector<8x8x128xf32>
    %div3A_172 = arith.divf %sub3A_169, %div3A_171 : vector<8x8x128xf32>
    %exp3A_173 = math.exp %div3A_172 : vector<8x8x128xf32>
    %reduce_sum3A_174 = arith.constant dense<0.000000e+00> : vector<8x8xf32>
    %reduce_sum3A_175 = vector.multi_reduction <add>, %exp3A_173, %reduce_sum3A_174 [2] : vector<8x8x128xf32> to vector<8x8xf32>
    %broadcast_in_dim3A_176 = vector.shape_cast %reduce_sum3A_175 : vector<8x8xf32> to vector<8x8x1xf32>
    %reduce_sum3A_177 = arith.constant dense<0.000000e+00> : vector<8x1xf32>
    %reduce_sum3A_178 = vector.multi_reduction <add>, %broadcast_in_dim3A_176, %reduce_sum3A_177 [1] : vector<8x8x1xf32> to vector<8x1xf32>
    %broadcast_in_dim3A_179 = vector.shape_cast %reduce_sum3A_178 : vector<8x1xf32> to vector<8x1x1xf32>
    %log3A_180 = math.log %broadcast_in_dim3A_179 : vector<8x1x1xf32>
    %sub3A_181 = vector.broadcast %broadcast_in_dim3A_149 : vector<8x1x1xf32> to vector<8x8x128xf32>
    %sub3A_182 = arith.subf %get3A_90, %sub3A_181 : vector<8x8x128xf32>
    %div3A_183 = arith.constant 4.000000e+00 : f32
    %div3A_184 = vector.broadcast %div3A_183 : f32 to vector<8x8x128xf32>
    %div3A_185 = arith.divf %sub3A_182, %div3A_184 : vector<8x8x128xf32>
    %sub3A_186 = vector.broadcast %log3A_180 : vector<8x1x1xf32> to vector<8x8x128xf32>
    %sub3A_187 = arith.subf %div3A_185, %sub3A_186 : vector<8x8x128xf32>
    %reduce_max3A_188 = arith.constant dense<0xFF800000> : vector<8x8xf32>
    %reduce_max3A_189 = vector.multi_reduction <maximumf>, %get3A_94, %reduce_max3A_188 [2] : vector<8x8x128xf32> to vector<8x8xf32>
    %broadcast_in_dim3A_190 = vector.shape_cast %reduce_max3A_189 : vector<8x8xf32> to vector<8x8x1xf32>
    %reduce_max3A_191 = arith.constant dense<0xFF800000> : vector<8x1xf32>
    %reduce_max3A_192 = vector.multi_reduction <maximumf>, %broadcast_in_dim3A_190, %reduce_max3A_191 [1] : vector<8x8x1xf32> to vector<8x1xf32>
    %broadcast_in_dim3A_193 = vector.shape_cast %reduce_max3A_192 : vector<8x1xf32> to vector<8x1x1xf32>
    %sub3A_194 = vector.broadcast %broadcast_in_dim3A_193 : vector<8x1x1xf32> to vector<8x8x128xf32>
    %sub3A_195 = arith.subf %get3A_94, %sub3A_194 : vector<8x8x128xf32>
    %div3A_196 = arith.constant 4.000000e+00 : f32
    %div3A_197 = vector.broadcast %div3A_196 : f32 to vector<8x8x128xf32>
    %div3A_198 = arith.divf %sub3A_195, %div3A_197 : vector<8x8x128xf32>
    %exp3A_199 = math.exp %div3A_198 : vector<8x8x128xf32>
    %reduce_sum3A_200 = arith.constant dense<0.000000e+00> : vector<8x8xf32>
    %reduce_sum3A_201 = vector.multi_reduction <add>, %exp3A_199, %reduce_sum3A_200 [2] : vector<8x8x128xf32> to vector<8x8xf32>
    %broadcast_in_dim3A_202 = vector.shape_cast %reduce_sum3A_201 : vector<8x8xf32> to vector<8x8x1xf32>
    %reduce_sum3A_203 = arith.constant dense<0.000000e+00> : vector<8x1xf32>
    %reduce_sum3A_204 = vector.multi_reduction <add>, %broadcast_in_dim3A_202, %reduce_sum3A_203 [1] : vector<8x8x1xf32> to vector<8x1xf32>
    %broadcast_in_dim3A_205 = vector.shape_cast %reduce_sum3A_204 : vector<8x1xf32> to vector<8x1x1xf32>
    %sub3A_206 = vector.broadcast %broadcast_in_dim3A_193 : vector<8x1x1xf32> to vector<8x8x128xf32>
    %sub3A_207 = arith.subf %get3A_94, %sub3A_206 : vector<8x8x128xf32>
    %div3A_208 = arith.constant 4.000000e+00 : f32
    %div3A_209 = vector.broadcast %div3A_208 : f32 to vector<8x8x128xf32>
    %div3A_210 = arith.divf %sub3A_207, %div3A_209 : vector<8x8x128xf32>
    %log3A_211 = math.log %broadcast_in_dim3A_205 : vector<8x1x1xf32>
    %sub3A_212 = vector.broadcast %log3A_211 : vector<8x1x1xf32> to vector<8x8x128xf32>
    %sub3A_213 = arith.subf %div3A_210, %sub3A_212 : vector<8x8x128xf32>
    %mul3A_214 = arith.mulf %exp3A_199, %sub3A_213 : vector<8x8x128xf32>
    %reduce_sum3A_215 = arith.constant dense<0.000000e+00> : vector<8x8xf32>
    %reduce_sum3A_216 = vector.multi_reduction <add>, %mul3A_214, %reduce_sum3A_215 [2] : vector<8x8x128xf32> to vector<8x8xf32>
    %broadcast_in_dim3A_217 = vector.shape_cast %reduce_sum3A_216 : vector<8x8xf32> to vector<8x8x1xf32>
    %reduce_sum3A_218 = arith.constant dense<0.000000e+00> : vector<8x1xf32>
    %reduce_sum3A_219 = vector.multi_reduction <add>, %broadcast_in_dim3A_217, %reduce_sum3A_218 [1] : vector<8x8x1xf32> to vector<8x1xf32>
    %broadcast_in_dim3A_220 = vector.shape_cast %reduce_sum3A_219 : vector<8x1xf32> to vector<8x1x1xf32>
    %div3A_221 = arith.divf %broadcast_in_dim3A_220, %broadcast_in_dim3A_205 : vector<8x1x1xf32>
    %mul3A_222 = arith.mulf %exp3A_199, %sub3A_187 : vector<8x8x128xf32>
    %reduce_sum3A_223 = arith.constant dense<0.000000e+00> : vector<8x8xf32>
    %reduce_sum3A_224 = vector.multi_reduction <add>, %mul3A_222, %reduce_sum3A_223 [2] : vector<8x8x128xf32> to vector<8x8xf32>
    %broadcast_in_dim3A_225 = vector.shape_cast %reduce_sum3A_224 : vector<8x8xf32> to vector<8x8x1xf32>
    %reduce_sum3A_226 = arith.constant dense<0.000000e+00> : vector<8x1xf32>
    %reduce_sum3A_227 = vector.multi_reduction <add>, %broadcast_in_dim3A_225, %reduce_sum3A_226 [1] : vector<8x8x1xf32> to vector<8x1xf32>
    %broadcast_in_dim3A_228 = vector.shape_cast %reduce_sum3A_227 : vector<8x1xf32> to vector<8x1x1xf32>
    %div3A_229 = arith.divf %broadcast_in_dim3A_228, %broadcast_in_dim3A_205 : vector<8x1x1xf32>
    %jit3A_230 = arith.constant 0.000000e+00 : f32
    %broadcast_in_dim3A_231 = vector.broadcast %jit3A_230 : f32 to vector<8x8x128xf32>
    %select_n3A_232 = arith.select %and3A_144, %exp3A_199, %broadcast_in_dim3A_231 : vector<8x8x128xi1>, vector<8x8x128xf32>
    %reduce_sum3A_233 = arith.constant dense<0.000000e+00> : vector<8x8xf32>
    %reduce_sum3A_234 = vector.multi_reduction <add>, %select_n3A_232, %reduce_sum3A_233 [2] : vector<8x8x128xf32> to vector<8x8xf32>
    %broadcast_in_dim3A_235 = vector.shape_cast %reduce_sum3A_234 : vector<8x8xf32> to vector<8x8x1xf32>
    %reduce_sum3A_236 = arith.constant dense<0.000000e+00> : vector<8x1xf32>
    %reduce_sum3A_237 = vector.multi_reduction <add>, %broadcast_in_dim3A_235, %reduce_sum3A_236 [1] : vector<8x8x1xf32> to vector<8x1xf32>
    %broadcast_in_dim3A_238 = vector.shape_cast %reduce_sum3A_237 : vector<8x1xf32> to vector<8x1x1xf32>
    %jit3A_239 = arith.constant 0.000000e+00 : f32
    %broadcast_in_dim3A_240 = vector.broadcast %jit3A_239 : f32 to vector<8x8x128xf32>
    %select_n3A_241 = arith.select %and3A_144, %sub3A_187, %broadcast_in_dim3A_240 : vector<8x8x128xi1>, vector<8x8x128xf32>
    %reduce_sum3A_242 = arith.constant dense<0.000000e+00> : vector<8x8xf32>
    %reduce_sum3A_243 = vector.multi_reduction <add>, %select_n3A_241, %reduce_sum3A_242 [2] : vector<8x8x128xf32> to vector<8x8xf32>
    %broadcast_in_dim3A_244 = vector.shape_cast %reduce_sum3A_243 : vector<8x8xf32> to vector<8x8x1xf32>
    %reduce_sum3A_245 = arith.constant dense<0.000000e+00> : vector<8x1xf32>
    %reduce_sum3A_246 = vector.multi_reduction <add>, %broadcast_in_dim3A_244, %reduce_sum3A_245 [1] : vector<8x8x1xf32> to vector<8x1xf32>
    %broadcast_in_dim3A_247 = vector.shape_cast %reduce_sum3A_246 : vector<8x1xf32> to vector<8x1x1xf32>
    %sub3A_248 = arith.subf %div3A_221, %div3A_229 : vector<8x1x1xf32>
    %sub3A_249 = arith.constant 1.000000e+00 : f32
    %sub3A_250 = vector.broadcast %sub3A_249 : f32 to vector<8x1x1xf32>
    %sub3A_251 = arith.subf %sub3A_250, %broadcast_in_dim3A_238 : vector<8x1x1xf32>
    %mul3A_252 = arith.mulf %sub3A_251, %broadcast_in_dim3A_247 : vector<8x1x1xf32>
    %div3A_253 = arith.divf %mul3A_252, %broadcast_in_dim3A_205 : vector<8x1x1xf32>
    %sub3A_254 = arith.subf %sub3A_248, %div3A_253 : vector<8x1x1xf32>
    %div3A_255 = arith.constant 4.000000e+00 : f32
    %div3A_256 = vector.broadcast %div3A_255 : f32 to vector<8x1x1xf32>
    %div3A_257 = arith.divf %broadcast_in_dim3A_149, %div3A_256 : vector<8x1x1xf32>
    %add3A_258 = arith.addf %div3A_257, %log3A_180 : vector<8x1x1xf32>
    %eq3A_259 = arith.constant 0 : i32
    %eq3A_260 = vector.broadcast %eq3A_259 : i32 to vector<1x1x4xi32>
    %eq3A_261 = arith.cmpi eq, %iota3A_2, %eq3A_260 : vector<1x1x4xi32>
    %eq3A_262 = arith.constant 1 : i32
    %eq3A_263 = vector.broadcast %eq3A_262 : i32 to vector<1x1x4xi32>
    %eq3A_264 = arith.cmpi eq, %iota3A_2, %eq3A_263 : vector<1x1x4xi32>
    %eq3A_265 = arith.constant 2 : i32
    %eq3A_266 = vector.broadcast %eq3A_265 : i32 to vector<1x1x4xi32>
    %eq3A_267 = arith.cmpi eq, %iota3A_2, %eq3A_266 : vector<1x1x4xi32>
    %broadcast_in_dim3A_268 = vector.shape_cast %eq3A_267 : vector<1x1x4xi1> to vector<1x1x4xi1>
    %broadcast_in_dim3A_269 = vector.broadcast %broadcast_in_dim3A_268 : vector<1x1x4xi1> to vector<8x1x4xi1>
    %broadcast_in_dim3A_270 = vector.shape_cast %broadcast_in_dim3A_205 : vector<8x1x1xf32> to vector<8x1x1xf32>
    %broadcast_in_dim3A_271 = vector.broadcast %broadcast_in_dim3A_270 : vector<8x1x1xf32> to vector<8x1x4xf32>
    %broadcast_in_dim3A_272 = vector.shape_cast %add3A_258 : vector<8x1x1xf32> to vector<8x1x1xf32>
    %broadcast_in_dim3A_273 = vector.broadcast %broadcast_in_dim3A_272 : vector<8x1x1xf32> to vector<8x1x4xf32>
    %select_n3A_274 = arith.select %broadcast_in_dim3A_269, %broadcast_in_dim3A_271, %broadcast_in_dim3A_273 : vector<8x1x4xi1>, vector<8x1x4xf32>
    %broadcast_in_dim3A_275 = vector.shape_cast %eq3A_264 : vector<1x1x4xi1> to vector<1x1x4xi1>
    %broadcast_in_dim3A_276 = vector.broadcast %broadcast_in_dim3A_275 : vector<1x1x4xi1> to vector<8x1x4xi1>
    %broadcast_in_dim3A_277 = vector.shape_cast %sub3A_254 : vector<8x1x1xf32> to vector<8x1x1xf32>
    %broadcast_in_dim3A_278 = vector.broadcast %broadcast_in_dim3A_277 : vector<8x1x1xf32> to vector<8x1x4xf32>
    %select_n3A_279 = arith.select %broadcast_in_dim3A_276, %broadcast_in_dim3A_278, %select_n3A_274 : vector<8x1x4xi1>, vector<8x1x4xf32>
    %broadcast_in_dim3A_280 = vector.shape_cast %eq3A_261 : vector<1x1x4xi1> to vector<1x1x4xi1>
    %broadcast_in_dim3A_281 = vector.broadcast %broadcast_in_dim3A_280 : vector<1x1x4xi1> to vector<8x1x4xi1>
    %broadcast_in_dim3A_282 = vector.shape_cast %sub3A_167 : vector<8x1x1xf32> to vector<8x1x1xf32>
    %broadcast_in_dim3A_283 = vector.broadcast %broadcast_in_dim3A_282 : vector<8x1x1xf32> to vector<8x1x4xf32>
    %select_n3A_284 = arith.select %broadcast_in_dim3A_281, %broadcast_in_dim3A_283, %select_n3A_279 : vector<8x1x4xi1>, vector<8x1x4xf32>
    %swap3A = arith.constant 0 : index
    %swap3A_285 = arith.constant 0 : index
    %swap3A_286 = arith.constant 0 : index
    %swap3A_287 = vector.load %arg4[%swap3A, %swap3A_285, %swap3A_286] : memref<8x1x4xf32, #tpu.memory_space<vmem>>, vector<8x1x4xf32>
    tpu.vector_store %arg4[%swap3A, %swap3A_285, %swap3A_286], %select_n3A_284 {strides = array<i32>} : memref<8x1x4xf32, #tpu.memory_space<vmem>>, vector<8x1x4xf32>,
    return
  }
  func.func @transform_0(%arg0: i32, %arg1: memref<4096xi32, #tpu.memory_space<smem>>) -> (i32, i32, i32) {
    %c0_i32 = arith.constant 0 : i32
    %c0_i32_0 = arith.constant 0 : i32
    %c0_i32_1 = arith.constant 0 : i32
    return %arg0, %c0_i32, %c0_i32_0 : i32, i32, i32
  }
  func.func @transform_1(%arg0: i32, %arg1: memref<4096xi32, #tpu.memory_space<smem>>) -> (i32, i32, i32) {
    %c0_i32 = arith.constant 0 : i32
    %c0_i32_0 = arith.constant 0 : i32
    %c0_i32_1 = arith.constant 0 : i32
    return %arg0, %c0_i32, %c0_i32_0 : i32, i32, i32
  }
  func.func @transform_2(%arg0: i32, %arg1: memref<4096xi32, #tpu.memory_space<smem>>) -> (i32, i32, i32) {
    %c0_i32 = arith.constant 0 : i32
    %c0_i32_0 = arith.constant 0 : i32
    %c0_i32_1 = arith.constant 0 : i32
    return %arg0, %c0_i32, %c0_i32_0 : i32, i32, i32
  }
}

</mosaic_0001>

<sc_bundles>
// kernel: kernel.4.cloned.1.call-start
scs
__scs_entry_jumppad:
0x0: {  	(pc) =	sbr.rel $0x88, $3  }
0x1: {  	(tag) =	ssettag $0x0;
	lr =	simm.s32 $0x1  }
0x2: {  	[smem:$0x3F9E] =	sst lr;
	_ =	strace $0xD0000000  }
0x3: {  	_ = 	snop  }
0x4: {  	_ = 	snop  }
0x5: {  	_ = 	snop  }
0x6: {  	_ = 	snop  }
0x7: {  	_ = 	snop  }
__scs_overlays_trampoline_lowered:
0x8: {  	[smem:$0x3FAD] =	sst s0  }
0x9: {  	[smem:$0x3FAE] =	sst s1  }
0xa: {  	[smem:$0x3FAF] =	sst s2  }
0xb: {  	[smem:$0x3FB0] =	sst s3  }
0xc: {  	[smem:$0x3FB1] =	sst s4  }
0xd: {  	[smem:$0x3FB2] =	sst s5  }
0xe: {  	[smem:$0x3FB3] =	sst s6  }
0xf: {  	[smem:$0x3FB4] =	sst s7  }
0x10: {  	[smem:$0x3FB5] =	sst s8  }
0x11: {  	[smem:$0x3FB6] =	sst s9;
	s0 =	simm.s32 @!p0 $0x0  }
0x12: {  	s1 =	sld [smem:$0x3F9C];
	s0 =	simm.s32 @p0 $0x1  }
0x13: {  	[smem:$0x3FB7] =	sst s0;
	s0 =	simm.s32 @!p1 $0x0  }
0x14: {  	s2 =	sld [smem:$0x3F9B];
	s0 =	simm.s32 @p1 $0x1  }
0x15: {  	[smem:$0x3FB8] =	sst s0;
	s0 =	simm.s32 @!p2 $0x0  }
0x16: {  	s3 =	sld [smem:$0x3FDB];
	s0 =	simm.s32 @p2 $0x1  }
0x17: {  	s4 =	simm.s32 $0x1BF5;
	[smem:$0x3FBA] =	sst s0  }
0x18: {  	s0 =	sld [smem:$0x3F9D];
	_ =	swait.ge [sflag:s4], $0x0  }
0x19: {  	s7 =	sld [smem:$0x3F9E]  }
0x1a: {  	s8 =	sadd.s32 $0xFFFFE003, lr  }
0x1b: {  	s9 =	sadd.s32 $0xFFFFFEF7, lr;
	s5 =	simm.s32 $0xFFFFFFFF;
	p2 =	slt.u32 s8, $0xFFFFF086  }
0x1c: {  	p1 =	slt.u32 s9, $0xF7A;
	s5 =	simm.s32 @!p2 $0x0  }
0x1d: {  	s5 =	simm.s32 @p1 $0x1;
	p0 =	seq.s32 s7, s2  }
0x1e: {  	s7 =	smul.u32 @!p0 $0xF7A, s2;
	p2 =	seq.s32 @!p0 s5, $0x0  }
0x1f: {  	s9 =	smul.u32 $0xF7A, s1;
	s8 =	simm.s32 @!p0 $0x1BF5;
	p2 =	por !p2, p0  }
0x20: {  	[sflag:s8] =	ssyncset.s32 @!p0 $0xFFFFF086;
	s6 =	sadd.s32 @!p0 s3, s7;
	s7 =	simm.s32 @!p0 $0x108  }
0x21: {  	s3 =	sadd.s32 s3, s9;
	s6 =	sadd.s32 @!p0 $0x88, s6;
	s7 =	simm.s32 @p2 $0x1082  }
0x22: {  	[simem:s7], [sflag:s8] =	dma.local @!p0 [hbm:s6], $0xF7A  }
0x23: {  	s9 =	sor.u32 $0xD0000000, s2;
	s6 =	simm.s32 $0x108;
	_ =	swait.ge @!p0 [sflag:s8], $0x0  }
0x24: {  	s3 =	sadd.s32 $0x88, s3;
	s6 =	simm.s32 @!p1 $0x1082;
	[sflag:s4] =	ssyncset.s32 $0xFFFFF086  }
0x25: {  	[simem:s6], [sflag:s4] =	dma.local [hbm:s3], $0xF7A  }
0x26: {  	[smem:$0x3F9E] =	sst s1;
	(tag) =	ssettag s2;
	_ =	strace s9  }
0x27: {  	s1 =	sld [smem:$0x3FAE]  }
0x28: {  	s2 =	sld [smem:$0x3FAF]  }
0x29: {  	s4 =	sld [smem:$0x3FB1]  }
0x2a: {  	p0 =	seq.s32 s5, $0x0;
	s5 =	sld [smem:$0x3FB2]  }
0x2b: {  	s6 =	sld [smem:$0x3FB3]  }
0x2c: {  	s7 =	sld [smem:$0x3FB4]  }
0x2d: {  	s3 =	simm.s32 $0x108;
	s8 =	sld [smem:$0x3FB5]  }
0x2e: {  	s3 =	simm.s32 @!p0 $0x1082;
	s9 =	sld [smem:$0x3FB6]  }
0x2f: {  	lr =	sadd.s32 s0, s3;
	s0 =	sld [smem:$0x3FAD]  }
0x30: {  	s3 =	sld [smem:$0x3FB0]  }
0x31: {  	[smem:$0x3FB9] =	sst s10  }
0x32: {  	s10 =	sld [smem:$0x3FB7];
	_ =	sdelay $0x3  }
0x33: {  	p0 =	seq.s32 s10, $0x1;
	s10 =	sld [smem:$0x3FB9];
	_ =	sdelay $0x3  }
0x34: {  	[smem:$0x3FB9] =	sst s10  }
0x35: {  	s10 =	sld [smem:$0x3FB8];
	_ =	sdelay $0x3  }
0x36: {  	p1 =	seq.s32 s10, $0x1;
	s10 =	sld [smem:$0x3FB9];
	_ =	sdelay $0x3  }
0x37: {  	[smem:$0x3FB9] =	sst s10  }
0x38: {  	s10 =	sld [smem:$0x3FBA]  }
0x39: {  	_ = 	snop;
	(pc) =	sbr.ind lr, $3  }
0x3a: {  	_ = 	snop  }
0x3b: {  	_ = 	snop  }
0x3c: {  	p2 =	seq.s32 s10, $0x1;
	s10 =	sld [smem:$0x3FB9]  }
0x3d: {  	_ =	shalt  }
0x3e: {  	_ =	shalt  }
0x3f: {  	_ =	shalt  }
0x40: {  	_ =	shalt  }
0x41: {  	_ =	shalt  }
0x42: {  	_ =	shalt  }
0x43: {  	_ =	shalt  }
0x44: {  	_ =	shalt  }
0x45: {  	_ =	shalt  }
0x46: {  	_ =	shalt  }
0x47: {  	_ =	shalt  }
0x48: {  	_ =	shalt  }
0x49: {  	_ =	shalt  }
0x4a: {  	_ =	shalt  }
0x4b: {  	_ =	shalt  }
0x4c: {  	_ =	shalt  }
0x4d: {  	_ =	shalt  }
0x4e: {  	_ =	shalt  }
0x4f: {  	_ =	shalt  }
0x50: {  	_ =	shalt  }
0x51: {  	_ =	shalt  }
0x52: {  	_ =	shalt  }
0x53: {  	_ =	shalt  }
0x54: {  	_ =	shalt  }
0x55: {  	_ =	shalt  }
0x56: {  	_ =	shalt  }
0x57: {  	_ =	shalt  }
0x58: {  	_ =	shalt  }
0x59: {  	_ =	shalt  }
0x5a: {  	_ =	shalt  }
0x5b: {  	_ =	shalt  }
0x5c: {  	_ =	shalt  }
0x5d: {  	_ =	shalt  }
0x5e: {  	_ =	shalt  }
0x5f: {  	_ =	shalt  }
0x60: {  	_ =	shalt  }
0x61: {  	_ =	shalt  }
0x62: {  	_ =	shalt  }
0x63: {  	_ =	shalt  }
0x64: {  	_ =	shalt  }
0x65: {  	_ =	shalt  }
0x66: {  	_ =	shalt  }
0x67: {  	_ =	shalt  }
0x68: {  	_ =	shalt  }
0x69: {  	_ =	shalt  }
0x6a: {  	_ =	shalt  }
0x6b: {  	_ =	shalt  }
0x6c: {  	_ =	shalt  }
0x6d: {  	_ =	shalt  }
0x6e: {  	_ =	shalt  }
0x6f: {  	_ =	shalt  }
0x70: {  	_ =	shalt  }
0x71: {  	_ =	shalt  }
0x72: {  	_ =	shalt  }
0x73: {  	_ =	shalt  }
0x74: {  	_ =	shalt  }
0x75: {  	_ =	shalt  }
0x76: {  	_ =	shalt  }
0x77: {  	_ =	shalt  }
0x78: {  	_ =	shalt  }
0x79: {  	_ =	shalt  }
0x7a: {  	_ =	shalt  }
0x7b: {  	_ =	shalt  }
0x7c: {  	_ =	shalt  }
0x7d: {  	_ =	shalt  }
0x7e: {  	_ =	shalt  }
0x7f: {  	_ =	shalt  }
0x80: {  	_ =	shalt  }
0x81: {  	_ =	shalt  }
0x82: {  	_ =	shalt  }
0x83: {  	_ =	shalt  }
0x84: {  	_ =	shalt  }
0x85: {  	_ =	shalt  }
0x86: {  	_ =	shalt  }
0x87: {  	_ =	shalt  }
.Lfunc_end0:
.L_simem_size_0:
called_computation_lowered:
.L_overlay_start_0:
0x88: {  	s2 =	sld [smem:$0x3FD9]  }
0x89: {  	s3 =	sld [smem:$0x3FFE];
	_ =	sdelay $0x1  }
0x8a: {  	s1 =	srdreg.scid  }
0x8b: {  	s0 =	sand.u32 $0x1, s1  }
0x8c: {  	s17 =	sshll.u32 s0, $0xA;
	s2 =	sadd.s32 s3, s2  }
0x8d: {  	s2 =	sadd.s32 s2, s17  }
0x8e: {  	[smem:$0x3FC5] =	sst s2  }
0x8f: {  	_ = 	snop  }
0x90: {  	s2 =	sld [smem:$0x3FC7];
	(tm) =	ssettm $0x1  }
0x91: {  	s18 =	sld [smem:$0x3FFB];
	_ =	sdelay $0x3  }
0x92: {  	_ =	strace s18  }
0x93: {  	s3 =	sld [smem:$0x3FFC];
	_ =	sdelay $0x3  }
0x94: {  	_ =	strace s3  }
0x95: {  	s3 =	sld [smem:$0x3FFD];
	_ =	sdelay $0x3  }
0x96: {  	_ =	strace s3  }
0x97: {  	_ =	strace $0x8FFFFFFF  }
0x98: {  	s19 =	sld [smem:$0x3FDB];
	_ =	sdelay $0x1  }
0x99: {  	s4 =	simm.s32 $_scs_section_size  }
0x9a: {  	s5 =	simm.s32 $_size__tile_overlayer_lowered;
	s6 =	simm.s32 $_tile_overlayer_lowered  }
0x9b: {  	s22 =	simm.s32 $0x1BFF;
	s21 =	sshll.u32 s6, $0x1;
	s3 =	sadd.s32 s4, s19  }
0x9c: {  	s7 =	simm.s32 $0x0;
	s20 =	sshll.u32 s5, $0x1;
	s5 =	sadd.s32 s21, s3  }
0x9d: {  	[timem:s7], [sflag:s22] =	dma.local [hbm:s5], s20  }
0x9e: {  	_ =	swait.ge [sflag:s22], s20  }
0x9f: {  	s4 =	ssub.s32 $0x0, s20;
	[sflag:s22] =	ssyncset.done $0x0  }
0xa0: {  	[sflag:s22] =	ssyncadd.s32 s4;
	_ =	sdelay $0x1  }
0xa1: {  	s23 =	simm.s32 $0x1B8B  }
0xa2: {  	_ =	swait.ge [sflag:s23], $0x1  }
0xa3: {  	[sflag:s23] =	ssyncset.done $0x0  }
0xa4: {  	s25 =	simm.s32 $0x1B8E;
	s24 =	sld [smem:$0x3FFE];
	[sflag:s23] =	ssyncadd.s32 $0xFFFFFFFF  }
0xa5: {  	s26 =	simm.s32 $execute0_lowered;
	[smem:$0x3FD2] =	sst s25  }
0xa6: {  	s5 =	sshll.u32 s26, $0x1;
	_ =	strace $0x80000046;
	[dreg:$0x1] =	wrdreg $0xFFFFFFFF  }
0xa7: {  	s28 =	simm.s32 $_size_execute0_lowered;
	s3 =	sadd.s32 s3, s5;
	[dreg:$0x0] =	wrdreg $0x0  }
0xa8: {  	s5 =	sshll.u32 s28, $0x1;
	[dreg:$0x2] =	wrdreg s3  }
0xa9: {  	[dreg:$0x3] =	wrdreg s5  }
0xaa: {  	[dreg:$0x4] =	wrdreg $0xC0  }
0xab: {  	_ =	task [dreg:s7], $0x5FFFF  }
0xac: {  	[dreg:$0x1] =	wrdreg $0xFFFFFFFF  }
0xad: {  	[dreg:$0x0] =	wrdreg $0x60  }
0xae: {  	[dreg:$0x2] =	wrdreg s24  }
0xaf: {  	[dreg:$0x3] =	wrdreg s2  }
0xb0: {  	[dreg:$0x4] =	wrdreg $0x9  }
0xb1: {  	_ =	task.clear_ibuf [dreg:s7], $0x5FFFF;
	_ =	strace $0x90000046  }
0xb2: {  	s29 =	simm.s32 $0x9;
	_ =	strace $0x80000048  }
0xb3: {  	_ =	swait.ge [sflag:s29], $0x1  }
0xb4: {  	[sflag:s29] =	ssyncadd.s32 $0xFFFFFFFF  }
0xb5: {  	_ =	strace $0x90000048  }
0xb6: {  	_ =	sfence  }
0xb7: {  	s30 =	sld [smem:$0x0];
	_ =	sdelay $0x2  }
0xb8: {  	s31 =	sshll.u32 s1, $0xD;
	s1 =	sshrl.u32 s1, $0x2  }
0xb9: {  	s3 =	sand.u32 $0x4000, s31;
	s1 =	sadd.s32 s1, s30  }
0xba: {  	s0 =	sor.u32 s3, s0;
	s1 =	sshll.u32 s1, $0x11  }
0xbb: {  	s0 =	sor.u32 s1, s0  }
0xbc: {  	s0 =	sadd.s32 $0x8F2B, s0  }
0xbd: {  	[sflag:s0] =	ssyncadd.remote.s32 $0x1  }
0xbe: {  	_ =	sfence.sel $0xFFFF  }
0xbf: {  	[dreg:$0x0] =	wrdreg $0xFFFFFFFF;
	(pc) =	sbr.abs _section_cstart, $3  }
0xc0: {  	[dreg:$0x1] =	wrdreg $0xFFFFFFFF  }
0xc1: {  	_ =	task.clear_ibuf [dreg:s7], $0x2FFFF;
	_ =	strace $0x9FFFFFFF  }
0xc2: {  	(tm) =	ssettm $0x7FFFFFFF  }
0xc3: {  	_ =	shalt  }
tec
execute0_lowered:
.L_overlay_start_1:
0x0: {  	(tag) =	ssettag $0x1  }
0x1: {  	s0 =	rddreg [dreg:$0x0]  }
0x2: {  	s1 =	rddreg [dreg:$0x1]  }
0x3: {  	s8 =	simm.s32 $0x0;
	s2 =	srdreg.scid;
	s3 =	stileid.u32  }
0x4: {  	s10 =	simm.s32 $0x4000;
	s11 =	simm.s32 $0x1;
	s12 =	simm.s32 $0x2000  }
0x5: {  	s13 =	simm.s32 $0x5900;
	s14 =	simm.s32 $0x4C80;
	s15 =	simm.s32 $0x5080  }
0x6: {  	s16 =	simm.s32 $0x4480;
	s17 =	simm.s32 $0x4880;
	s18 =	simm.s32 $0x5480  }
0x7: {  	s19 =	simm.s32 $0x4080;
	[smem:$0x7FF] =	sst s8;
	s2 =	sand.u32 $0x1, s2  }
0x8: {  	s4 =	sadd.s32 $0x200000, s0;
	s3 =	sshll.u32 s3, $0x8;
	s5 =	sshll.u32 s2, $0x7  }
0x9: {  	_ =	strace $0x80000047;
	[dreg:$0x3] =	wrdreg s4;
	s5 =	sor.u32 s5, s3  }
0xa: {  	s4 =	sadd.s32 $0x180000, s0;
	s2 =	ssub.s32 $0x2, s2;
	s6 =	sshrl.u32 s5, $0x3  }
0xb: {  	s30 =	sshrl.u32 s2, $0x1;
	s7 =	sshrl.u32 s5, $0x2;
	s1 =	sadd.s32 s1, s6  }
0xc: {  	s2 =	ssub.s32 s2, s30;
	s0 =	sadd.s32 s0, s7;
	[dreg:$0x4] =	wrdreg s1  }
0xd: {  	s20 =	simm.s32 $0x5A00;
	s31 =	smax.u32 s2, $0x1;
	[dreg:$0x5] =	wrdreg s0  }
0xe: {  	s21 =	simm.s32 $0x5A80;
	s0 =	sadd.s32 $0x10, s0;
	[dreg:$0x7] =	wrdreg s31  }
0xf: {  	v0 =	vlaneseq.u32;
	v1 =	vimm.s32 $0x0;
	s25 =	simm.s32 $0x0;
	s1 =	simm.s32 $0x0;
	[dreg:$0x6] =	wrdreg s0  }
.LBB2_1:
0x10: {  	[dreg:$0x8] =	wrdreg s1  }
0x11: {  	s0 =	rddreg [dreg:$0x4]  }
0x12: {  	[tilespmem:s10], [sflag:$0x1] =	stream.linear.gather [hbm4b:s0+s8], $0x80, $0x38;
	[tilespmem:$0x5B00] =	vst v63  }
0x13: {  	_ =	swait.ge [sflag:s11], $0x80  }
0x14: {  	[sflag:s11] =	ssyncset.done $0x0  }
0x15: {  	s23 =	simm.s32 $0x0;
	[sflag:s11] =	ssyncadd.s32 $0xFFFFFF80  }
.LBB2_2:
0x16: {  	s24 =	sshll.u32 s23, $0x3  }
0x17: {  	s0 =	sor.u32 s5, s24  }
0x18: {  	s1 =	rddreg [dreg:$0x3];
	s0 =	sshll.u32 s0, $0x7  }
0x19: {  	s1 =	sadd.s32 s1, s0  }
0x1a: {  	[tilespmem:s25], [sflag:$0x1] =	stream.linear.gather [hbm4b:s1+s25], $0x2000, $0x38;
	[tilespmem:$0x5B00] =	vst v63  }
0x1b: {  	_ =	swait.ge [sflag:s11], $0x2000  }
0x1c: {  	[sflag:s11] =	ssyncset.done $0x0  }
0x1d: {  	s0 =	sadd.s32 s4, s0;
	[sflag:s11] =	ssyncadd.s32 $0xFFFFE000  }
0x1e: {  	[tilespmem:s12], [sflag:$0x1] =	stream.linear.gather [hbm4b:s0+s25], $0x2000, $0x38;
	[tilespmem:$0x5B00] =	vst v63  }
0x1f: {  	_ =	swait.ge [sflag:s11], $0x2000  }
0x20: {  	[sflag:s11] =	ssyncset.done $0x0  }
0x21: {  	s26 =	simm.s32 $0x0;
	[sflag:s11] =	ssyncadd.s32 $0xFFFFE000  }
.LBB2_3:
0x22: {  	s0 =	sshll.u32 s26, $0x7  }
0x23: {  	v2 =	vmov s0;
	_ =	sdelay $0x2  }
0x24: {  	s1 =	sand.u32 $0x40, s25;
	s2 =	sand.u32 $0x1C00, s25  }
0x25: {  	s2 =	sor.u32 s1, s2  }
0x26: {  	v7 =	vld.idx.msk [tilespmem:v2+s2+$0x30 ss:$0x1], $0xffff  }
0x27: {  	v8 =	vld.idx.msk [tilespmem:v2+s2+$0x0 ss:$0x1], $0xffff  }
0x28: {  	s3 =	simm.s32 $0x40;
	s1 =	simm.s32 $0x200;
	v9 =	vld.idx.msk [tilespmem:v2+s2+$0x10 ss:$0x1], $0xffff  }
0x29: {  	s3 =	sand.u32 $0x40, s3;
	s6 =	sand.u32 $0x1C00, s1;
	v3 =	vld.idx.msk [tilespmem:v2+s2+$0x20 ss:$0x1], $0xffff  }
0x2a: {  	s6 =	sor.u32 s3, s6  }
0x2b: {  	v4 =	vld.idx.msk [tilespmem:v2+s6+$0x30 ss:$0x1], $0xffff  }
0x2c: {  	v5 =	vimm.f32 $-1.000000020e+30;
	v6 =	vld.idx.msk [tilespmem:v2+s6+$0x0 ss:$0x1], $0xffff  }
0x2d: {  	s2 =	simm.s32 $0x80;
	v10 =	vld.idx.msk [tilespmem:v2+s6+$0x10 ss:$0x1], $0xffff;
	v7 =	vmax.f32 v5, v7;
	v8 =	vmax.f32 v5, v8;
	v9 =	vmax.f32 v5, v9  }
.LBB2_4:
0x2e: {  	s3 =	sand.u32 $0x40, s2;
	s1 =	sadd.s32 $0x200, s1;
	v5 =	vmax.f32 v5, v3;
	v3 =	vld.idx.msk [tilespmem:v2+s6+$0x20 ss:$0x1], $0xffff;
	p0 =	sne.s32 s2, $0x3C0  }
.Ltmp0:
0x2f: {  	s2 =	sadd.s32 $0x40, s2;
	s6 =	sand.u32 $0x1C00, s1;
	(pc) =	sbr.rel @p0 .LBB2_4-.Ltmp0, $4  }
0x30: {  	s6 =	sor.u32 s3, s6  }
0x31: {  	v7 =	vmax.f32 v7, v4;
	v4 =	vld.idx.msk [tilespmem:v2+s6+$0x30 ss:$0x1], $0xffff  }
0x32: {  	v8 =	vmax.f32 v8, v6;
	v6 =	vld.idx.msk [tilespmem:v2+s6+$0x0 ss:$0x1], $0xffff  }
0x33: {  	v9 =	vmax.f32 v9, v10;
	v10 =	vld.idx.msk [tilespmem:v2+s6+$0x10 ss:$0x1], $0xffff  }
0x34: {  	_ =	sdelay $0x3  }
0x35: {  	v2 =	vld.idx.msk [tilespmem:v2+s6+$0x20 ss:$0x1], $0xffff;
	_ =	sdelay $0x3  }
0x36: {  	v3 =	vmax.f32 v5, v3;
	v4 =	vmax.f32 v7, v4  }
0x37: {  	v5 =	vmax.f32 v8, v6;
	v63 =	vmax.f32 v9, v10;
	v2 =	vmax.f32 v3, v2  }
0x38: {  	v3 =	vmax.f32 v5, v63;
	v2 =	vmax.f32 v2, v4  }
0x39: {  	s1 =	simm.s32 $0x0;
	v2 =	vmax.f32 v3, v2  }
0x3a: {  	s1 =	sand.u32 $0x7000, s1;
	(xrf0) =	vmax.scan.msk.f32 $0xffff, v2  }
0x3b: {  	s28 =	sand.u32 $0x3FFFFF80, s0;
	s22 =	simm.s32 $0x0;
	s1 =	sshrl.u32 s1, $0x2  }
0x3c: {  	s2 =	sand.u32 $0x40, s22;
	s3 =	sadd.s32 s1, s28  }
0x3d: {  	s1 =	sadd.s32 s2, s3  }
0x3e: {  	v3 =	vld [tilespmem:s1+$0x0];
	_ =	sdelay $0x1  }
0x3f: {  	v2, _, _ =	vpop (xrf0)  }
0x40: {  	v2 =	vbroadcast v2, $0xF;
	_ =	sdelay $0x1  }
0x41: {  	v3 =	vsub.f32 v3, v2;
	_ =	sdelay $0x1  }
0x42: {  	v3 =	vmul.f32 $2.500000000e-01, v3;
	_ =	sdelay $0x1  }
0x43: {  	v3 =	vmul.f32 $1.442695020e+00, v3;
	_ =	sdelay $0x1  }
0x44: {  	(erf) = vpow2.f32 v3;
	_ =	sdelay $0x8  }
0x45: {  	s29 =	simm.s32 $0x40A0;
	v3 =	vpop (erf)  }
0x46: {  	s9 =	simm.s32 $0x44A0;
	s6 =	simm.s32 $0x10;
	[tilespmem:s29+$0xFFFFFFE0] =	vst v3;
	v3 =	vshrl.u32 v3, $0x10  }
0x47: {  	s7 =	sand.u32 $0x50, s6;
	s1 =	simm.s32 $0x48A0;
	[tilespmem:s9+$0xFFFFFFE0] =	vst v3;
	v3 =	vor.u32 s22, v0  }
0x48: {  	s0 =	sadd.s32 s7, s3;
	[tilespmem:s1+$0xFFFFFFE0] =	vst v3  }
0x49: {  	v3 =	vld [tilespmem:s0+$0x0];
	_ =	sdelay $0x4  }
0x4a: {  	v3 =	vsub.f32 v3, v2;
	_ =	sdelay $0x1  }
0x4b: {  	v3 =	vmul.f32 $2.500000000e-01, v3;
	_ =	sdelay $0x1  }
0x4c: {  	v3 =	vmul.f32 $1.442695020e+00, v3;
	_ =	sdelay $0x1  }
0x4d: {  	(erf) = vpow2.f32 v3;
	_ =	sdelay $0x8  }
0x4e: {  	v3 =	vpop (erf)  }
0x4f: {  	s8 =	simm.s32 $0x20;
	[tilespmem:s29+$0xFFFFFFF0] =	vst v3;
	v3 =	vshrl.u32 v3, $0x10  }
0x50: {  	[tilespmem:s9+$0xFFFFFFF0] =	vst v3;
	v3 =	vor.u32 s6, v0;
	s6 =	sand.u32 $0x60, s8  }
0x51: {  	[tilespmem:s1+$0xFFFFFFF0] =	vst v3;
	s2 =	sadd.s32 s6, s3  }
0x52: {  	v3 =	vld [tilespmem:s2+$0x0];
	_ =	sdelay $0x4  }
0x53: {  	v3 =	vsub.f32 v3, v2;
	_ =	sdelay $0x1  }
0x54: {  	v3 =	vmul.f32 $2.500000000e-01, v3;
	_ =	sdelay $0x1  }
0x55: {  	v3 =	vmul.f32 $1.442695020e+00, v3;
	_ =	sdelay $0x1  }
0x56: {  	(erf) = vpow2.f32 v3;
	_ =	sdelay $0x8  }
0x57: {  	v3 =	vpop (erf)  }
0x58: {  	s22 =	simm.s32 $0x30;
	[tilespmem:s29+$0x0] =	vst v3;
	v3 =	vshrl.u32 v3, $0x10  }
0x59: {  	s7 =	sand.u32 $0x70, s22;
	[tilespmem:s9+$0x0] =	vst v3;
	v3 =	vor.u32 s8, v0  }
0x5a: {  	s0 =	sadd.s32 s7, s3;
	[tilespmem:s1+$0x0] =	vst v3  }
0x5b: {  	v3 =	vld [tilespmem:s0+$0x0];
	_ =	sdelay $0x4  }
0x5c: {  	v3 =	vsub.f32 v3, v2;
	_ =	sdelay $0x1  }
0x5d: {  	v3 =	vmul.f32 $2.500000000e-01, v3;
	_ =	sdelay $0x1  }
0x5e: {  	v3 =	vmul.f32 $1.442695020e+00, v3;
	_ =	sdelay $0x1  }
0x5f: {  	(erf) = vpow2.f32 v3;
	_ =	sdelay $0x7  }
0x60: {  	s6 =	simm.s32 $0x800  }
0x61: {  	s30 =	simm.s32 $0x70;
	s31 =	simm.s32 $0x48E0;
	s8 =	sand.u32 $0x7000, s6;
	v3 =	vpop (erf)  }
0x62: {  	s7 =	simm.s32 $0xB0;
	s2 =	simm.s32 $0x40;
	s0 =	sshrl.u32 s8, $0x2;
	[tilespmem:s29+$0x10] =	vst v3;
	v3 =	vshrl.u32 v3, $0x10  }
0x63: {  	s3 =	sand.u32 $0x40, s2;
	s8 =	sadd.s32 s0, s28;
	s0 =	simm.s32 $0x44E0;
	[tilespmem:s9+$0x10] =	vst v3;
	v3 =	vor.u32 s22, v0  }
.LBB2_6:
0x64: {  	s3 =	sadd.s32 s3, s8;
	s29 =	sadd.s32 $0x40, s29;
	s9 =	smov.u32 s30  }
0x65: {  	[tilespmem:s1+$0x10] =	vst v3;
	s30 =	smov.u32 s7;
	s22 =	sadd.s32 $0x40, s7;
	s1 =	smov.u32 s31  }
0x66: {  	p0 =	sne.s32 s7, $0x3F0;
	v3 =	vld [tilespmem:s3+$0x0];
	_ =	sdelay $0x4  }
0x67: {  	v3 =	vsub.f32 v3, v2;
	_ =	sdelay $0x1  }
0x68: {  	v3 =	vmul.f32 $2.500000000e-01, v3;
	_ =	sdelay $0x1  }
0x69: {  	v3 =	vmul.f32 $1.442695020e+00, v3;
	_ =	sdelay $0x1  }
0x6a: {  	(erf) = vpow2.f32 v3;
	_ =	sdelay $0x8  }
0x6b: {  	v3 =	vpop (erf)  }
0x6c: {  	s3 =	sadd.s32 $0xFFFFFFE0, s9;
	[tilespmem:s29+$0xFFFFFFE0] =	vst v3;
	v3 =	vshrl.u32 v3, $0x10  }
0x6d: {  	[tilespmem:s0+$0xFFFFFFE0] =	vst v3;
	v3 =	vor.u32 s2, v0;
	s2 =	sand.u32 $0x50, s3  }
0x6e: {  	[tilespmem:s31+$0xFFFFFFE0] =	vst v3;
	s2 =	sadd.s32 s2, s8  }
0x6f: {  	v3 =	vld [tilespmem:s2+$0x0];
	_ =	sdelay $0x4  }
0x70: {  	v3 =	vsub.f32 v3, v2;
	_ =	sdelay $0x1  }
0x71: {  	v3 =	vmul.f32 $2.500000000e-01, v3;
	_ =	sdelay $0x1  }
0x72: {  	v3 =	vmul.f32 $1.442695020e+00, v3;
	_ =	sdelay $0x1  }
0x73: {  	(erf) = vpow2.f32 v3;
	_ =	sdelay $0x8  }
0x74: {  	v3 =	vpop (erf)  }
0x75: {  	s2 =	sadd.s32 $0xFFFFFFF0, s9;
	[tilespmem:s29+$0xFFFFFFF0] =	vst v3;
	v3 =	vshrl.u32 v3, $0x10  }
0x76: {  	[tilespmem:s0+$0xFFFFFFF0] =	vst v3;
	v3 =	vor.u32 s3, v0;
	s3 =	sand.u32 $0x60, s2  }
0x77: {  	[tilespmem:s31+$0xFFFFFFF0] =	vst v3;
	s3 =	sadd.s32 s3, s8  }
0x78: {  	v3 =	vld [tilespmem:s3+$0x0];
	_ =	sdelay $0x4  }
0x79: {  	v3 =	vsub.f32 v3, v2;
	_ =	sdelay $0x1  }
0x7a: {  	v3 =	vmul.f32 $2.500000000e-01, v3;
	_ =	sdelay $0x1  }
0x7b: {  	v3 =	vmul.f32 $1.442695020e+00, v3;
	_ =	sdelay $0x1  }
0x7c: {  	(erf) = vpow2.f32 v3;
	_ =	sdelay $0x8  }
0x7d: {  	v3 =	vpop (erf)  }
0x7e: {  	[tilespmem:s29+$0x0] =	vst v3;
	v3 =	vshrl.u32 v3, $0x10  }
0x7f: {  	[tilespmem:s0+$0x0] =	vst v3;
	v3 =	vor.u32 s2, v0;
	s2 =	sand.u32 $0x70, s9  }
0x80: {  	[tilespmem:s31+$0x0] =	vst v3;
	s2 =	sadd.s32 s2, s8  }
0x81: {  	v3 =	vld [tilespmem:s2+$0x0];
	_ =	sdelay $0x4  }
0x82: {  	v3 =	vsub.f32 v3, v2;
	_ =	sdelay $0x1  }
0x83: {  	v3 =	vmul.f32 $2.500000000e-01, v3;
	_ =	sdelay $0x1  }
0x84: {  	v3 =	vmul.f32 $1.442695020e+00, v3;
	_ =	sdelay $0x1  }
0x85: {  	(erf) = vpow2.f32 v3;
	_ =	sdelay $0x6  }
.Ltmp1:
0x86: {  	s6 =	sadd.s32 $0x800, s6;
	(pc) =	sbr.rel @p0 .LBB2_6-.Ltmp1, $4  }
0x87: {  	s3 =	sand.u32 $0x7000, s6  }
0x88: {  	s7 =	sshrl.u32 s3, $0x2;
	v3 =	vpop (erf)  }
0x89: {  	s31 =	sadd.s32 $0x40, s31;
	s8 =	sadd.s32 s7, s28;
	s2 =	sadd.s32 $0xFFFFFFD0, s30;
	[tilespmem:s29+$0x10] =	vst v3;
	v3 =	vshrl.u32 v3, $0x10  }
0x8a: {  	s7 =	smov.u32 s22;
	s3 =	sand.u32 $0x40, s2;
	[tilespmem:s0+$0x10] =	vst v3;
	v3 =	vor.u32 s9, v0;
	s0 =	sadd.s32 $0x40, s0  }
0x8b: {  	s3 =	sadd.s32 s3, s8;
	[tilespmem:s1+$0x10] =	vst v3  }
0x8c: {  	v3 =	vld [tilespmem:s3+$0x0];
	_ =	sdelay $0x4  }
0x8d: {  	v3 =	vsub.f32 v3, v2;
	_ =	sdelay $0x1  }
0x8e: {  	v3 =	vmul.f32 $2.500000000e-01, v3;
	_ =	sdelay $0x1  }
0x8f: {  	v3 =	vmul.f32 $1.442695020e+00, v3;
	_ =	sdelay $0x1  }
0x90: {  	(erf) = vpow2.f32 v3;
	_ =	sdelay $0x8  }
0x91: {  	s6 =	sadd.s32 $0x40, s29;
	v3 =	vpop (erf)  }
0x92: {  	s7 =	sadd.s32 $0xFFFFFFE0, s30;
	[tilespmem:s6+$0xFFFFFFE0] =	vst v3;
	v3 =	vshrl.u32 v3, $0x10  }
0x93: {  	s9 =	sand.u32 $0x50, s7;
	[tilespmem:s0+$0xFFFFFFE0] =	vst v3;
	v3 =	vor.u32 s2, v0  }
0x94: {  	s2 =	sadd.s32 s9, s8;
	[tilespmem:s31+$0xFFFFFFE0] =	vst v3  }
0x95: {  	v3 =	vld [tilespmem:s2+$0x0];
	_ =	sdelay $0x4  }
0x96: {  	v3 =	vsub.f32 v3, v2;
	_ =	sdelay $0x1  }
0x97: {  	v3 =	vmul.f32 $2.500000000e-01, v3;
	_ =	sdelay $0x1  }
0x98: {  	v3 =	vmul.f32 $1.442695020e+00, v3;
	_ =	sdelay $0x1  }
0x99: {  	(erf) = vpow2.f32 v3;
	_ =	sdelay $0x8  }
0x9a: {  	v3 =	vpop (erf)  }
0x9b: {  	s22 =	sadd.s32 $0xFFFFFFF0, s30;
	[tilespmem:s6+$0xFFFFFFF0] =	vst v3;
	v3 =	vshrl.u32 v3, $0x10  }
0x9c: {  	s28 =	sand.u32 $0x60, s22;
	[tilespmem:s0+$0xFFFFFFF0] =	vst v3;
	v3 =	vor.u32 s7, v0  }
0x9d: {  	s3 =	sadd.s32 s28, s8;
	[tilespmem:s31+$0xFFFFFFF0] =	vst v3  }
0x9e: {  	v3 =	vld [tilespmem:s3+$0x0];
	_ =	sdelay $0x4  }
0x9f: {  	v3 =	vsub.f32 v3, v2;
	_ =	sdelay $0x1  }
0xa0: {  	v3 =	vmul.f32 $2.500000000e-01, v3;
	_ =	sdelay $0x1  }
0xa1: {  	v3 =	vmul.f32 $1.442695020e+00, v3;
	_ =	sdelay $0x1  }
0xa2: {  	(erf) = vpow2.f32 v3;
	_ =	sdelay $0x8  }
0xa3: {  	v3 =	vpop (erf)  }
0xa4: {  	[tilespmem:s6+$0x0] =	vst v3;
	v3 =	vshrl.u32 v3, $0x10  }
0xa5: {  	s29 =	sand.u32 $0x70, s30;
	[tilespmem:s0+$0x0] =	vst v3;
	v3 =	vor.u32 s22, v0  }
0xa6: {  	s2 =	sadd.s32 s29, s8;
	[tilespmem:s31+$0x0] =	vst v3  }
0xa7: {  	v3 =	vld [tilespmem:s2+$0x0];
	_ =	sdelay $0x4  }
0xa8: {  	v2 =	vsub.f32 v3, v2;
	_ =	sdelay $0x1  }
0xa9: {  	v2 =	vmul.f32 $2.500000000e-01, v2;
	_ =	sdelay $0x1  }
0xaa: {  	v2 =	vmul.f32 $1.442695020e+00, v2;
	_ =	sdelay $0x1  }
0xab: {  	(erf) = vpow2.f32 v2;
	_ =	sdelay $0x8  }
0xac: {  	v2 =	vpop (erf)  }
0xad: {  	[tilespmem:s6+$0x10] =	vst v2;
	v2 =	vshrl.u32 v2, $0x10  }
0xae: {  	[tilespmem:s0+$0x10] =	vst v2;
	v2 =	vor.u32 s30, v0  }
0xaf: {  	[tilespmem:s31+$0x10] =	vst v2  }
0xb0: {  	[tilespmem:$0x5900] =	vst v1  }
0xb1: {  	[tilespmem:$0x5910] =	vst v1  }
0xb2: {  	[tilespmem:$0x5920] =	vst v1  }
0xb3: {  	[tilespmem:$0x5930] =	vst v1  }
0xb4: {  	[tilespmem:$0x5940] =	vst v1  }
0xb5: {  	[tilespmem:$0x5950] =	vst v1  }
0xb6: {  	[tilespmem:$0x5960] =	vst v1  }
0xb7: {  	[tilespmem:$0x5970] =	vst v1  }
0xb8: {  	[tilespmem:$0x5980] =	vst v1  }
0xb9: {  	[tilespmem:$0x5990] =	vst v1  }
0xba: {  	[tilespmem:$0x59A0] =	vst v1  }
0xbb: {  	[tilespmem:$0x59B0] =	vst v1  }
0xbc: {  	[tilespmem:$0x59C0] =	vst v1  }
0xbd: {  	[tilespmem:$0x59D0] =	vst v1  }
0xbe: {  	[tilespmem:$0x59E0] =	vst v1  }
0xbf: {  	s0 =	simm.s32 $0x0;
	[tilespmem:$0x59F0] =	vst v1  }
.LBB2_8:
0xc0: {  	s1 =	sshra.s32 s0, $0x2  }
0xc1: {  	v2 =	vld [tilespmem:s1+$0x4480];
	_ =	sdelay $0x4  }
0xc2: {  	v2 =	vand.u32 $0xFF, v2  }
0xc3: {  	(xrf1) =	vunique.msk.u32 $0xffff, v2;
	_ =	sdelay $0xd  }
0xc4: {  	_, v3, vm0 =	vpop (xrf1);
	_ =	sdelay $0x5  }
0xc5: {  	[tilespmem:v2+s13+$0x0] =	vst.idx.add.s32.msk vm0, v3  }
0xc6: {  	v2 =	vld [tilespmem:s1+$0x4490];
	_ =	sdelay $0x4  }
0xc7: {  	v2 =	vand.u32 $0xFF, v2  }
0xc8: {  	(xrf1) =	vunique.msk.u32 $0xffff, v2;
	_ =	sdelay $0xd  }
0xc9: {  	_, v3, vm0 =	vpop (xrf1);
	_ =	sdelay $0x5  }
0xca: {  	[tilespmem:v2+s13+$0x0] =	vst.idx.add.s32.msk vm0, v3  }
0xcb: {  	v2 =	vld [tilespmem:s1+$0x44A0];
	_ =	sdelay $0x4  }
0xcc: {  	v2 =	vand.u32 $0xFF, v2  }
0xcd: {  	(xrf1) =	vunique.msk.u32 $0xffff, v2;
	_ =	sdelay $0xd  }
0xce: {  	_, v3, vm0 =	vpop (xrf1);
	_ =	sdelay $0x5  }
0xcf: {  	[tilespmem:v2+s13+$0x0] =	vst.idx.add.s32.msk vm0, v3  }
0xd0: {  	v2 =	vld [tilespmem:s1+$0x44B0];
	_ =	sdelay $0x4  }
0xd1: {  	v2 =	vand.u32 $0xFF, v2  }
0xd2: {  	(xrf1) =	vunique.msk.u32 $0xffff, v2;
	_ =	sdelay $0xd  }
0xd3: {  	_, v3, vm0 =	vpop (xrf1)  }
0xd4: {  	p0 =	sne.s32 s0, $0xF00  }
.Ltmp2:
0xd5: {  	_ = 	snop;
	(pc) =	sbr.rel @p0 .LBB2_8-.Ltmp2, $2  }
0xd6: {  	_ =	sdelay $0x2  }
0xd7: {  	s0 =	sadd.s32 $0x100, s0;
	[tilespmem:v2+s13+$0x0] =	vst.idx.add.s32.msk vm0, v3  }
0xd8: {  	v2 =	vld [tilespmem:$0x5900]  }
0xd9: {  	v3 =	vld [tilespmem:$0x5910]  }
0xda: {  	v4 =	vld [tilespmem:$0x5920]  }
0xdb: {  	v5 =	vld [tilespmem:$0x5930]  }
0xdc: {  	v6 =	vld [tilespmem:$0x5940]  }
0xdd: {  	v7 =	vld [tilespmem:$0x5950];
	(xrf0) =	vadd.scan.msk.s32 $0xffff, v2  }
0xde: {  	v8 =	vld [tilespmem:$0x5960];
	(xrf0) =	vadd.scan.msk.s32 $0xffff, v3  }
0xdf: {  	v9 =	vld [tilespmem:$0x5970];
	(xrf0) =	vadd.scan.msk.s32 $0xffff, v4  }
0xe0: {  	v10 =	vld [tilespmem:$0x5980];
	(xrf0) =	vadd.scan.msk.s32 $0xffff, v5  }
0xe1: {  	v11 =	vld [tilespmem:$0x5990];
	(xrf0) =	vadd.scan.msk.s32 $0xffff, v6  }
0xe2: {  	v12 =	vld [tilespmem:$0x59A0];
	(xrf0) =	vadd.scan.msk.s32 $0xffff, v7  }
0xe3: {  	v14 =	vld [tilespmem:$0x59B0];
	v13, _, _ =	vpop (xrf0);
	(xrf0) =	vadd.scan.msk.s32 $0xffff, v8  }
0xe4: {  	v16 =	vld [tilespmem:$0x59C0];
	(v2sf) =	vpush v13, $0xF;
	v15, _, _ =	vpop (xrf0);
	(xrf0) =	vadd.scan.msk.s32 $0xffff, v9  }
0xe5: {  	v18 =	vld [tilespmem:$0x59D0];
	(v2sf) =	vpush v15, $0xF;
	v17, _, _ =	vpop (xrf0);
	(xrf0) =	vadd.scan.msk.s32 $0xffff, v10  }
0xe6: {  	v20 =	vld [tilespmem:$0x59E0];
	(v2sf) =	vpush v17, $0xF;
	v19, _, _ =	vpop (xrf0);
	(xrf0) =	vadd.scan.msk.s32 $0xffff, v11  }
0xe7: {  	(v2sf) =	vpush v19, $0xF;
	v21, _, _ =	vpop (xrf0);
	(xrf0) =	vadd.scan.msk.s32 $0xffff, v12  }
0xe8: {  	(v2sf) =	vpush v21, $0xF;
	v22, _, _ =	vpop (xrf0);
	(xrf0) =	vadd.scan.msk.s32 $0xffff, v14  }
0xe9: {  	(v2sf) =	vpush v22, $0xF;
	v23, _, _ =	vpop (xrf0);
	(xrf0) =	vadd.scan.msk.s32 $0xffff, v16  }
0xea: {  	(v2sf) =	vpush v23, $0xF;
	v24, _, _ =	vpop (xrf0);
	(xrf0) =	vadd.scan.msk.s32 $0xffff, v18  }
0xeb: {  	(v2sf) =	vpush v24, $0xF;
	v25, _, _ =	vpop (xrf0);
	(xrf0) =	vadd.scan.msk.s32 $0xffff, v20  }
0xec: {  	v26, _, _ =	vpop (xrf0);
	(v2sf) =	vpush v25, $0xF  }
0xed: {  	v27, _, _ =	vpop (xrf0);
	(v2sf) =	vpush v26, $0xF  }
0xee: {  	v28, _, _ =	vpop (xrf0);
	(v2sf) =	vpush v27, $0xF  }
0xef: {  	v29, _, _ =	vpop (xrf0);
	(v2sf) =	vpush v28, $0xF  }
0xf0: {  	v30, _, _ =	vpop (xrf0);
	(v2sf) =	vpush v29, $0xF  }
0xf1: {  	(v2sf) =	vpush v30, $0xF;
	v31, _, _ =	vpop (xrf0)  }
0xf2: {  	v32 =	vbroadcast v13, $0xF;
	(v2sf) =	vpush v31, $0xF  }
0xf3: {  	s0 =	spop (v2sf)  }
0xf4: {  	v2 =	vsub.s32 v13, v2;
	v3 =	vsub.s32 v32, v3;
	s1 =	spop (v2sf)  }
0xf5: {  	[tilespmem:$0x5900] =	vst v2;
	v2 =	vadd.s32 v15, v3;
	v3 =	vsub.s32 v17, v4;
	s0 =	sadd.s32 s0, s1;
	s30 =	spop (v2sf)  }
0xf6: {  	v62 =	vld [tilespmem:$0x59F0];
	[tilespmem:$0x5910] =	vst v2;
	v2 =	vadd.s32 s0, v3;
	s0 =	sadd.s32 s0, s30;
	s31 =	spop (v2sf);
	v3 =	vsub.s32 v19, v5  }
0xf7: {  	[tilespmem:$0x5920] =	vst v2;
	v2 =	vsub.s32 v21, v6;
	v3 =	vadd.s32 s0, v3;
	s0 =	sadd.s32 s0, s31;
	s2 =	spop (v2sf)  }
0xf8: {  	[tilespmem:$0x5930] =	vst v3;
	v3 =	vsub.s32 v22, v7;
	v2 =	vadd.s32 s0, v2;
	s0 =	sadd.s32 s0, s2;
	s3 =	spop (v2sf)  }
0xf9: {  	[tilespmem:$0x5940] =	vst v2;
	v2 =	vsub.s32 v23, v8;
	v3 =	vadd.s32 s0, v3;
	s0 =	sadd.s32 s0, s3;
	s6 =	spop (v2sf)  }
0xfa: {  	[tilespmem:$0x5950] =	vst v3;
	v3 =	vsub.s32 v24, v9;
	v2 =	vadd.s32 s0, v2;
	s0 =	sadd.s32 s0, s6;
	s7 =	spop (v2sf)  }
0xfb: {  	(xrf0) =	vadd.scan.msk.s32 $0xffff, v62;
	[tilespmem:$0x5960] =	vst v2;
	v2 =	vsub.s32 v25, v10;
	v3 =	vadd.s32 s0, v3;
	s0 =	sadd.s32 s0, s7;
	s8 =	spop (v2sf)  }
0xfc: {  	[tilespmem:$0x5970] =	vst v3;
	v3 =	vsub.s32 v26, v11;
	v2 =	vadd.s32 s0, v2;
	s0 =	sadd.s32 s0, s8;
	s9 =	spop (v2sf)  }
0xfd: {  	[tilespmem:$0x5980] =	vst v2;
	v2 =	vsub.s32 v27, v12;
	v3 =	vadd.s32 s0, v3;
	s0 =	sadd.s32 s0, s9;
	s22 =	spop (v2sf)  }
0xfe: {  	[tilespmem:$0x5990] =	vst v3;
	v3 =	vsub.s32 v28, v14;
	v2 =	vadd.s32 s0, v2;
	s0 =	sadd.s32 s0, s22;
	s28 =	spop (v2sf)  }
0xff: {  	[tilespmem:$0x59A0] =	vst v2;
	v2 =	vsub.s32 v29, v16;
	v3 =	vadd.s32 s0, v3;
	s0 =	sadd.s32 s0, s28;
	s29 =	spop (v2sf)  }
0x100: {  	[tilespmem:$0x59B0] =	vst v3;
	v3 =	vsub.s32 v30, v18;
	v2 =	vadd.s32 s0, v2;
	s0 =	sadd.s32 s0, s29;
	s30 =	spop (v2sf)  }
0x101: {  	v63, _, _ =	vpop (xrf0);
	[tilespmem:$0x59C0] =	vst v2;
	v2 =	vadd.s32 s0, v3;
	s0 =	sadd.s32 s0, s30;
	v3 =	vsub.s32 v31, v20;
	s31 =	spop (v2sf)  }
0x102: {  	[tilespmem:$0x59D0] =	vst v2;
	v2 =	vadd.s32 s0, v3;
	s0 =	sadd.s32 s0, s31;
	v3 =	vsub.s32 v63, v62  }
0x103: {  	[tilespmem:$0x59E0] =	vst v2;
	v2 =	vadd.s32 s0, v3  }
0x104: {  	s0 =	simm.s32 $0x0;
	[tilespmem:$0x59F0] =	vst v2  }
.LBB2_10:
0x105: {  	s1 =	sshra.s32 s0, $0x2  }
0x106: {  	v2 =	vld [tilespmem:s1+$0x4480];
	_ =	sdelay $0x4  }
0x107: {  	v3 =	vand.u32 $0xFF, v2  }
0x108: {  	(xrf1) =	vunique.msk.u32 $0xffff, v3;
	_ =	sdelay $0x9  }
0x109: {  	v4 =	vld.idx.msk [tilespmem:v3+s13+$0x0], $0xffff;
	_ =	sdelay $0x3  }
0x10a: {  	_, v5, vm0 =	vpop (xrf1)  }
0x10b: {  	v4 =	vadd.s32 v5, v4  }
0x10c: {  	v4 =	vadd.s32 $0xFFFFFFFF, v4  }
0x10d: {  	v6 =	vld [tilespmem:s1+$0x4880];
	_ =	sdelay $0x3  }
0x10e: {  	[tilespmem:v4+s14+$0x0] =	vst.idx.msk $0xffff, v2  }
0x10f: {  	[tilespmem:v4+s15+$0x0] =	vst.idx.msk $0xffff, v6  }
0x110: {  	[tilespmem:v3+s13+$0x0] =	vst.idx.add.s32.msk vm0, v5  }
0x111: {  	v2 =	vld [tilespmem:s1+$0x4490];
	_ =	sdelay $0x4  }
0x112: {  	v3 =	vand.u32 $0xFF, v2  }
0x113: {  	(xrf1) =	vunique.msk.u32 $0xffff, v3;
	_ =	sdelay $0x9  }
0x114: {  	v4 =	vld.idx.msk [tilespmem:v3+s13+$0x0], $0xffff;
	_ =	sdelay $0x3  }
0x115: {  	_, v5, vm0 =	vpop (xrf1)  }
0x116: {  	v4 =	vadd.s32 v5, v4  }
0x117: {  	v4 =	vadd.s32 $0xFFFFFFFF, v4  }
0x118: {  	v6 =	vld [tilespmem:s1+$0x4890];
	_ =	sdelay $0x3  }
0x119: {  	[tilespmem:v4+s14+$0x0] =	vst.idx.msk $0xffff, v2  }
0x11a: {  	[tilespmem:v4+s15+$0x0] =	vst.idx.msk $0xffff, v6  }
0x11b: {  	[tilespmem:v3+s13+$0x0] =	vst.idx.add.s32.msk vm0, v5  }
0x11c: {  	v2 =	vld [tilespmem:s1+$0x44A0];
	_ =	sdelay $0x4  }
0x11d: {  	v3 =	vand.u32 $0xFF, v2  }
0x11e: {  	(xrf1) =	vunique.msk.u32 $0xffff, v3;
	_ =	sdelay $0x9  }
0x11f: {  	v4 =	vld.idx.msk [tilespmem:v3+s13+$0x0], $0xffff;
	_ =	sdelay $0x3  }
0x120: {  	_, v5, vm0 =	vpop (xrf1)  }
0x121: {  	v4 =	vadd.s32 v5, v4  }
0x122: {  	v4 =	vadd.s32 $0xFFFFFFFF, v4  }
0x123: {  	v6 =	vld [tilespmem:s1+$0x48A0];
	_ =	sdelay $0x3  }
0x124: {  	[tilespmem:v4+s14+$0x0] =	vst.idx.msk $0xffff, v2  }
0x125: {  	[tilespmem:v4+s15+$0x0] =	vst.idx.msk $0xffff, v6  }
0x126: {  	[tilespmem:v3+s13+$0x0] =	vst.idx.add.s32.msk vm0, v5  }
0x127: {  	v2 =	vld [tilespmem:s1+$0x44B0];
	_ =	sdelay $0x4  }
0x128: {  	v3 =	vand.u32 $0xFF, v2  }
0x129: {  	(xrf1) =	vunique.msk.u32 $0xffff, v3;
	_ =	sdelay $0x9  }
0x12a: {  	v4 =	vld.idx.msk [tilespmem:v3+s13+$0x0], $0xffff;
	_ =	sdelay $0x3  }
0x12b: {  	_, v5, vm0 =	vpop (xrf1)  }
0x12c: {  	v4 =	vadd.s32 v5, v4  }
0x12d: {  	v4 =	vadd.s32 $0xFFFFFFFF, v4  }
0x12e: {  	v6 =	vld [tilespmem:s1+$0x48B0]  }
0x12f: {  	p0 =	sne.s32 s0, $0xF00  }
.Ltmp3:
0x130: {  	_ = 	snop;
	(pc) =	sbr.rel @p0 .LBB2_10-.Ltmp3, $4  }
0x131: {  	_ = 	snop  }
0x132: {  	[tilespmem:v4+s14+$0x0] =	vst.idx.msk $0xffff, v2  }
0x133: {  	[tilespmem:v4+s15+$0x0] =	vst.idx.msk $0xffff, v6  }
0x134: {  	s0 =	sadd.s32 $0x100, s0;
	[tilespmem:v3+s13+$0x0] =	vst.idx.add.s32.msk vm0, v5  }
0x135: {  	[tilespmem:$0x5900] =	vst v1  }
0x136: {  	[tilespmem:$0x5910] =	vst v1  }
0x137: {  	[tilespmem:$0x5920] =	vst v1  }
0x138: {  	[tilespmem:$0x5930] =	vst v1  }
0x139: {  	[tilespmem:$0x5940] =	vst v1  }
0x13a: {  	[tilespmem:$0x5950] =	vst v1  }
0x13b: {  	[tilespmem:$0x5960] =	vst v1  }
0x13c: {  	[tilespmem:$0x5970] =	vst v1  }
0x13d: {  	[tilespmem:$0x5980] =	vst v1  }
0x13e: {  	[tilespmem:$0x5990] =	vst v1  }
0x13f: {  	[tilespmem:$0x59A0] =	vst v1  }
0x140: {  	[tilespmem:$0x59B0] =	vst v1  }
0x141: {  	[tilespmem:$0x59C0] =	vst v1  }
0x142: {  	[tilespmem:$0x59D0] =	vst v1  }
0x143: {  	[tilespmem:$0x59E0] =	vst v1  }
0x144: {  	[tilespmem:$0x59F0] =	vst v1;
	s0 =	simm.s32 $0x0  }
.LBB2_12:
0x145: {  	s1 =	sshra.s32 s0, $0x2  }
0x146: {  	v2 =	vld [tilespmem:s1+$0x4C80];
	_ =	sdelay $0x4  }
0x147: {  	v2 =	vshrl.u32 v2, $0x8  }
0x148: {  	v2 =	vand.u32 $0xFF, v2  }
0x149: {  	(xrf1) =	vunique.msk.u32 $0xffff, v2;
	_ =	sdelay $0xd  }
0x14a: {  	_, v3, vm0 =	vpop (xrf1);
	_ =	sdelay $0x5  }
0x14b: {  	[tilespmem:v2+s13+$0x0] =	vst.idx.add.s32.msk vm0, v3  }
0x14c: {  	v2 =	vld [tilespmem:s1+$0x4C90];
	_ =	sdelay $0x4  }
0x14d: {  	v2 =	vshrl.u32 v2, $0x8  }
0x14e: {  	v2 =	vand.u32 $0xFF, v2  }
0x14f: {  	(xrf1) =	vunique.msk.u32 $0xffff, v2;
	_ =	sdelay $0xd  }
0x150: {  	_, v3, vm0 =	vpop (xrf1);
	_ =	sdelay $0x5  }
0x151: {  	[tilespmem:v2+s13+$0x0] =	vst.idx.add.s32.msk vm0, v3  }
0x152: {  	v2 =	vld [tilespmem:s1+$0x4CA0];
	_ =	sdelay $0x4  }
0x153: {  	v2 =	vshrl.u32 v2, $0x8  }
0x154: {  	v2 =	vand.u32 $0xFF, v2  }
0x155: {  	(xrf1) =	vunique.msk.u32 $0xffff, v2;
	_ =	sdelay $0xd  }
0x156: {  	_, v3, vm0 =	vpop (xrf1);
	_ =	sdelay $0x5  }
0x157: {  	[tilespmem:v2+s13+$0x0] =	vst.idx.add.s32.msk vm0, v3  }
0x158: {  	v2 =	vld [tilespmem:s1+$0x4CB0];
	_ =	sdelay $0x4  }
0x159: {  	v2 =	vshrl.u32 v2, $0x8  }
0x15a: {  	v2 =	vand.u32 $0xFF, v2  }
0x15b: {  	(xrf1) =	vunique.msk.u32 $0xffff, v2;
	_ =	sdelay $0xd  }
0x15c: {  	_, v3, vm0 =	vpop (xrf1)  }
0x15d: {  	p0 =	sne.s32 s0, $0xF00  }
.Ltmp4:
0x15e: {  	_ = 	snop;
	(pc) =	sbr.rel @p0 .LBB2_12-.Ltmp4, $2  }
0x15f: {  	_ =	sdelay $0x2  }
0x160: {  	s0 =	sadd.s32 $0x100, s0;
	[tilespmem:v2+s13+$0x0] =	vst.idx.add.s32.msk vm0, v3  }
0x161: {  	v2 =	vld [tilespmem:$0x5900]  }
0x162: {  	v3 =	vld [tilespmem:$0x5910]  }
0x163: {  	v4 =	vld [tilespmem:$0x5920]  }
0x164: {  	v5 =	vld [tilespmem:$0x5930]  }
0x165: {  	v6 =	vld [tilespmem:$0x5940]  }
0x166: {  	v7 =	vld [tilespmem:$0x5950];
	(xrf0) =	vadd.scan.msk.s32 $0xffff, v2  }
0x167: {  	v8 =	vld [tilespmem:$0x5960];
	(xrf0) =	vadd.scan.msk.s32 $0xffff, v3  }
0x168: {  	v9 =	vld [tilespmem:$0x5970];
	(xrf0) =	vadd.scan.msk.s32 $0xffff, v4  }
0x169: {  	v10 =	vld [tilespmem:$0x5980];
	(xrf0) =	vadd.scan.msk.s32 $0xffff, v5  }
0x16a: {  	v11 =	vld [tilespmem:$0x5990];
	(xrf0) =	vadd.scan.msk.s32 $0xffff, v6  }
0x16b: {  	v12 =	vld [tilespmem:$0x59A0];
	(xrf0) =	vadd.scan.msk.s32 $0xffff, v7  }
0x16c: {  	v14 =	vld [tilespmem:$0x59B0];
	v13, _, _ =	vpop (xrf0);
	(xrf0) =	vadd.scan.msk.s32 $0xffff, v8  }
0x16d: {  	v16 =	vld [tilespmem:$0x59C0];
	(v2sf) =	vpush v13, $0xF;
	v15, _, _ =	vpop (xrf0);
	(xrf0) =	vadd.scan.msk.s32 $0xffff, v9  }
0x16e: {  	v18 =	vld [tilespmem:$0x59D0];
	(v2sf) =	vpush v15, $0xF;
	v17, _, _ =	vpop (xrf0);
	(xrf0) =	vadd.scan.msk.s32 $0xffff, v10  }
0x16f: {  	v20 =	vld [tilespmem:$0x59E0];
	(v2sf) =	vpush v17, $0xF;
	v19, _, _ =	vpop (xrf0);
	(xrf0) =	vadd.scan.msk.s32 $0xffff, v11  }
0x170: {  	(v2sf) =	vpush v19, $0xF;
	v21, _, _ =	vpop (xrf0);
	(xrf0) =	vadd.scan.msk.s32 $0xffff, v12  }
0x171: {  	(v2sf) =	vpush v21, $0xF;
	v22, _, _ =	vpop (xrf0);
	(xrf0) =	vadd.scan.msk.s32 $0xffff, v14  }
0x172: {  	(v2sf) =	vpush v22, $0xF;
	v23, _, _ =	vpop (xrf0);
	(xrf0) =	vadd.scan.msk.s32 $0xffff, v16  }
0x173: {  	(v2sf) =	vpush v23, $0xF;
	v24, _, _ =	vpop (xrf0);
	(xrf0) =	vadd.scan.msk.s32 $0xffff, v18  }
0x174: {  	(v2sf) =	vpush v24, $0xF;
	v25, _, _ =	vpop (xrf0);
	(xrf0) =	vadd.scan.msk.s32 $0xffff, v20  }
0x175: {  	v26, _, _ =	vpop (xrf0);
	(v2sf) =	vpush v25, $0xF  }
0x176: {  	v27, _, _ =	vpop (xrf0);
	(v2sf) =	vpush v26, $0xF  }
0x177: {  	v28, _, _ =	vpop (xrf0);
	(v2sf) =	vpush v27, $0xF  }
0x178: {  	v29, _, _ =	vpop (xrf0);
	(v2sf) =	vpush v28, $0xF  }
0x179: {  	v30, _, _ =	vpop (xrf0);
	(v2sf) =	vpush v29, $0xF  }
0x17a: {  	(v2sf) =	vpush v30, $0xF;
	v31, _, _ =	vpop (xrf0)  }
0x17b: {  	v32 =	vbroadcast v13, $0xF;
	(v2sf) =	vpush v31, $0xF  }
0x17c: {  	s0 =	spop (v2sf)  }
0x17d: {  	v2 =	vsub.s32 v13, v2;
	v3 =	vsub.s32 v32, v3;
	s1 =	spop (v2sf)  }
0x17e: {  	[tilespmem:$0x5900] =	vst v2;
	v2 =	vadd.s32 v15, v3;
	v3 =	vsub.s32 v17, v4;
	s0 =	sadd.s32 s0, s1;
	s30 =	spop (v2sf)  }
0x17f: {  	v62 =	vld [tilespmem:$0x59F0];
	[tilespmem:$0x5910] =	vst v2;
	v2 =	vadd.s32 s0, v3;
	s0 =	sadd.s32 s0, s30;
	s31 =	spop (v2sf);
	v3 =	vsub.s32 v19, v5  }
0x180: {  	[tilespmem:$0x5920] =	vst v2;
	v2 =	vsub.s32 v21, v6;
	v3 =	vadd.s32 s0, v3;
	s0 =	sadd.s32 s0, s31;
	s2 =	spop (v2sf)  }
0x181: {  	[tilespmem:$0x5930] =	vst v3;
	v3 =	vsub.s32 v22, v7;
	v2 =	vadd.s32 s0, v2;
	s0 =	sadd.s32 s0, s2;
	s3 =	spop (v2sf)  }
0x182: {  	[tilespmem:$0x5940] =	vst v2;
	v2 =	vsub.s32 v23, v8;
	v3 =	vadd.s32 s0, v3;
	s0 =	sadd.s32 s0, s3;
	s6 =	spop (v2sf)  }
0x183: {  	[tilespmem:$0x5950] =	vst v3;
	v3 =	vsub.s32 v24, v9;
	v2 =	vadd.s32 s0, v2;
	s0 =	sadd.s32 s0, s6;
	s7 =	spop (v2sf)  }
0x184: {  	(xrf0) =	vadd.scan.msk.s32 $0xffff, v62;
	[tilespmem:$0x5960] =	vst v2;
	v2 =	vsub.s32 v25, v10;
	v3 =	vadd.s32 s0, v3;
	s0 =	sadd.s32 s0, s7;
	s8 =	spop (v2sf)  }
0x185: {  	[tilespmem:$0x5970] =	vst v3;
	v3 =	vsub.s32 v26, v11;
	v2 =	vadd.s32 s0, v2;
	s0 =	sadd.s32 s0, s8;
	s9 =	spop (v2sf)  }
0x186: {  	[tilespmem:$0x5980] =	vst v2;
	v2 =	vsub.s32 v27, v12;
	v3 =	vadd.s32 s0, v3;
	s0 =	sadd.s32 s0, s9;
	s22 =	spop (v2sf)  }
0x187: {  	[tilespmem:$0x5990] =	vst v3;
	v3 =	vsub.s32 v28, v14;
	v2 =	vadd.s32 s0, v2;
	s0 =	sadd.s32 s0, s22;
	s28 =	spop (v2sf)  }
0x188: {  	[tilespmem:$0x59A0] =	vst v2;
	v2 =	vsub.s32 v29, v16;
	v3 =	vadd.s32 s0, v3;
	s0 =	sadd.s32 s0, s28;
	s29 =	spop (v2sf)  }
0x189: {  	[tilespmem:$0x59B0] =	vst v3;
	v3 =	vsub.s32 v30, v18;
	v2 =	vadd.s32 s0, v2;
	s0 =	sadd.s32 s0, s29;
	s30 =	spop (v2sf)  }
0x18a: {  	v63, _, _ =	vpop (xrf0);
	[tilespmem:$0x59C0] =	vst v2;
	v2 =	vadd.s32 s0, v3;
	s0 =	sadd.s32 s0, s30;
	v3 =	vsub.s32 v31, v20;
	s31 =	spop (v2sf)  }
0x18b: {  	[tilespmem:$0x59D0] =	vst v2;
	v2 =	vadd.s32 s0, v3;
	s0 =	sadd.s32 s0, s31;
	v3 =	vsub.s32 v63, v62  }
0x18c: {  	[tilespmem:$0x59E0] =	vst v2;
	v2 =	vadd.s32 s0, v3  }
0x18d: {  	s0 =	simm.s32 $0x0;
	[tilespmem:$0x59F0] =	vst v2  }
.LBB2_14:
0x18e: {  	s1 =	sshra.s32 s0, $0x2  }
0x18f: {  	v2 =	vld [tilespmem:s1+$0x4C80];
	_ =	sdelay $0x4  }
0x190: {  	v3 =	vshrl.u32 v2, $0x8  }
0x191: {  	v3 =	vand.u32 $0xFF, v3  }
0x192: {  	(xrf1) =	vunique.msk.u32 $0xffff, v3;
	_ =	sdelay $0x9  }
0x193: {  	v4 =	vld.idx.msk [tilespmem:v3+s13+$0x0], $0xffff;
	_ =	sdelay $0x3  }
0x194: {  	_, v5, vm0 =	vpop (xrf1)  }
0x195: {  	v4 =	vadd.s32 v4, v5  }
0x196: {  	v6 =	vadd.s32 $0xFFFFFFFF, v4  }
0x197: {  	v7 =	vld [tilespmem:s1+$0x5080];
	_ =	sdelay $0x3  }
0x198: {  	[tilespmem:v6+s16+$0x0] =	vst.idx.msk $0xffff, v2  }
0x199: {  	[tilespmem:v6+s17+$0x0] =	vst.idx.msk $0xffff, v7  }
0x19a: {  	[tilespmem:v4+s18+$0x0] =	vst.idx.msk $0xffff, v2  }
0x19b: {  	[tilespmem:v3+s13+$0x0] =	vst.idx.add.s32.msk vm0, v5  }
0x19c: {  	v2 =	vld [tilespmem:s1+$0x4C90];
	_ =	sdelay $0x4  }
0x19d: {  	v3 =	vshrl.u32 v2, $0x8  }
0x19e: {  	v3 =	vand.u32 $0xFF, v3  }
0x19f: {  	(xrf1) =	vunique.msk.u32 $0xffff, v3;
	_ =	sdelay $0x9  }
0x1a0: {  	v4 =	vld.idx.msk [tilespmem:v3+s13+$0x0], $0xffff;
	_ =	sdelay $0x3  }
0x1a1: {  	_, v5, vm0 =	vpop (xrf1)  }
0x1a2: {  	v4 =	vadd.s32 v4, v5  }
0x1a3: {  	v61 =	vadd.s32 $0xFFFFFFFF, v4  }
0x1a4: {  	v7 =	vld [tilespmem:s1+$0x5090];
	_ =	sdelay $0x3  }
0x1a5: {  	[tilespmem:v61+s16+$0x0] =	vst.idx.msk $0xffff, v2  }
0x1a6: {  	[tilespmem:v61+s17+$0x0] =	vst.idx.msk $0xffff, v7  }
0x1a7: {  	[tilespmem:v4+s18+$0x0] =	vst.idx.msk $0xffff, v2  }
0x1a8: {  	[tilespmem:v3+s13+$0x0] =	vst.idx.add.s32.msk vm0, v5  }
0x1a9: {  	v2 =	vld [tilespmem:s1+$0x4CA0];
	_ =	sdelay $0x4  }
0x1aa: {  	v3 =	vshrl.u32 v2, $0x8  }
0x1ab: {  	v3 =	vand.u32 $0xFF, v3  }
0x1ac: {  	(xrf1) =	vunique.msk.u32 $0xffff, v3;
	_ =	sdelay $0x9  }
0x1ad: {  	v4 =	vld.idx.msk [tilespmem:v3+s13+$0x0], $0xffff;
	_ =	sdelay $0x3  }
0x1ae: {  	_, v5, vm0 =	vpop (xrf1)  }
0x1af: {  	v4 =	vadd.s32 v4, v5  }
0x1b0: {  	v62 =	vadd.s32 $0xFFFFFFFF, v4  }
0x1b1: {  	v7 =	vld [tilespmem:s1+$0x50A0];
	_ =	sdelay $0x3  }
0x1b2: {  	[tilespmem:v62+s16+$0x0] =	vst.idx.msk $0xffff, v2  }
0x1b3: {  	[tilespmem:v62+s17+$0x0] =	vst.idx.msk $0xffff, v7  }
0x1b4: {  	[tilespmem:v4+s18+$0x0] =	vst.idx.msk $0xffff, v2  }
0x1b5: {  	[tilespmem:v3+s13+$0x0] =	vst.idx.add.s32.msk vm0, v5  }
0x1b6: {  	v2 =	vld [tilespmem:s1+$0x4CB0];
	_ =	sdelay $0x4  }
0x1b7: {  	v3 =	vshrl.u32 v2, $0x8  }
0x1b8: {  	v3 =	vand.u32 $0xFF, v3  }
0x1b9: {  	(xrf1) =	vunique.msk.u32 $0xffff, v3;
	_ =	sdelay $0x9  }
0x1ba: {  	v4 =	vld.idx.msk [tilespmem:v3+s13+$0x0], $0xffff;
	_ =	sdelay $0x3  }
0x1bb: {  	_, v5, vm0 =	vpop (xrf1)  }
0x1bc: {  	v4 =	vadd.s32 v4, v5  }
0x1bd: {  	v63 =	vadd.s32 $0xFFFFFFFF, v4  }
0x1be: {  	v7 =	vld [tilespmem:s1+$0x50B0];
	_ =	sdelay $0x1  }
0x1bf: {  	p0 =	sne.s32 s0, $0xF00  }
.Ltmp5:
0x1c0: {  	_ = 	snop;
	(pc) =	sbr.rel @p0 .LBB2_14-.Ltmp5, $4  }
0x1c1: {  	[tilespmem:v63+s16+$0x0] =	vst.idx.msk $0xffff, v2  }
0x1c2: {  	[tilespmem:v63+s17+$0x0] =	vst.idx.msk $0xffff, v7  }
0x1c3: {  	[tilespmem:v4+s18+$0x0] =	vst.idx.msk $0xffff, v2  }
0x1c4: {  	s0 =	sadd.s32 $0x100, s0;
	[tilespmem:v3+s13+$0x0] =	vst.idx.add.s32.msk vm0, v5  }
0x1c5: {  	s0 =	sor.u32 s24, s26  }
0x1c6: {  	v2 =	vmov s0  }
0x1c7: {  	s1 =	simm.s32 $0x0  }
0x1c8: {  	v5 =	vld [tilespmem:s1+$0x4880]  }
0x1c9: {  	v8 =	vld [tilespmem:s1+$0x48A0]  }
0x1ca: {  	v7 =	vld [tilespmem:s1+$0x4890]  }
0x1cb: {  	v3 =	vld.idx.msk [tilespmem:v2+s10+$0x0], $0xffff  }
0x1cc: {  	v9 =	vld [tilespmem:s1+$0x44B0]  }
0x1cd: {  	v4 =	vmov s26;
	v10 =	vld [tilespmem:s1+$0x54B0]  }
0x1ce: {  	v4 =	vshll.u32 v4, $0x7;
	v12 =	vld [tilespmem:s1+$0x48B0]  }
0x1cf: {  	v16 =	vld [tilespmem:s1+$0x44A0];
	v4 =	vand.u32 $0x380, v4;
	v11 =	vshll.u32 v5, $0x3  }
0x1d0: {  	v18 =	vld [tilespmem:s1+$0x4480];
	v4 =	vbroadcast v4, $0x0;
	v5 =	vand.u32 $0x7F, v5;
	v11 =	vand.u32 $0xFFFFFC00, v11  }
0x1d1: {  	v15 =	vld [tilespmem:s1+$0x5480];
	v13 =	vshll.u32 v8, $0x3;
	v5 =	vor.u32 v11, v5;
	v11 =	vshll.u32 v7, $0x3  }
0x1d2: {  	v19 =	vld [tilespmem:s1+$0x4490];
	v14 =	vor.u32 v4, v5;
	v5 =	vand.u32 $0x7F, v7;
	v11 =	vand.u32 $0xFFFFFC00, v11  }
0x1d3: {  	v8 =	vand.u32 $0x7F, v8;
	v5 =	vor.u32 v11, v5;
	v11 =	vand.u32 $0xFFFFFC00, v13;
	v3 =	vld.idx.msk [tilespmem:v3+s19+$0x0], $0xffff  }
0x1d4: {  	v21 =	vld [tilespmem:s1+$0x5490];
	v20 =	vor.u32 v4, v5;
	v5 =	vor.u32 v11, v8;
	v8 =	vshll.u32 v12, $0x3  }
0x1d5: {  	s0 =	simm.s32 $0x40;
	v7 =	vld [tilespmem:s1+$0x54A0];
	v11 =	vand.u32 $0x7F, v12;
	v8 =	vand.u32 $0xFFFFFC00, v8  }
0x1d6: {  	v12 =	vshll.u32 v15, $0x10;
	v15 =	vld [tilespmem:s0+$0x4880];
	v22 =	vor.u32 v4, v5;
	v8 =	vor.u32 v8, v11  }
0x1d7: {  	v6 =	vimm.f32 $0.0e+00;
	v5 =	vld [tilespmem:s0+$0x48A0];
	v13 =	vor.u32 v4, v8;
	v8 =	vshll.u32 v18, $0x10  }
0x1d8: {  	v10 =	vshll.u32 v10, $0x10;
	v11 =	vld.idx.msk [tilespmem:v14+s12+$0x0], $0xffff;
	v17 =	vsub.f32 v12, v8;
	v3 =	vshrl.u32 v3, $0x10  }
0x1d9: {  	v8 =	vimm.f32 $0.0e+00;
	vm0 =	vgt.s32 v9, v3;
	vm1 =	vgt.s32 v16, v3  }
0x1da: {  	v14 =	vld.idx.msk [tilespmem:v20+s12+$0x0], $0xffff;
	v9 =	vshll.u32 v9, $0x10;
	vm2 =	vgt.s32 v19, v3;
	v16 =	vshll.u32 v16, $0x10  }
0x1db: {  	s1 =	simm.s32 $0x200;
	v12 =	vld.idx.msk [tilespmem:v22+s12+$0x0], $0xffff;
	vm3 =	vgt.s32 v18, v3;
	v18 =	vshll.u32 v19, $0x10;
	v19 =	vshll.u32 v21, $0x10  }
.LBB2_16:
0x1dc: {  	p0 =	sne.s32 s1, $0xF00;
	v20 =	vld [tilespmem:s0+$0x4890];
	v17 =	vnsel vm3, $0x0, v17;
	v18 =	vsub.f32 v19, v18;
	v7 =	vshll.u32 v7, $0x10  }
0x1dd: {  	v21 =	vshll.u32 v5, $0x3;
	v19 =	vand.u32 $0x7F, v15;
	v11 =	vmul.f32 v17, v11;
	v13 =	vld.idx.msk [tilespmem:v13+s12+$0x0], $0xffff  }
0x1de: {  	v15 =	vshll.u32 v15, $0x3;
	v7 =	vsub.f32 v7, v16;
	v18 =	vnsel vm2, $0x0, v18  }
0x1df: {  	v8 =	vadd.f32 v17, v8;
	v16 =	vld [tilespmem:s0+$0x44B0];
	v6 =	vadd.f32 v11, v6;
	v11 =	vmul.f32 v18, v14  }
0x1e0: {  	v14 =	vand.u32 $0xFFFFFC00, v15;
	v15 =	vnsel vm1, $0x0, v7;
	v7 =	vsub.f32 v10, v9;
	v17 =	vld [tilespmem:s0+$0x54B0]  }
0x1e1: {  	v8 =	vadd.f32 v18, v8;
	v9 =	vmul.f32 v15, v12;
	v22 =	vld [tilespmem:s0+$0x44A0];
	v6 =	vadd.f32 v11, v6  }
0x1e2: {  	v10 =	vor.u32 v14, v19;
	v11 =	vshll.u32 v20, $0x3;
	v14 =	vnsel vm0, $0x0, v7;
	v12 =	vld [tilespmem:s0+$0x48B0]  }
0x1e3: {  	v8 =	vadd.f32 v15, v8;
	v7 =	vld [tilespmem:s0+$0x54A0];
	v6 =	vadd.f32 v9, v6;
	v9 =	vmul.f32 v14, v13  }
0x1e4: {  	v10 =	vor.u32 v4, v10;
	v11 =	vand.u32 $0xFFFFFC00, v11;
	v13 =	vand.u32 $0x7F, v20;
	v18 =	vld [tilespmem:s0+$0x4490]  }
0x1e5: {  	v8 =	vadd.f32 v14, v8;
	v11 =	vor.u32 v11, v13;
	v19 =	vld [tilespmem:s0+$0x4480];
	v6 =	vadd.f32 v9, v6  }
0x1e6: {  	v5 =	vand.u32 $0x7F, v5;
	v20 =	vor.u32 v4, v11;
	v9 =	vand.u32 $0xFFFFFC00, v21;
	v14 =	vld [tilespmem:s0+$0x5480]  }
0x1e7: {  	v9 =	vor.u32 v9, v5;
	v21 =	vld [tilespmem:s0+$0x5490];
	s0 =	sshra.s32 s1, $0x2;
	v11 =	vshll.u32 v12, $0x3  }
0x1e8: {  	v23 =	vor.u32 v4, v9;
	v9 =	vand.u32 $0x7F, v12;
	v5 =	vld [tilespmem:s0+$0x48A0];
	v12 =	vand.u32 $0xFFFFFC00, v11  }
.Ltmp6:
0x1e9: {  	vm0 =	vgt.s32 v16, v3;
	v11 =	vld.idx.msk [tilespmem:v10+s12+$0x0], $0xffff;
	v9 =	vor.u32 v12, v9;
	(pc) =	sbr.rel @p0 .LBB2_16-.Ltmp6, $4  }
0x1ea: {  	vm1 =	vgt.s32 v22, v3;
	v15 =	vld [tilespmem:s0+$0x4880];
	v13 =	vor.u32 v4, v9;
	v9 =	vshll.u32 v16, $0x10  }
0x1eb: {  	v10 =	vshll.u32 v17, $0x10;
	v12 =	vshll.u32 v19, $0x10;
	v16 =	vshll.u32 v14, $0x10;
	v14 =	vld.idx.msk [tilespmem:v20+s12+$0x0], $0xffff  }
0x1ec: {  	vm2 =	vgt.s32 v18, v3;
	v17 =	vsub.f32 v16, v12;
	v16 =	vshll.u32 v22, $0x10  }
0x1ed: {  	s1 =	sadd.s32 $0x100, s1;
	v18 =	vshll.u32 v18, $0x10;
	vm3 =	vgt.s32 v19, v3;
	v19 =	vshll.u32 v21, $0x10;
	v12 =	vld.idx.msk [tilespmem:v23+s12+$0x0], $0xffff  }
0x1ee: {  	_ = 	snop  }
0x1ef: {  	v17 =	vnsel vm3, $0x0, v17;
	v18 =	vsub.f32 v19, v18  }
0x1f0: {  	v31 =	vld [tilespmem:s0+$0x4890];
	v7 =	vshll.u32 v7, $0x10;
	v34 =	vshll.u32 v5, $0x3;
	v9 =	vsub.f32 v10, v9  }
0x1f1: {  	v44 =	vand.u32 $0x7F, v5;
	v20 =	vand.u32 $0x7F, v15;
	v11 =	vmul.f32 v17, v11  }
0x1f2: {  	v13 =	vld.idx.msk [tilespmem:v13+s12+$0x0], $0xffff;
	v32 =	vshll.u32 v15, $0x3;
	v7 =	vsub.f32 v7, v16;
	v8 =	vadd.f32 v17, v8  }
0x1f3: {  	v35 =	vld [tilespmem:s0+$0x44B0];
	v18 =	vnsel vm2, $0x0, v18;
	v15 =	vand.u32 $0xFFFFFC00, v32;
	v6 =	vadd.f32 v11, v6  }
0x1f4: {  	v36 =	vld [tilespmem:s0+$0x48B0];
	v33 =	vmul.f32 v18, v14;
	v7 =	vnsel vm1, $0x0, v7;
	v15 =	vor.u32 v15, v20  }
0x1f5: {  	v37 =	vld [tilespmem:s0+$0x44A0];
	v12 =	vmul.f32 v7, v12;
	v15 =	vor.u32 v4, v15;
	v38 =	vshll.u32 v31, $0x3  }
0x1f6: {  	v40 =	vld [tilespmem:s0+$0x4480];
	v6 =	vadd.f32 v33, v6;
	v39 =	vand.u32 $0x7F, v31;
	v17 =	vand.u32 $0xFFFFFC00, v38  }
0x1f7: {  	v42 =	vld [tilespmem:s0+$0x5480];
	v9 =	vnsel vm0, $0x0, v9;
	v8 =	vadd.f32 v18, v8;
	v41 =	vor.u32 v17, v39  }
0x1f8: {  	v43 =	vld [tilespmem:s0+$0x4490];
	v14 =	vand.u32 $0xFFFFFC00, v34;
	v6 =	vadd.f32 v12, v6;
	v12 =	vor.u32 v4, v41  }
0x1f9: {  	v45 =	vld [tilespmem:s0+$0x5490];
	v5 =	vor.u32 v14, v44;
	v13 =	vmul.f32 v9, v13;
	v46 =	vshll.u32 v36, $0x3  }
0x1fa: {  	v21 =	vld [tilespmem:s0+$0x54A0];
	v5 =	vor.u32 v4, v5;
	v10 =	vand.u32 $0x7F, v36;
	v14 =	vand.u32 $0xFFFFFC00, v46  }
0x1fb: {  	v7 =	vadd.f32 v7, v8;
	v50 =	vshll.u32 v40, $0x10;
	v10 =	vor.u32 v14, v10;
	v47 =	vld.idx.msk [tilespmem:v15+s12+$0x0], $0xffff  }
0x1fc: {  	v48 =	vld [tilespmem:s0+$0x54B0];
	v51 =	vshll.u32 v42, $0x10;
	vm12 =	vgt.s32 v37, v3;
	v49 =	vor.u32 v4, v10  }
0x1fd: {  	vm13 =	vgt.s32 v40, v3;
	v53 =	vshll.u32 v43, $0x10;
	v10 =	vsub.f32 v51, v50;
	v52 =	vld.idx.msk [tilespmem:v12+s12+$0x0], $0xffff  }
0x1fe: {  	v54 =	vshll.u32 v45, $0x10;
	vm14 =	vgt.s32 v43, v3;
	v11 =	vshll.u32 v37, $0x10  }
0x1ff: {  	v55 =	vshll.u32 v21, $0x10;
	v5 =	vld.idx.msk [tilespmem:v5+s12+$0x0], $0xffff;
	v10 =	vnsel vm13, $0x0, v10;
	v12 =	vsub.f32 v54, v53  }
0x200: {  	v56 =	vshll.u32 v35, $0x10;
	v6 =	vadd.f32 v13, v6;
	v8 =	vmul.f32 v10, v47  }
0x201: {  	v11 =	vsub.f32 v55, v11;
	v7 =	vadd.f32 v9, v7;
	v4 =	vld.idx.msk [tilespmem:v49+s12+$0x0], $0xffff;
	v12 =	vnsel vm14, $0x0, v12  }
0x202: {  	v13 =	vshll.u32 v48, $0x10;
	v6 =	vadd.f32 v8, v6;
	v57 =	vmul.f32 v12, v52  }
0x203: {  	v58 =	vnsel vm12, $0x0, v11;
	v59 =	vsub.f32 v13, v56;
	v7 =	vadd.f32 v10, v7  }
0x204: {  	vm15 =	vgt.s32 v35, v3;
	v5 =	vmul.f32 v58, v5;
	v3 =	vadd.f32 v57, v6  }
0x205: {  	v61 =	vnsel vm15, $0x0, v59;
	v60 =	vadd.f32 v12, v7  }
0x206: {  	v4 =	vmul.f32 v61, v4;
	v3 =	vadd.f32 v5, v3  }
0x207: {  	v62 =	vadd.f32 v58, v60  }
0x208: {  	v3 =	vadd.f32 v4, v3  }
0x209: {  	v63 =	vadd.f32 v61, v62  }
0x20a: {  	(xrf2) =	vadd.scan.msk.f32 $0xffff, v3  }
0x20b: {  	(xrf2) =	vadd.scan.msk.f32 $0xffff, v63;
	_ =	sdelay $0x8  }
0x20c: {  	s26 =	sadd.s32 $0x1, s26;
	v3, _, _ =	vpop (xrf2)  }
0x20d: {  	p0 =	sne.s32 s26, $0x8;
	v3 =	vadd.f32 $0.0e+00, v3;
	v4, _, _ =	vpop (xrf2)  }
.Ltmp7:
0x20e: {  	v4 =	vadd.f32 $0.0e+00, v4;
	(pc) =	sbr.rel @p0 .LBB2_3-.Ltmp7, $4  }
0x20f: {  	v3 =	vbroadcast v3, $0xF  }
0x210: {  	v4 =	vbroadcast v4, $0xF  }
0x211: {  	[tilespmem:v2+s20+$0x0] =	vst.idx.msk $0x1, v3  }
0x212: {  	[tilespmem:v2+s21+$0x0] =	vst.idx.msk $0x1, v4  }
0x213: {  	s23 =	sadd.s32 $0x1, s23  }
0x214: {  	p0 =	sne.s32 s23, $0x10  }
.Ltmp8:
0x215: {  	_ = 	snop;
	(pc) =	sbr.rel @p0 .LBB2_2-.Ltmp8, $1  }
0x216: {  	_ =	sdelay $0x3  }
0x217: {  	s8 =	simm.s32 $0x0;
	s0 =	rddreg [dreg:$0x5]  }
0x218: {  	[hbm4b:s0+s8] =	stream.linear.scatter [tilespmem:s20], [sflag:$0x1], $0x80, $0x38;
	[tilespmem:$0x5B00] =	vst v63  }
0x219: {  	_ =	swait.ge [sflag:s11], $0x80  }
0x21a: {  	[sflag:s11] =	ssyncset.done $0x0  }
0x21b: {  	s30 =	rddreg [dreg:$0x6];
	[sflag:s11] =	ssyncadd.s32 $0xFFFFFF80  }
0x21c: {  	[hbm4b:s30+s8] =	stream.linear.scatter [tilespmem:s21], [sflag:$0x1], $0x80, $0x38;
	[tilespmem:$0x5B00] =	vst v63  }
0x21d: {  	_ =	swait.ge [sflag:s11], $0x80  }
0x21e: {  	s1 =	rddreg [dreg:$0x8]  }
0x21f: {  	s31 =	rddreg [dreg:$0x7];
	s1 =	sadd.s32 $0x1, s1  }
0x220: {  	p0 =	sne.s32 s1, s31  }
.Ltmp9:
0x221: {  	_ = 	snop;
	(pc) =	sbr.rel @p0 .LBB2_1-.Ltmp9, $3  }
0x222: {  	_ =	sdelay $0x1  }
0x223: {  	[sflag:s11] =	ssyncset.done $0x0  }
0x224: {  	[sflag:s11] =	ssyncadd.s32 $0xFFFFFF80  }
0x225: {  	_ =	sfence.sel $0x180000  }
0x226: {  	[bflag:$0x0] =	sbarrier.arrive $0xFFFF  }
0x227: {  	_ =	strace $0x90000047  }
0x228: {  	s0 =	stileid.u32;
	[bflag:$0x2] =	sbarrier.arrive $0xFFFF  }
0x229: {  	p0 =	sne.s32 s0, $0x0;
	s0 =	rddreg [dreg:$0x2]  }
0x22a: {  	s0 =	sadd.s32 @!p0 $0x100000, s0  }
0x22b: {  	[sflag:s0] =	ssyncadd.tile.s32 @!p0 $0x1;
	_ =	shalt  }
.Lfunc_end2:
_tile_overlayer_lowered:
.L_overlay_start_2:
0x22c: {  	(tag) =	ssettag $0x2  }
0x22d: {  	s0 =	rddreg [dreg:$0x0];
	s2 =	stileid.u32  }
0x22e: {  	s1 =	rddreg [dreg:$0x1];
	p0 =	sne.s32 s2, $0x0  }
0x22f: {  	s3 =	rddreg [dreg:$0x2];
	[bflag:$0x3] =	sbarrier.arrive $0xFFFF;
	s2 =	simm.s32 @!p0 $0x1C01  }
0x230: {  	[timem:s3], [sflag:s2] =	dma.local @!p0 [hbm:s0], s1  }
0x231: {  	s0 =	simm.s32 @!p0 $0x1  }
0x232: {  	_ =	swait.ge @!p0 [sflag:s0], s1  }
0x233: {  	s1 =	ssub.s32 @!p0 $0x0, s1;
	[sflag:s0] =	ssyncset.done @!p0 $0x0  }
0x234: {  	[sflag:s0] =	ssyncadd.s32 @!p0 s1  }
0x235: {  	[bflag:$0x3] =	sbarrier.arrive $0xFFFF  }
0x236: {  	_ =	shalt  }

</sc_bundles>
